<compile_context>
chip_gen: v7x
topology: tpu7x:2x2x1
jax: 0.10.2.dev20260603
libtpu: 0.0.44.dev20260713+nightly
codegen_flags: <defaults>
</compile_context>

<pallas_src>
import functools

import jax
import jax.numpy as jnp
from jax import lax
from jax.experimental import pallas as pl
from jax.experimental.pallas import tpu as pltpu
from jax.experimental.pallas import tpu_sc as plsc

N = 10000
N_PAD = 10240
E = 320000
IN_DIM = 128
HID = 32
G = 64

NC = 2
NS = 16
NW = NC * NS
EPW = E // NW
CH = 80
NCHUNK = EPW // CH

_HI = jax.lax.Precision.HIGHEST


def _dot(a, b):
    return jnp.dot(a, b, preferred_element_type=jnp.float32, precision=_HI)


def _dot_fast(a, b):
    return jnp.dot(a, b, preferred_element_type=jnp.float32,
                   precision=jax.lax.Precision.DEFAULT)


BE_PACK = 1600


def _edge_proj(edge_attr, wes, bes):
    BE = BE_PACK
    dims = [w.shape[1] for w in wes]

    def body(ea, w1, b1, w2, b2, w3, b3, o1, o2, o3):
        a = ea[...]
        e_full = _dot_fast(a, w1[...]) + b1[...]
        for h in range(2):
            eh = e_full[:, 64 * h: 64 * h + 64]
            o1[h] = jnp.concatenate([eh[:800], eh[800:]], axis=1)
        e2f = _dot_fast(a, w2[...]) + b2[...]
        o2[...] = jnp.concatenate(
            [e2f[400 * p: 400 * p + 400] for p in range(4)], axis=1)
        e3f = _dot_fast(a, w3[...]) + b3[...]
        o3[...] = jnp.concatenate(
            [e3f[400 * p: 400 * p + 400] for p in range(4)], axis=1)

    w_specs = []
    for d in dims:
        w_specs.append(pl.BlockSpec((16, d), lambda i: (0, 0)))
        w_specs.append(pl.BlockSpec((1, d), lambda i: (0, 0)))
    out_specs = [pl.BlockSpec((2, BE // 2, 128), lambda i: (0, i, 0)),
                 pl.BlockSpec((BE // 4, 128), lambda i: (i, 0)),
                 pl.BlockSpec((BE // 4, 128), lambda i: (i, 0))]
    out_shape = [jax.ShapeDtypeStruct((2, E // 2, 128), jnp.float32),
                 jax.ShapeDtypeStruct((E // 4, 128), jnp.float32),
                 jax.ShapeDtypeStruct((E // 4, 128), jnp.float32)]
    return pl.pallas_call(
        body,
        grid=(E // BE,),
        in_specs=[pl.BlockSpec((BE, 16), lambda i: (i, 0))] + w_specs,
        out_specs=out_specs,
        out_shape=out_shape,
    )(edge_attr, wes[0], bes[0], wes[1], bes[1], wes[2], bes[2])


def _sc_aggr(hs, es, src3, dst3, zeros, de, colsplit):
    mesh = plsc.VectorSubcoreMesh(core_axis_name="c", subcore_axis_name="s")
    rows_per_sub = N_PAD // NS
    epw = E // NS if colsplit else E // NW
    nchunk = epw // CH

    @functools.partial(
        pl.kernel,
        out_type=jax.ShapeDtypeStruct((NC, N_PAD, de), jnp.float32),
        mesh=mesh,
        scratch_types=[
            pltpu.VMEM((nchunk, CH), jnp.int32),
            pltpu.VMEM((nchunk, CH), jnp.int32),
            pltpu.VMEM((CH, de), jnp.float32),
            pltpu.VMEM((CH, de), jnp.float32),
            pltpu.VMEM((CH, de), jnp.float32),
            pltpu.VMEM((CH, de), jnp.float32),
            pltpu.VMEM((CH, de), jnp.float32),
            pltpu.VMEM((CH, de), jnp.float32),
            pltpu.VMEM_SHARED((N_PAD, de), jnp.float32),
            pltpu.SemaphoreType.DMA,
            pltpu.SemaphoreType.DMA,
            pltpu.SemaphoreType.DMA,
            pltpu.SemaphoreType.DMA,
            pltpu.SemaphoreType.DMA,
            pltpu.SemaphoreType.DMA,
        ],
        compiler_params=pltpu.CompilerParams(use_tc_tiling_on_sc=False),
    )
    def k(h_hbm, e_hbm, src_hbm, dst_hbm, z_hbm, out_hbm,
          src2d, dst2d, e0, e1, g0, g1, m0, m1, acc,
          se0, se1, sg0, sg1, ss0, ss1):
        cid = lax.axis_index("c")
        sid = lax.axis_index("s")
        if colsplit:
            h_ref = h_hbm.at[cid]
            e_ref = e_hbm.at[cid]
            task = sid
        else:
            h_ref = h_hbm
            e_ref = e_hbm
            task = sid * NC + cid
        r0 = pl.multiple_of(sid * rows_per_sub, 8)
        pltpu.sync_copy(z_hbm.at[pl.ds(r0, rows_per_sub)],
                        acc.at[pl.ds(r0, rows_per_sub)])
        pltpu.sync_copy(src_hbm.at[task], src2d)
        pltpu.sync_copy(dst_hbm.at[task], dst2d)
        plsc.subcore_barrier()

        base_w = task * epw
        part = BE_PACK * de // 128

        def issue(c, ev, gv, se, sg):
            base = base_w + c * CH
            q = base // BE_PACK
            off = base - q * BE_PACK
            p = off // part
            erow = pl.multiple_of(q * part + off - p * part, 8)
            col0 = pl.multiple_of(p * de, 8)
            pltpu.async_copy(e_ref.at[pl.ds(erow, CH), pl.ds(col0, de)], ev, se)
            pltpu.async_copy(h_ref.at[src2d.at[c]], gv, sg)

        def process(c, ev, gv, mv, se, sg, ss):
            pltpu.make_async_copy(
                e_ref.at[pl.ds(0, CH), pl.ds(0, de)], ev, se).wait()
            pltpu.make_async_copy(h_ref.at[src2d.at[0]], gv, sg).wait()

            @pl.when(c >= 2)
            def _():
                pltpu.make_async_copy(mv, acc.at[dst2d.at[0]], ss).wait()

            def row(i, carry2):
                for j in range(de // 16):
                    s = pl.ds(j * 16, 16)
                    mv[i, s] = jnp.maximum(gv[i, s] + ev[i, s], 0.0)
                return carry2

            lax.fori_loop(0, CH, row, 0)
            pltpu.async_copy(mv, acc.at[dst2d.at[c]], ss, add=True)

            @pl.when(c <= nchunk - 3)
            def _():
                issue(c + 2, ev, gv, se, sg)

        issue(0, e0, g0, se0, sg0)
        issue(1, e1, g1, se1, sg1)

        def pair(t, carry):
            process(2 * t, e0, g0, m0, se0, sg0, ss0)

            @pl.when(2 * t + 1 < nchunk)
            def _():
                process(2 * t + 1, e1, g1, m1, se1, sg1, ss1)

            return carry

        lax.fori_loop(0, (nchunk + 1) // 2, pair, 0)
        pltpu.make_async_copy(m0, acc.at[dst2d.at[0]], ss0).wait()
        pltpu.make_async_copy(m1, acc.at[dst2d.at[0]], ss1).wait()
        plsc.subcore_barrier()
        pltpu.sync_copy(acc.at[pl.ds(r0, rows_per_sub)],
                        out_hbm.at[cid, pl.ds(r0, rows_per_sub)])

    return k(hs, es, src3, dst3, zeros)


def _mlp(h, aggr, w1, b1, w2, b2, gamma, beta, colsplit):
    def body(h_ref, a_ref, w1r, b1r, w2r, b2r, g, b, o):
        if colsplit:
            aggr_full = jnp.concatenate([a_ref[0, :N], a_ref[1, :N]], axis=-1)
        else:
            aggr_full = a_ref[0, :N] + a_ref[1, :N]
        z = h_ref[...] + aggr_full
        z1 = jnp.maximum(_dot(z, w1r[...]) + b1r[...], 0.0)
        z2 = _dot(z1, w2r[...]) + b2r[...]
        m = jnp.mean(z2, axis=0, keepdims=True)
        v = jnp.mean((z2 - m) ** 2, axis=0, keepdims=True)
        zn = (z2 - m) / jnp.sqrt(v + 1e-5) * g[...] + b[...]
        o[...] = jnp.maximum(zn, 0.0)

    return pl.pallas_call(
        body,
        out_shape=jax.ShapeDtypeStruct((N, HID), jnp.float32),
    )(h, aggr, w1, b1, w2, b2, gamma, beta)


def _mlp_pool(h, aggr, w1, b1, w2, b2, gamma, beta, h1, h2, batch2d):
    def body(h_ref, a_ref, w1r, b1r, w2r, b2r, gr, br, h1r, h2r, bt, o):
        z = h_ref[...] + a_ref[0, :N] + a_ref[1, :N]
        z1 = jnp.maximum(_dot(z, w1r[...]) + b1r[...], 0.0)
        z2 = _dot(z1, w2r[...]) + b2r[...]
        m = jnp.mean(z2, axis=0, keepdims=True)
        v = jnp.mean((z2 - m) ** 2, axis=0, keepdims=True)
        zn = (z2 - m) / jnp.sqrt(v + 1e-5) * gr[...] + br[...]
        h3 = jnp.maximum(zn, 0.0)
        ids = lax.broadcasted_iota(jnp.int32, (G, N), 0)
        p = (ids == bt[...]).astype(jnp.float32)
        o[:, 0:HID] = _dot(p, h1r[...])
        o[:, HID:2 * HID] = _dot(p, h2r[...])
        o[:, 2 * HID:3 * HID] = _dot(p, h3)

    return pl.pallas_call(
        body,
        out_shape=jax.ShapeDtypeStruct((G, 3 * HID), jnp.float32),
    )(h, aggr, w1, b1, w2, b2, gamma, beta, h1, h2, batch2d)


def kernel(x, edge_index, batch, edge_attr, params):
    src_w = edge_index[0].reshape(NW, EPW // CH, CH)
    dst_w = edge_index[1].reshape(NW, EPW // CH, CH)
    src_s = edge_index[0].reshape(NS, E // NS // CH, CH)
    dst_s = edge_index[1].reshape(NS, E // NS // CH, CH)
    batch2d = batch.reshape(1, N)
    zeros64 = jnp.zeros((N_PAD, IN_DIM // 2), jnp.float32)
    zeros32 = jnp.zeros((N_PAD, HID), jnp.float32)
    xs = jnp.stack([x[:, : IN_DIM // 2], x[:, IN_DIM // 2:]])

    wes = [p["We"].astype(jnp.float32) for p in params]
    bes = [p["be"].reshape(1, -1) for p in params]
    e1, e2, e3 = _edge_proj(edge_attr, wes, bes)

    p0, p1, p2 = params
    a1 = _sc_aggr(xs, e1, src_s, dst_s, zeros64, IN_DIM // 2, True)
    h1 = _mlp(x, a1, p0["W1"], p0["b1"].reshape(1, -1), p0["W2"],
              p0["b2"].reshape(1, -1), p0["gamma"].reshape(1, -1),
              p0["beta"].reshape(1, -1), True)
    a2 = _sc_aggr(h1, e2, src_w, dst_w, zeros32, HID, False)
    h2 = _mlp(h1, a2, p1["W1"], p1["b1"].reshape(1, -1), p1["W2"],
              p1["b2"].reshape(1, -1), p1["gamma"].reshape(1, -1),
              p1["beta"].reshape(1, -1), False)
    a3 = _sc_aggr(h2, e3, src_w, dst_w, zeros32, HID, False)
    out = _mlp_pool(h2, a3, p2["W1"], p2["b1"].reshape(1, -1), p2["W2"],
                    p2["b2"].reshape(1, -1), p2["gamma"].reshape(1, -1),
                    p2["beta"].reshape(1, -1), h1, h2, batch2d)
    return out

# --- scband reference (transcript-rebuilt; emitter-appended) ---
"""Pipeline reference for scband-graph-clmodel-72086731096838 (READ-ONLY COPY).

The authoritative reference and input builder live on the scoring server;
editing this copy changes nothing except your own understanding.
"""

import jax, jax.numpy as jnp
import numpy as np

N = 10000
E = 320000
IN_DIM = 128
HID = 32
L = 3
EDGE_DIM = 16
G = 64


def _init_params(key):
    params = []
    in_d = IN_DIM
    for l in range(L):
        keys = jax.random.split(jax.random.fold_in(key, l), 3)
        s_e = 1.0 / np.sqrt(EDGE_DIM)
        s1 = 1.0 / np.sqrt(in_d)
        s2 = 1.0 / np.sqrt(HID)
        layer = {
            "We": jax.random.uniform(keys[0], (EDGE_DIM, in_d), minval=-s_e, maxval=s_e, dtype=jnp.float32),
            "be": jnp.zeros((in_d,), dtype=jnp.float32),
            "W1": jax.random.uniform(keys[1], (in_d, HID), minval=-s1, maxval=s1, dtype=jnp.float32),
            "b1": jnp.zeros((HID,), dtype=jnp.float32),
            "W2": jax.random.uniform(keys[2], (HID, HID), minval=-s2, maxval=s2, dtype=jnp.float32),
            "b2": jnp.zeros((HID,), dtype=jnp.float32),
            "gamma": jnp.ones((HID,), dtype=jnp.float32),
            "beta": jnp.zeros((HID,), dtype=jnp.float32),
        }
        params.append(layer)
        in_d = HID
    return params


def setup_inputs(seed: int = 0):
    key = jax.random.key(seed)
    k1, k2, k3, k4, k5 = jax.random.split(key, 5)
    x = jax.random.normal(k1, (N, IN_DIM), dtype=jnp.float32)
    edge_index = jax.random.randint(k2, (2, E), 0, N, dtype=jnp.int32)
    batch = jnp.sort(jax.random.randint(k3, (N,), 0, G, dtype=jnp.int32))
    edge_attr = jax.random.normal(k4, (E, EDGE_DIM), dtype=jnp.float32)
    params = _init_params(k5)
    return {"x": x, "edge_index": edge_index, "batch": batch, "edge_attr": edge_attr, "params": params}


def _gine_encoder(x, edge_attr, params, edge_index, batch):
    # GINE encoder: per-layer GINEConv (edge_attr projected to node dim, relu(x_j + e)
    # messages, sum-aggregated), 2-layer MLP update, BatchNorm, ReLU.
    # Node embeddings from all layers are concatenated and sum-pooled per graph.
    src = edge_index[0]
    dst = edge_index[1]
    h = x
    xs = []
    for layer in params:
        e = jnp.dot(edge_attr, layer["We"]) + layer["be"]
        m = jax.nn.relu(h[src] + e)
        aggr = jax.ops.segment_sum(m, dst, num_segments=N)
        z = h + aggr  # (1 + eps) * x with eps = 0 (GINEConv default)
        z = jax.nn.relu(jnp.dot(z, layer["W1"]) + layer["b1"])
        z = jnp.dot(z, layer["W2"]) + layer["b2"]
        mean = jnp.mean(z, axis=0)
        var = jnp.var(z, axis=0)
        z = (z - mean) / jnp.sqrt(var + 1e-5) * layer["gamma"] + layer["beta"]
        h = jax.nn.relu(z)
        xs.append(h)
    node_z = jnp.concatenate(xs, axis=1)
    graph_z = jax.ops.segment_sum(node_z, batch, num_segments=G)
    return graph_z


def reference(x, edge_index, batch, edge_attr, params):
    # GraphCLModel.forward == encode_graph: returns graph-level embedding [G, HID*L]
    return _gine_encoder(x, edge_attr, params, edge_index, batch)

if __name__ == "__main__":
    import jax
    _d = setup_inputs()
    print(jax.jit(kernel)(*tuple(_d.values())))

</pallas_src>

<mosaic_0001>
#map = affine_map<(d0, d1) -> (0, 0)>
#map1 = affine_map<(d0, d1) -> (0, 0, 0)>
module attributes {stable_mosaic.version = 14 : i64} {
  func.func @k(%arg0: i32, %arg1: i32, %arg2: memref<10000x32xf32, #tpu.memory_space<hbm>>, %arg3: memref<80000x128xf32, #tpu.memory_space<hbm>>, %arg4: memref<32x125x80xi32, #tpu.memory_space<hbm>>, %arg5: memref<32x125x80xi32, #tpu.memory_space<hbm>>, %arg6: memref<10240x32xf32, #tpu.memory_space<hbm>>, %arg7: memref<2x10240x32xf32, #tpu.memory_space<hbm>>, %arg8: memref<125x80xi32, #tpu.memory_space<vmem>>, %arg9: memref<125x80xi32, #tpu.memory_space<vmem>>, %arg10: memref<80x32xf32, #tpu.memory_space<vmem>>, %arg11: memref<80x32xf32, #tpu.memory_space<vmem>>, %arg12: memref<80x32xf32, #tpu.memory_space<vmem>>, %arg13: memref<80x32xf32, #tpu.memory_space<vmem>>, %arg14: memref<80x32xf32, #tpu.memory_space<vmem>>, %arg15: memref<80x32xf32, #tpu.memory_space<vmem>>, %arg16: memref<10240x32xf32, #tpu.memory_space<vmem_shared>>, %arg17: memref<!tpu.dma_semaphore, #tpu.memory_space<semaphore_mem>>, %arg18: memref<!tpu.dma_semaphore, #tpu.memory_space<semaphore_mem>>, %arg19: memref<!tpu.dma_semaphore, #tpu.memory_space<semaphore_mem>>, %arg20: memref<!tpu.dma_semaphore, #tpu.memory_space<semaphore_mem>>, %arg21: memref<!tpu.dma_semaphore, #tpu.memory_space<semaphore_mem>>, %arg22: memref<!tpu.dma_semaphore, #tpu.memory_space<semaphore_mem>>) attributes {dimension_semantics = [#tpu.dimension_semantics<core_parallel>, #tpu.dimension_semantics<subcore_parallel>], iteration_bounds = array<i64: 2, 16>, scalar_prefetch = 0 : i64, scratch_operands = 15 : i64, tpu.core_type = #tpu.core_type<sc_vector_subcore>, window_params = [{transform_indices = #map}, {transform_indices = #map}, {transform_indices = #map1}, {transform_indices = #map1}, {transform_indices = #map}, {transform_indices = #map1}]} {
    %mul3A = arith.constant 2 : i32
    %mul3A_0 = arith.muli %arg1, %mul3A : i32
    %add3A = arith.addi %mul3A_0, %arg0 : i32
    %mul3A_1 = arith.constant 640 : i32
    %mul3A_2 = arith.muli %arg1, %mul3A_1 : i32
    %multiple_of3A = tpu.assume_multiple %mul3A_2, 8 : i32
    "tpu.region"() ({
      %run_scoped3A = tpu.sem_alloc : memref<!tpu.dma_semaphore, #tpu.memory_space<semaphore_mem>>
      %dma_start3A_159 = arith.constant 0 : i32
      %dma_start3A_160 = tpu.memref_slice %arg16[%multiple_of3A, %dma_start3A_159] : memref<10240x32xf32, #tpu.memory_space<vmem_shared>> -> memref<640x32xf32, #tpu.memory_space<vmem_shared>>
      %dma_start3A_161 = arith.constant 0 : i32
      %dma_start3A_162 = tpu.memref_slice %arg6[%multiple_of3A, %dma_start3A_161] : memref<10240x32xf32, #tpu.memory_space<hbm>> -> memref<640x32xf32, #tpu.memory_space<hbm>>
      tpu.enqueue_dma source(%dma_start3A_162 : memref<640x32xf32, #tpu.memory_space<hbm>>) target(%dma_start3A_160 : memref<640x32xf32, #tpu.memory_space<vmem_shared>>) target_semaphore(%run_scoped3A : memref<!tpu.dma_semaphore, #tpu.memory_space<semaphore_mem>>)
      %dma_wait3A_163 = arith.constant 0 : i32
      %dma_wait3A_164 = tpu.memref_slice %arg16[%multiple_of3A, %dma_wait3A_163] : memref<10240x32xf32, #tpu.memory_space<vmem_shared>> -> memref<640x32xf32, #tpu.memory_space<vmem_shared>>
      %dma_wait3A_165 = arith.constant 0 : i32
      %dma_wait3A_166 = tpu.memref_slice %arg6[%multiple_of3A, %dma_wait3A_165] : memref<10240x32xf32, #tpu.memory_space<hbm>> -> memref<640x32xf32, #tpu.memory_space<hbm>>
      tpu.wait_dma2 semaphore(%run_scoped3A : memref<!tpu.dma_semaphore, #tpu.memory_space<semaphore_mem>>) src(%dma_wait3A_166 : memref<640x32xf32, #tpu.memory_space<hbm>>) dst(%dma_wait3A_164 : memref<640x32xf32, #tpu.memory_space<vmem_shared>>)
      tpu.yield
    }) : () -> ()
    "tpu.region"() ({
      %run_scoped3A = tpu.sem_alloc : memref<!tpu.dma_semaphore, #tpu.memory_space<semaphore_mem>>
      %dma_start3A_159 = arith.constant 0 : i32
      %dma_start3A_160 = arith.constant 0 : i32
      %dma_start3A_161 = tpu.memref_slice %arg4[%add3A, %dma_start3A_159, %dma_start3A_160] : memref<32x125x80xi32, #tpu.memory_space<hbm>> -> memref<1x125x80xi32, #tpu.memory_space<hbm>>
      %dma_start3A_162 = tpu.memref_squeeze %dma_start3A_161 : memref<1x125x80xi32, #tpu.memory_space<hbm>> -> memref<125x80xi32, #tpu.memory_space<hbm>>
      %dma_start3A_163 = arith.constant 0 : i32
      %dma_start3A_164 = arith.constant 0 : i32
      %dma_start3A_165 = tpu.memref_slice %arg4[%add3A, %dma_start3A_163, %dma_start3A_164] : memref<32x125x80xi32, #tpu.memory_space<hbm>> -> memref<1x125x80xi32, #tpu.memory_space<hbm>>
      %dma_start3A_166 = tpu.memref_squeeze %dma_start3A_165 : memref<1x125x80xi32, #tpu.memory_space<hbm>> -> memref<125x80xi32, #tpu.memory_space<hbm>>
      tpu.enqueue_dma source(%dma_start3A_166 : memref<125x80xi32, #tpu.memory_space<hbm>>) target(%arg8 : memref<125x80xi32, #tpu.memory_space<vmem>>) target_semaphore(%run_scoped3A : memref<!tpu.dma_semaphore, #tpu.memory_space<semaphore_mem>>)
      %dma_wait3A_167 = arith.constant 0 : i32
      %dma_wait3A_168 = arith.constant 0 : i32
      %dma_wait3A_169 = tpu.memref_slice %arg4[%add3A, %dma_wait3A_167, %dma_wait3A_168] : memref<32x125x80xi32, #tpu.memory_space<hbm>> -> memref<1x125x80xi32, #tpu.memory_space<hbm>>
      %dma_wait3A_170 = tpu.memref_squeeze %dma_wait3A_169 : memref<1x125x80xi32, #tpu.memory_space<hbm>> -> memref<125x80xi32, #tpu.memory_space<hbm>>
      %dma_wait3A_171 = arith.constant 0 : i32
      %dma_wait3A_172 = arith.constant 0 : i32
      %dma_wait3A_173 = tpu.memref_slice %arg4[%add3A, %dma_wait3A_171, %dma_wait3A_172] : memref<32x125x80xi32, #tpu.memory_space<hbm>> -> memref<1x125x80xi32, #tpu.memory_space<hbm>>
      %dma_wait3A_174 = tpu.memref_squeeze %dma_wait3A_173 : memref<1x125x80xi32, #tpu.memory_space<hbm>> -> memref<125x80xi32, #tpu.memory_space<hbm>>
      tpu.wait_dma2 semaphore(%run_scoped3A : memref<!tpu.dma_semaphore, #tpu.memory_space<semaphore_mem>>) src(%dma_wait3A_174 : memref<125x80xi32, #tpu.memory_space<hbm>>) dst(%arg8 : memref<125x80xi32, #tpu.memory_space<vmem>>)
      tpu.yield
    }) : () -> ()
    "tpu.region"() ({
      %run_scoped3A = tpu.sem_alloc : memref<!tpu.dma_semaphore, #tpu.memory_space<semaphore_mem>>
      %dma_start3A_159 = arith.constant 0 : i32
      %dma_start3A_160 = arith.constant 0 : i32
      %dma_start3A_161 = tpu.memref_slice %arg5[%add3A, %dma_start3A_159, %dma_start3A_160] : memref<32x125x80xi32, #tpu.memory_space<hbm>> -> memref<1x125x80xi32, #tpu.memory_space<hbm>>
      %dma_start3A_162 = tpu.memref_squeeze %dma_start3A_161 : memref<1x125x80xi32, #tpu.memory_space<hbm>> -> memref<125x80xi32, #tpu.memory_space<hbm>>
      %dma_start3A_163 = arith.constant 0 : i32
      %dma_start3A_164 = arith.constant 0 : i32
      %dma_start3A_165 = tpu.memref_slice %arg5[%add3A, %dma_start3A_163, %dma_start3A_164] : memref<32x125x80xi32, #tpu.memory_space<hbm>> -> memref<1x125x80xi32, #tpu.memory_space<hbm>>
      %dma_start3A_166 = tpu.memref_squeeze %dma_start3A_165 : memref<1x125x80xi32, #tpu.memory_space<hbm>> -> memref<125x80xi32, #tpu.memory_space<hbm>>
      tpu.enqueue_dma source(%dma_start3A_166 : memref<125x80xi32, #tpu.memory_space<hbm>>) target(%arg9 : memref<125x80xi32, #tpu.memory_space<vmem>>) target_semaphore(%run_scoped3A : memref<!tpu.dma_semaphore, #tpu.memory_space<semaphore_mem>>)
      %dma_wait3A_167 = arith.constant 0 : i32
      %dma_wait3A_168 = arith.constant 0 : i32
      %dma_wait3A_169 = tpu.memref_slice %arg5[%add3A, %dma_wait3A_167, %dma_wait3A_168] : memref<32x125x80xi32, #tpu.memory_space<hbm>> -> memref<1x125x80xi32, #tpu.memory_space<hbm>>
      %dma_wait3A_170 = tpu.memref_squeeze %dma_wait3A_169 : memref<1x125x80xi32, #tpu.memory_space<hbm>> -> memref<125x80xi32, #tpu.memory_space<hbm>>
      %dma_wait3A_171 = arith.constant 0 : i32
      %dma_wait3A_172 = arith.constant 0 : i32
      %dma_wait3A_173 = tpu.memref_slice %arg5[%add3A, %dma_wait3A_171, %dma_wait3A_172] : memref<32x125x80xi32, #tpu.memory_space<hbm>> -> memref<1x125x80xi32, #tpu.memory_space<hbm>>
      %dma_wait3A_174 = tpu.memref_squeeze %dma_wait3A_173 : memref<1x125x80xi32, #tpu.memory_space<hbm>> -> memref<125x80xi32, #tpu.memory_space<hbm>>
      tpu.wait_dma2 semaphore(%run_scoped3A : memref<!tpu.dma_semaphore, #tpu.memory_space<semaphore_mem>>) src(%dma_wait3A_174 : memref<125x80xi32, #tpu.memory_space<hbm>>) dst(%arg9 : memref<125x80xi32, #tpu.memory_space<vmem>>)
      tpu.yield
    }) : () -> ()
    %barrier3A = arith.constant 0 : index
    tpu.barrier barrier_id(%barrier3A)
    %mul3A_3 = arith.constant 10000 : i32
    %mul3A_4 = arith.muli %add3A, %mul3A_3 : i32
    %add3A_5 = arith.constant 0 : i32
    %add3A_6 = arith.addi %mul3A_4, %add3A_5 : i32
    %jit3A = arith.constant 1600 : i32
    %div3A = arith.divsi %add3A_6, %jit3A : i32
    %sign3A = arith.constant 0 : i32
    %sign3A_7 = arith.cmpi sgt, %add3A_6, %sign3A : i32
    %sign3A_8 = arith.extui %sign3A_7 : i1 to i32
    %sign3A_9 = arith.constant 0 : i32
    %sign3A_10 = arith.cmpi slt, %add3A_6, %sign3A_9 : i32
    %sign3A_11 = arith.extui %sign3A_10 : i1 to i32
    %sign3A_12 = arith.subi %sign3A_8, %sign3A_11 : i32
    %sign3A_13 = arith.constant 0 : i32
    %sign3A_14 = arith.cmpi sgt, %jit3A, %sign3A_13 : i32
    %sign3A_15 = arith.extui %sign3A_14 : i1 to i32
    %sign3A_16 = arith.constant 0 : i32
    %sign3A_17 = arith.cmpi slt, %jit3A, %sign3A_16 : i32
    %sign3A_18 = arith.extui %sign3A_17 : i1 to i32
    %sign3A_19 = arith.subi %sign3A_15, %sign3A_18 : i32
    %ne3A = arith.cmpi ne, %sign3A_12, %sign3A_19 : i32
    %rem3A = arith.remsi %add3A_6, %jit3A : i32
    %ne3A_20 = arith.constant 0 : i32
    %ne3A_21 = arith.cmpi ne, %rem3A, %ne3A_20 : i32
    %and3A = arith.andi %ne3A, %ne3A_21 : i1
    %sub3A = arith.constant 1 : i32
    %sub3A_22 = arith.subi %div3A, %sub3A : i32
    %select_n3A = arith.select %and3A, %sub3A_22, %div3A : i32
    %mul3A_23 = arith.constant 1600 : i32
    %mul3A_24 = arith.muli %select_n3A, %mul3A_23 : i32
    %sub3A_25 = arith.subi %add3A_6, %mul3A_24 : i32
    %jit3A_26 = arith.constant 400 : i32
    %div3A_27 = arith.divsi %sub3A_25, %jit3A_26 : i32
    %sign3A_28 = arith.constant 0 : i32
    %sign3A_29 = arith.cmpi sgt, %sub3A_25, %sign3A_28 : i32
    %sign3A_30 = arith.extui %sign3A_29 : i1 to i32
    %sign3A_31 = arith.constant 0 : i32
    %sign3A_32 = arith.cmpi slt, %sub3A_25, %sign3A_31 : i32
    %sign3A_33 = arith.extui %sign3A_32 : i1 to i32
    %sign3A_34 = arith.subi %sign3A_30, %sign3A_33 : i32
    %sign3A_35 = arith.constant 0 : i32
    %sign3A_36 = arith.cmpi sgt, %jit3A_26, %sign3A_35 : i32
    %sign3A_37 = arith.extui %sign3A_36 : i1 to i32
    %sign3A_38 = arith.constant 0 : i32
    %sign3A_39 = arith.cmpi slt, %jit3A_26, %sign3A_38 : i32
    %sign3A_40 = arith.extui %sign3A_39 : i1 to i32
    %sign3A_41 = arith.subi %sign3A_37, %sign3A_40 : i32
    %ne3A_42 = arith.cmpi ne, %sign3A_34, %sign3A_41 : i32
    %rem3A_43 = arith.remsi %sub3A_25, %jit3A_26 : i32
    %ne3A_44 = arith.constant 0 : i32
    %ne3A_45 = arith.cmpi ne, %rem3A_43, %ne3A_44 : i32
    %and3A_46 = arith.andi %ne3A_42, %ne3A_45 : i1
    %sub3A_47 = arith.constant 1 : i32
    %sub3A_48 = arith.subi %div3A_27, %sub3A_47 : i32
    %select_n3A_49 = arith.select %and3A_46, %sub3A_48, %div3A_27 : i32
    %mul3A_50 = arith.constant 400 : i32
    %mul3A_51 = arith.muli %select_n3A, %mul3A_50 : i32
    %add3A_52 = arith.addi %mul3A_51, %sub3A_25 : i32
    %mul3A_53 = arith.constant 400 : i32
    %mul3A_54 = arith.muli %select_n3A_49, %mul3A_53 : i32
    %sub3A_55 = arith.subi %add3A_52, %mul3A_54 : i32
    %multiple_of3A_56 = tpu.assume_multiple %sub3A_55, 8 : i32
    %mul3A_57 = arith.constant 32 : i32
    %mul3A_58 = arith.muli %select_n3A_49, %mul3A_57 : i32
    %multiple_of3A_59 = tpu.assume_multiple %mul3A_58, 8 : i32
    %dma_start3A = tpu.memref_slice %arg3[%multiple_of3A_56, %multiple_of3A_59] : memref<80000x128xf32, #tpu.memory_space<hbm>> -> memref<80x32xf32, #tpu.memory_space<hbm>>
    %dma_start3A_60 = tpu.memref_slice %arg3[%multiple_of3A_56, %multiple_of3A_59] : memref<80000x128xf32, #tpu.memory_space<hbm>> -> memref<80x32xf32, #tpu.memory_space<hbm>>
    tpu.enqueue_dma source(%dma_start3A_60 : memref<80x32xf32, #tpu.memory_space<hbm>>) target(%arg10 : memref<80x32xf32, #tpu.memory_space<vmem>>) target_semaphore(%arg17 : memref<!tpu.dma_semaphore, #tpu.memory_space<semaphore_mem>>)
    %dma_start3A_61 = arith.constant 0 : i32
    %dma_start3A_62 = arith.constant 0 : i32
    %dma_start3A_63 = tpu.memref_slice %arg8[%dma_start3A_61, %dma_start3A_62] : memref<125x80xi32, #tpu.memory_space<vmem>> -> memref<1x80xi32, #tpu.memory_space<vmem>>
    %dma_start3A_64 = tpu.memref_squeeze %dma_start3A_63 : memref<1x80xi32, #tpu.memory_space<vmem>> -> memref<80xi32, #tpu.memory_space<vmem>>
    %dma_start3A_65 = arith.constant 0 : i32
    %dma_start3A_66 = arith.constant 0 : i32
    %dma_start3A_67 = tpu.memref_slice %arg2[%dma_start3A_65, %dma_start3A_66] : memref<10000x32xf32, #tpu.memory_space<hbm>> -> memref<10000x32xf32, #tpu.memory_space<hbm>>
    tpu.enqueue_indirect_dma source(%dma_start3A_67 : memref<10000x32xf32, #tpu.memory_space<hbm>>) target(%arg12 : memref<80x32xf32, #tpu.memory_space<vmem>>) offsets(%dma_start3A_64 : memref<80xi32, #tpu.memory_space<vmem>>) semaphore(%arg19 : memref<!tpu.dma_semaphore, #tpu.memory_space<semaphore_mem>>)
    %add3A_68 = arith.constant 80 : i32
    %add3A_69 = arith.addi %mul3A_4, %add3A_68 : i32
    %jit3A_70 = arith.constant 1600 : i32
    %div3A_71 = arith.divsi %add3A_69, %jit3A_70 : i32
    %sign3A_72 = arith.constant 0 : i32
    %sign3A_73 = arith.cmpi sgt, %add3A_69, %sign3A_72 : i32
    %sign3A_74 = arith.extui %sign3A_73 : i1 to i32
    %sign3A_75 = arith.constant 0 : i32
    %sign3A_76 = arith.cmpi slt, %add3A_69, %sign3A_75 : i32
    %sign3A_77 = arith.extui %sign3A_76 : i1 to i32
    %sign3A_78 = arith.subi %sign3A_74, %sign3A_77 : i32
    %sign3A_79 = arith.constant 0 : i32
    %sign3A_80 = arith.cmpi sgt, %jit3A_70, %sign3A_79 : i32
    %sign3A_81 = arith.extui %sign3A_80 : i1 to i32
    %sign3A_82 = arith.constant 0 : i32
    %sign3A_83 = arith.cmpi slt, %jit3A_70, %sign3A_82 : i32
    %sign3A_84 = arith.extui %sign3A_83 : i1 to i32
    %sign3A_85 = arith.subi %sign3A_81, %sign3A_84 : i32
    %ne3A_86 = arith.cmpi ne, %sign3A_78, %sign3A_85 : i32
    %rem3A_87 = arith.remsi %add3A_69, %jit3A_70 : i32
    %ne3A_88 = arith.constant 0 : i32
    %ne3A_89 = arith.cmpi ne, %rem3A_87, %ne3A_88 : i32
    %and3A_90 = arith.andi %ne3A_86, %ne3A_89 : i1
    %sub3A_91 = arith.constant 1 : i32
    %sub3A_92 = arith.subi %div3A_71, %sub3A_91 : i32
    %select_n3A_93 = arith.select %and3A_90, %sub3A_92, %div3A_71 : i32
    %mul3A_94 = arith.constant 1600 : i32
    %mul3A_95 = arith.muli %select_n3A_93, %mul3A_94 : i32
    %sub3A_96 = arith.subi %add3A_69, %mul3A_95 : i32
    %jit3A_97 = arith.constant 400 : i32
    %div3A_98 = arith.divsi %sub3A_96, %jit3A_97 : i32
    %sign3A_99 = arith.constant 0 : i32
    %sign3A_100 = arith.cmpi sgt, %sub3A_96, %sign3A_99 : i32
    %sign3A_101 = arith.extui %sign3A_100 : i1 to i32
    %sign3A_102 = arith.constant 0 : i32
    %sign3A_103 = arith.cmpi slt, %sub3A_96, %sign3A_102 : i32
    %sign3A_104 = arith.extui %sign3A_103 : i1 to i32
    %sign3A_105 = arith.subi %sign3A_101, %sign3A_104 : i32
    %sign3A_106 = arith.constant 0 : i32
    %sign3A_107 = arith.cmpi sgt, %jit3A_97, %sign3A_106 : i32
    %sign3A_108 = arith.extui %sign3A_107 : i1 to i32
    %sign3A_109 = arith.constant 0 : i32
    %sign3A_110 = arith.cmpi slt, %jit3A_97, %sign3A_109 : i32
    %sign3A_111 = arith.extui %sign3A_110 : i1 to i32
    %sign3A_112 = arith.subi %sign3A_108, %sign3A_111 : i32
    %ne3A_113 = arith.cmpi ne, %sign3A_105, %sign3A_112 : i32
    %rem3A_114 = arith.remsi %sub3A_96, %jit3A_97 : i32
    %ne3A_115 = arith.constant 0 : i32
    %ne3A_116 = arith.cmpi ne, %rem3A_114, %ne3A_115 : i32
    %and3A_117 = arith.andi %ne3A_113, %ne3A_116 : i1
    %sub3A_118 = arith.constant 1 : i32
    %sub3A_119 = arith.subi %div3A_98, %sub3A_118 : i32
    %select_n3A_120 = arith.select %and3A_117, %sub3A_119, %div3A_98 : i32
    %mul3A_121 = arith.constant 400 : i32
    %mul3A_122 = arith.muli %select_n3A_93, %mul3A_121 : i32
    %add3A_123 = arith.addi %mul3A_122, %sub3A_96 : i32
    %mul3A_124 = arith.constant 400 : i32
    %mul3A_125 = arith.muli %select_n3A_120, %mul3A_124 : i32
    %sub3A_126 = arith.subi %add3A_123, %mul3A_125 : i32
    %multiple_of3A_127 = tpu.assume_multiple %sub3A_126, 8 : i32
    %mul3A_128 = arith.constant 32 : i32
    %mul3A_129 = arith.muli %select_n3A_120, %mul3A_128 : i32
    %multiple_of3A_130 = tpu.assume_multiple %mul3A_129, 8 : i32
    %dma_start3A_131 = tpu.memref_slice %arg3[%multiple_of3A_127, %multiple_of3A_130] : memref<80000x128xf32, #tpu.memory_space<hbm>> -> memref<80x32xf32, #tpu.memory_space<hbm>>
    %dma_start3A_132 = tpu.memref_slice %arg3[%multiple_of3A_127, %multiple_of3A_130] : memref<80000x128xf32, #tpu.memory_space<hbm>> -> memref<80x32xf32, #tpu.memory_space<hbm>>
    tpu.enqueue_dma source(%dma_start3A_132 : memref<80x32xf32, #tpu.memory_space<hbm>>) target(%arg11 : memref<80x32xf32, #tpu.memory_space<vmem>>) target_semaphore(%arg18 : memref<!tpu.dma_semaphore, #tpu.memory_space<semaphore_mem>>)
    %dma_start3A_133 = arith.constant 1 : i32
    %dma_start3A_134 = arith.constant 0 : i32
    %dma_start3A_135 = tpu.memref_slice %arg8[%dma_start3A_133, %dma_start3A_134] : memref<125x80xi32, #tpu.memory_space<vmem>> -> memref<1x80xi32, #tpu.memory_space<vmem>>
    %dma_start3A_136 = tpu.memref_squeeze %dma_start3A_135 : memref<1x80xi32, #tpu.memory_space<vmem>> -> memref<80xi32, #tpu.memory_space<vmem>>
    %dma_start3A_137 = arith.constant 0 : i32
    %dma_start3A_138 = arith.constant 0 : i32
    %dma_start3A_139 = tpu.memref_slice %arg2[%dma_start3A_137, %dma_start3A_138] : memref<10000x32xf32, #tpu.memory_space<hbm>> -> memref<10000x32xf32, #tpu.memory_space<hbm>>
    tpu.enqueue_indirect_dma source(%dma_start3A_139 : memref<10000x32xf32, #tpu.memory_space<hbm>>) target(%arg13 : memref<80x32xf32, #tpu.memory_space<vmem>>) offsets(%dma_start3A_136 : memref<80xi32, #tpu.memory_space<vmem>>) semaphore(%arg20 : memref<!tpu.dma_semaphore, #tpu.memory_space<semaphore_mem>>)
    %scan3A = arith.constant 0 : i32
    %scan3A_140 = arith.constant 0 : i32
    %scan3A_141 = arith.constant 63 : i32
    %scan3A_142 = arith.addi %scan3A_140, %scan3A_141 : i32
    %scan3A_143 = arith.constant 1 : i32
    scf.for %scan3A_159 = %scan3A_140 to %scan3A_142 step %scan3A_143  : i32 {
      %mul3A_160 = arith.constant 2 : i32
      %mul3A_161 = arith.muli %mul3A_160, %scan3A_159 : i32
      %dma_wait3A_162 = arith.constant 0 : i32
      %dma_wait3A_163 = arith.constant 0 : i32
      %dma_wait3A_164 = tpu.memref_slice %arg3[%dma_wait3A_162, %dma_wait3A_163] : memref<80000x128xf32, #tpu.memory_space<hbm>> -> memref<80x32xf32, #tpu.memory_space<hbm>>
      %dma_wait3A_165 = arith.constant 0 : i32
      %dma_wait3A_166 = arith.constant 0 : i32
      %dma_wait3A_167 = tpu.memref_slice %arg3[%dma_wait3A_165, %dma_wait3A_166] : memref<80000x128xf32, #tpu.memory_space<hbm>> -> memref<80x32xf32, #tpu.memory_space<hbm>>
      tpu.wait_dma2 semaphore(%arg17 : memref<!tpu.dma_semaphore, #tpu.memory_space<semaphore_mem>>) src(%dma_wait3A_167 : memref<80x32xf32, #tpu.memory_space<hbm>>) dst(%arg10 : memref<80x32xf32, #tpu.memory_space<vmem>>)
      %dma_wait3A_168 = arith.constant 0 : i32
      %dma_wait3A_169 = arith.constant 0 : i32
      %dma_wait3A_170 = tpu.memref_slice %arg8[%dma_wait3A_168, %dma_wait3A_169] : memref<125x80xi32, #tpu.memory_space<vmem>> -> memref<1x80xi32, #tpu.memory_space<vmem>>
      %dma_wait3A_171 = tpu.memref_squeeze %dma_wait3A_170 : memref<1x80xi32, #tpu.memory_space<vmem>> -> memref<80xi32, #tpu.memory_space<vmem>>
      %dma_wait3A_172 = arith.constant 0 : i32
      %dma_wait3A_173 = arith.constant 0 : i32
      %dma_wait3A_174 = tpu.memref_slice %arg2[%dma_wait3A_172, %dma_wait3A_173] : memref<10000x32xf32, #tpu.memory_space<hbm>> -> memref<10000x32xf32, #tpu.memory_space<hbm>>
      tpu.wait_indirect_dma semaphore(%arg19 : memref<!tpu.dma_semaphore, #tpu.memory_space<semaphore_mem>>) src(%dma_wait3A_174 : memref<10000x32xf32, #tpu.memory_space<hbm>>) dst(%arg12 : memref<80x32xf32, #tpu.memory_space<vmem>>)
      %ge3A = arith.constant 2 : i32
      %ge3A_175 = arith.cmpi sge, %mul3A_161, %ge3A : i32
      %convert_element_type3A = arith.extui %ge3A_175 : i1 to i32
      %cond3A = arith.constant 0 : i32
      %cond3A_176 = arith.cmpi ne, %convert_element_type3A, %cond3A : i32
      scf.if %cond3A_176 {
        %dma_wait3A_201 = arith.constant 0 : i32
        %dma_wait3A_202 = arith.constant 0 : i32
        %dma_wait3A_203 = tpu.memref_slice %arg9[%dma_wait3A_201, %dma_wait3A_202] : memref<125x80xi32, #tpu.memory_space<vmem>> -> memref<1x80xi32, #tpu.memory_space<vmem>>
        %dma_wait3A_204 = tpu.memref_squeeze %dma_wait3A_203 : memref<1x80xi32, #tpu.memory_space<vmem>> -> memref<80xi32, #tpu.memory_space<vmem>>
        %dma_wait3A_205 = arith.constant 0 : i32
        %dma_wait3A_206 = arith.constant 0 : i32
        %dma_wait3A_207 = tpu.memref_slice %arg16[%dma_wait3A_205, %dma_wait3A_206] : memref<10240x32xf32, #tpu.memory_space<vmem_shared>> -> memref<10240x32xf32, #tpu.memory_space<vmem_shared>>
        tpu.wait_indirect_dma semaphore(%arg21 : memref<!tpu.dma_semaphore, #tpu.memory_space<semaphore_mem>>) src(%arg14 : memref<80x32xf32, #tpu.memory_space<vmem>>) dst(%dma_wait3A_207 : memref<10240x32xf32, #tpu.memory_space<vmem_shared>>)
      } else {
      }
      %scan3A_177 = arith.constant 0 : i32
      %scan3A_178 = arith.constant 0 : i32
      %scan3A_179 = arith.constant 80 : i32
      %scan3A_180 = arith.addi %scan3A_178, %scan3A_179 : i32
      %scan3A_181 = arith.constant 1 : i32
      scf.for %scan3A_201 = %scan3A_178 to %scan3A_180 step %scan3A_181  : i32 {
        %get3A = arith.index_cast %scan3A_201 : i32 to index
        %get3A_202 = arith.constant 0 : index
        %get3A_203 = tpu.vector_load %arg12[%get3A, %get3A_202] {strides = array<i32>} : memref<80x32xf32, #tpu.memory_space<vmem>>, vector<1x16xf32>,
        %get3A_204 = vector.shape_cast %get3A_203 : vector<1x16xf32> to vector<16xf32>
        %get3A_205 = arith.index_cast %scan3A_201 : i32 to index
        %get3A_206 = arith.constant 0 : index
        %get3A_207 = tpu.vector_load %arg10[%get3A_205, %get3A_206] {strides = array<i32>} : memref<80x32xf32, #tpu.memory_space<vmem>>, vector<1x16xf32>,
        %get3A_208 = vector.shape_cast %get3A_207 : vector<1x16xf32> to vector<16xf32>
        %add3A_209 = arith.addf %get3A_204, %get3A_208 : vector<16xf32>
        %max3A = arith.constant 0.000000e+00 : f32
        %max3A_210 = vector.broadcast %max3A : f32 to vector<16xf32>
        %max3A_211 = arith.maximumf %add3A_209, %max3A_210 : vector<16xf32>
        %swap3A = arith.index_cast %scan3A_201 : i32 to index
        %swap3A_212 = arith.constant 0 : index
        %swap3A_213 = tpu.vector_load %arg14[%swap3A, %swap3A_212] {strides = array<i32>} : memref<80x32xf32, #tpu.memory_space<vmem>>, vector<1x16xf32>,
        %swap3A_214 = vector.shape_cast %swap3A_213 : vector<1x16xf32> to vector<16xf32>
        %swap3A_215 = vector.shape_cast %max3A_211 : vector<16xf32> to vector<1x16xf32>
        tpu.vector_store %arg14[%swap3A, %swap3A_212], %swap3A_215 {strides = array<i32>} : memref<80x32xf32, #tpu.memory_space<vmem>>, vector<1x16xf32>,
        %get3A_216 = arith.index_cast %scan3A_201 : i32 to index
        %get3A_217 = arith.constant 16 : index
        %get3A_218 = tpu.vector_load %arg12[%get3A_216, %get3A_217] {strides = array<i32>} : memref<80x32xf32, #tpu.memory_space<vmem>>, vector<1x16xf32>,
        %get3A_219 = vector.shape_cast %get3A_218 : vector<1x16xf32> to vector<16xf32>
        %get3A_220 = arith.index_cast %scan3A_201 : i32 to index
        %get3A_221 = arith.constant 16 : index
        %get3A_222 = tpu.vector_load %arg10[%get3A_220, %get3A_221] {strides = array<i32>} : memref<80x32xf32, #tpu.memory_space<vmem>>, vector<1x16xf32>,
        %get3A_223 = vector.shape_cast %get3A_222 : vector<1x16xf32> to vector<16xf32>
        %add3A_224 = arith.addf %get3A_219, %get3A_223 : vector<16xf32>
        %max3A_225 = arith.constant 0.000000e+00 : f32
        %max3A_226 = vector.broadcast %max3A_225 : f32 to vector<16xf32>
        %max3A_227 = arith.maximumf %add3A_224, %max3A_226 : vector<16xf32>
        %swap3A_228 = arith.index_cast %scan3A_201 : i32 to index
        %swap3A_229 = arith.constant 16 : index
        %swap3A_230 = tpu.vector_load %arg14[%swap3A_228, %swap3A_229] {strides = array<i32>} : memref<80x32xf32, #tpu.memory_space<vmem>>, vector<1x16xf32>,
        %swap3A_231 = vector.shape_cast %swap3A_230 : vector<1x16xf32> to vector<16xf32>
        %swap3A_232 = vector.shape_cast %max3A_227 : vector<16xf32> to vector<1x16xf32>
        tpu.vector_store %arg14[%swap3A_228, %swap3A_229], %swap3A_232 {strides = array<i32>} : memref<80x32xf32, #tpu.memory_space<vmem>>, vector<1x16xf32>,
      }
      %scan3A_182 = arith.constant 80 : i32
      %dma_start3A_183 = arith.constant 0 : i32
      %dma_start3A_184 = tpu.memref_slice %arg9[%mul3A_161, %dma_start3A_183] : memref<125x80xi32, #tpu.memory_space<vmem>> -> memref<1x80xi32, #tpu.memory_space<vmem>>
      %dma_start3A_185 = tpu.memref_squeeze %dma_start3A_184 : memref<1x80xi32, #tpu.memory_space<vmem>> -> memref<80xi32, #tpu.memory_space<vmem>>
      %dma_start3A_186 = arith.constant 0 : i32
      %dma_start3A_187 = arith.constant 0 : i32
      %dma_start3A_188 = tpu.memref_slice %arg16[%dma_start3A_186, %dma_start3A_187] : memref<10240x32xf32, #tpu.memory_space<vmem_shared>> -> memref<10240x32xf32, #tpu.memory_space<vmem_shared>>
      tpu.enqueue_indirect_dma source(%arg14 : memref<80x32xf32, #tpu.memory_space<vmem>>) target(%dma_start3A_188 : memref<10240x32xf32, #tpu.memory_space<vmem_shared>>) offsets(%dma_start3A_185 : memref<80xi32, #tpu.memory_space<vmem>>) semaphore(%arg21 : memref<!tpu.dma_semaphore, #tpu.memory_space<semaphore_mem>>) {add = true}
      %le3A = arith.constant 122 : i32
      %le3A_189 = arith.cmpi sle, %mul3A_161, %le3A : i32
      %convert_element_type3A_190 = arith.extui %le3A_189 : i1 to i32
      %cond3A_191 = arith.constant 0 : i32
      %cond3A_192 = arith.cmpi ne, %convert_element_type3A_190, %cond3A_191 : i32
      scf.if %cond3A_192 {
        %add3A_201 = arith.constant 2 : i32
        %add3A_202 = arith.addi %mul3A_161, %add3A_201 : i32
        %mul3A_203 = arith.constant 80 : i32
        %mul3A_204 = arith.muli %add3A_202, %mul3A_203 : i32
        %add3A_205 = arith.addi %mul3A_4, %mul3A_204 : i32
        %jit3A_206 = arith.constant 1600 : i32
        %div3A_207 = arith.divsi %add3A_205, %jit3A_206 : i32
        %sign3A_208 = arith.constant 0 : i32
        %sign3A_209 = arith.cmpi sgt, %add3A_205, %sign3A_208 : i32
        %sign3A_210 = arith.extui %sign3A_209 : i1 to i32
        %sign3A_211 = arith.constant 0 : i32
        %sign3A_212 = arith.cmpi slt, %add3A_205, %sign3A_211 : i32
        %sign3A_213 = arith.extui %sign3A_212 : i1 to i32
        %sign3A_214 = arith.subi %sign3A_210, %sign3A_213 : i32
        %sign3A_215 = arith.constant 0 : i32
        %sign3A_216 = arith.cmpi sgt, %jit3A_206, %sign3A_215 : i32
        %sign3A_217 = arith.extui %sign3A_216 : i1 to i32
        %sign3A_218 = arith.constant 0 : i32
        %sign3A_219 = arith.cmpi slt, %jit3A_206, %sign3A_218 : i32
        %sign3A_220 = arith.extui %sign3A_219 : i1 to i32
        %sign3A_221 = arith.subi %sign3A_217, %sign3A_220 : i32
        %ne3A_222 = arith.cmpi ne, %sign3A_214, %sign3A_221 : i32
        %rem3A_223 = arith.remsi %add3A_205, %jit3A_206 : i32
        %ne3A_224 = arith.constant 0 : i32
        %ne3A_225 = arith.cmpi ne, %rem3A_223, %ne3A_224 : i32
        %and3A_226 = arith.andi %ne3A_222, %ne3A_225 : i1
        %sub3A_227 = arith.constant 1 : i32
        %sub3A_228 = arith.subi %div3A_207, %sub3A_227 : i32
        %select_n3A_229 = arith.select %and3A_226, %sub3A_228, %div3A_207 : i32
        %mul3A_230 = arith.constant 1600 : i32
        %mul3A_231 = arith.muli %select_n3A_229, %mul3A_230 : i32
        %sub3A_232 = arith.subi %add3A_205, %mul3A_231 : i32
        %jit3A_233 = arith.constant 400 : i32
        %div3A_234 = arith.divsi %sub3A_232, %jit3A_233 : i32
        %sign3A_235 = arith.constant 0 : i32
        %sign3A_236 = arith.cmpi sgt, %sub3A_232, %sign3A_235 : i32
        %sign3A_237 = arith.extui %sign3A_236 : i1 to i32
        %sign3A_238 = arith.constant 0 : i32
        %sign3A_239 = arith.cmpi slt, %sub3A_232, %sign3A_238 : i32
        %sign3A_240 = arith.extui %sign3A_239 : i1 to i32
        %sign3A_241 = arith.subi %sign3A_237, %sign3A_240 : i32
        %sign3A_242 = arith.constant 0 : i32
        %sign3A_243 = arith.cmpi sgt, %jit3A_233, %sign3A_242 : i32
        %sign3A_244 = arith.extui %sign3A_243 : i1 to i32
        %sign3A_245 = arith.constant 0 : i32
        %sign3A_246 = arith.cmpi slt, %jit3A_233, %sign3A_245 : i32
        %sign3A_247 = arith.extui %sign3A_246 : i1 to i32
        %sign3A_248 = arith.subi %sign3A_244, %sign3A_247 : i32
        %ne3A_249 = arith.cmpi ne, %sign3A_241, %sign3A_248 : i32
        %rem3A_250 = arith.remsi %sub3A_232, %jit3A_233 : i32
        %ne3A_251 = arith.constant 0 : i32
        %ne3A_252 = arith.cmpi ne, %rem3A_250, %ne3A_251 : i32
        %and3A_253 = arith.andi %ne3A_249, %ne3A_252 : i1
        %sub3A_254 = arith.constant 1 : i32
        %sub3A_255 = arith.subi %div3A_234, %sub3A_254 : i32
        %select_n3A_256 = arith.select %and3A_253, %sub3A_255, %div3A_234 : i32
        %mul3A_257 = arith.constant 400 : i32
        %mul3A_258 = arith.muli %select_n3A_229, %mul3A_257 : i32
        %add3A_259 = arith.addi %mul3A_258, %sub3A_232 : i32
        %mul3A_260 = arith.constant 400 : i32
        %mul3A_261 = arith.muli %select_n3A_256, %mul3A_260 : i32
        %sub3A_262 = arith.subi %add3A_259, %mul3A_261 : i32
        %multiple_of3A_263 = tpu.assume_multiple %sub3A_262, 8 : i32
        %mul3A_264 = arith.constant 32 : i32
        %mul3A_265 = arith.muli %select_n3A_256, %mul3A_264 : i32
        %multiple_of3A_266 = tpu.assume_multiple %mul3A_265, 8 : i32
        %dma_start3A_267 = tpu.memref_slice %arg3[%multiple_of3A_263, %multiple_of3A_266] : memref<80000x128xf32, #tpu.memory_space<hbm>> -> memref<80x32xf32, #tpu.memory_space<hbm>>
        %dma_start3A_268 = tpu.memref_slice %arg3[%multiple_of3A_263, %multiple_of3A_266] : memref<80000x128xf32, #tpu.memory_space<hbm>> -> memref<80x32xf32, #tpu.memory_space<hbm>>
        tpu.enqueue_dma source(%dma_start3A_268 : memref<80x32xf32, #tpu.memory_space<hbm>>) target(%arg10 : memref<80x32xf32, #tpu.memory_space<vmem>>) target_semaphore(%arg17 : memref<!tpu.dma_semaphore, #tpu.memory_space<semaphore_mem>>)
        %dma_start3A_269 = arith.constant 0 : i32
        %dma_start3A_270 = tpu.memref_slice %arg8[%add3A_202, %dma_start3A_269] : memref<125x80xi32, #tpu.memory_space<vmem>> -> memref<1x80xi32, #tpu.memory_space<vmem>>
        %dma_start3A_271 = tpu.memref_squeeze %dma_start3A_270 : memref<1x80xi32, #tpu.memory_space<vmem>> -> memref<80xi32, #tpu.memory_space<vmem>>
        %dma_start3A_272 = arith.constant 0 : i32
        %dma_start3A_273 = arith.constant 0 : i32
        %dma_start3A_274 = tpu.memref_slice %arg2[%dma_start3A_272, %dma_start3A_273] : memref<10000x32xf32, #tpu.memory_space<hbm>> -> memref<10000x32xf32, #tpu.memory_space<hbm>>
        tpu.enqueue_indirect_dma source(%dma_start3A_274 : memref<10000x32xf32, #tpu.memory_space<hbm>>) target(%arg12 : memref<80x32xf32, #tpu.memory_space<vmem>>) offsets(%dma_start3A_271 : memref<80xi32, #tpu.memory_space<vmem>>) semaphore(%arg19 : memref<!tpu.dma_semaphore, #tpu.memory_space<semaphore_mem>>)
      } else {
      }
      %mul3A_193 = arith.constant 2 : i32
      %mul3A_194 = arith.muli %mul3A_193, %scan3A_159 : i32
      %add3A_195 = arith.constant 1 : i32
      %add3A_196 = arith.addi %mul3A_194, %add3A_195 : i32
      %lt3A = arith.constant 125 : i32
      %lt3A_197 = arith.cmpi slt, %add3A_196, %lt3A : i32
      %convert_element_type3A_198 = arith.extui %lt3A_197 : i1 to i32
      %cond3A_199 = arith.constant 0 : i32
      %cond3A_200 = arith.cmpi ne, %convert_element_type3A_198, %cond3A_199 : i32
      scf.if %cond3A_200 {
        %mul3A_201 = arith.constant 2 : i32
        %mul3A_202 = arith.muli %mul3A_201, %scan3A_159 : i32
        %add3A_203 = arith.constant 1 : i32
        %add3A_204 = arith.addi %mul3A_202, %add3A_203 : i32
        %dma_wait3A_205 = arith.constant 0 : i32
        %dma_wait3A_206 = arith.constant 0 : i32
        %dma_wait3A_207 = tpu.memref_slice %arg3[%dma_wait3A_205, %dma_wait3A_206] : memref<80000x128xf32, #tpu.memory_space<hbm>> -> memref<80x32xf32, #tpu.memory_space<hbm>>
        %dma_wait3A_208 = arith.constant 0 : i32
        %dma_wait3A_209 = arith.constant 0 : i32
        %dma_wait3A_210 = tpu.memref_slice %arg3[%dma_wait3A_208, %dma_wait3A_209] : memref<80000x128xf32, #tpu.memory_space<hbm>> -> memref<80x32xf32, #tpu.memory_space<hbm>>
        tpu.wait_dma2 semaphore(%arg18 : memref<!tpu.dma_semaphore, #tpu.memory_space<semaphore_mem>>) src(%dma_wait3A_210 : memref<80x32xf32, #tpu.memory_space<hbm>>) dst(%arg11 : memref<80x32xf32, #tpu.memory_space<vmem>>)
        %dma_wait3A_211 = arith.constant 0 : i32
        %dma_wait3A_212 = arith.constant 0 : i32
        %dma_wait3A_213 = tpu.memref_slice %arg8[%dma_wait3A_211, %dma_wait3A_212] : memref<125x80xi32, #tpu.memory_space<vmem>> -> memref<1x80xi32, #tpu.memory_space<vmem>>
        %dma_wait3A_214 = tpu.memref_squeeze %dma_wait3A_213 : memref<1x80xi32, #tpu.memory_space<vmem>> -> memref<80xi32, #tpu.memory_space<vmem>>
        %dma_wait3A_215 = arith.constant 0 : i32
        %dma_wait3A_216 = arith.constant 0 : i32
        %dma_wait3A_217 = tpu.memref_slice %arg2[%dma_wait3A_215, %dma_wait3A_216] : memref<10000x32xf32, #tpu.memory_space<hbm>> -> memref<10000x32xf32, #tpu.memory_space<hbm>>
        tpu.wait_indirect_dma semaphore(%arg20 : memref<!tpu.dma_semaphore, #tpu.memory_space<semaphore_mem>>) src(%dma_wait3A_217 : memref<10000x32xf32, #tpu.memory_space<hbm>>) dst(%arg13 : memref<80x32xf32, #tpu.memory_space<vmem>>)
        %ge3A_218 = arith.constant 2 : i32
        %ge3A_219 = arith.cmpi sge, %add3A_204, %ge3A_218 : i32
        %convert_element_type3A_220 = arith.extui %ge3A_219 : i1 to i32
        %cond3A_221 = arith.constant 0 : i32
        %cond3A_222 = arith.cmpi ne, %convert_element_type3A_220, %cond3A_221 : i32
        scf.if %cond3A_222 {
          %dma_wait3A_240 = arith.constant 0 : i32
          %dma_wait3A_241 = arith.constant 0 : i32
          %dma_wait3A_242 = tpu.memref_slice %arg9[%dma_wait3A_240, %dma_wait3A_241] : memref<125x80xi32, #tpu.memory_space<vmem>> -> memref<1x80xi32, #tpu.memory_space<vmem>>
          %dma_wait3A_243 = tpu.memref_squeeze %dma_wait3A_242 : memref<1x80xi32, #tpu.memory_space<vmem>> -> memref<80xi32, #tpu.memory_space<vmem>>
          %dma_wait3A_244 = arith.constant 0 : i32
          %dma_wait3A_245 = arith.constant 0 : i32
          %dma_wait3A_246 = tpu.memref_slice %arg16[%dma_wait3A_244, %dma_wait3A_245] : memref<10240x32xf32, #tpu.memory_space<vmem_shared>> -> memref<10240x32xf32, #tpu.memory_space<vmem_shared>>
          tpu.wait_indirect_dma semaphore(%arg22 : memref<!tpu.dma_semaphore, #tpu.memory_space<semaphore_mem>>) src(%arg15 : memref<80x32xf32, #tpu.memory_space<vmem>>) dst(%dma_wait3A_246 : memref<10240x32xf32, #tpu.memory_space<vmem_shared>>)
        } else {
        }
        %scan3A_223 = arith.constant 0 : i32
        %scan3A_224 = arith.constant 0 : i32
        %scan3A_225 = arith.constant 80 : i32
        %scan3A_226 = arith.addi %scan3A_224, %scan3A_225 : i32
        %scan3A_227 = arith.constant 1 : i32
        scf.for %scan3A_240 = %scan3A_224 to %scan3A_226 step %scan3A_227  : i32 {
          %get3A = arith.index_cast %scan3A_240 : i32 to index
          %get3A_241 = arith.constant 0 : index
          %get3A_242 = tpu.vector_load %arg13[%get3A, %get3A_241] {strides = array<i32>} : memref<80x32xf32, #tpu.memory_space<vmem>>, vector<1x16xf32>,
          %get3A_243 = vector.shape_cast %get3A_242 : vector<1x16xf32> to vector<16xf32>
          %get3A_244 = arith.index_cast %scan3A_240 : i32 to index
          %get3A_245 = arith.constant 0 : index
          %get3A_246 = tpu.vector_load %arg11[%get3A_244, %get3A_245] {strides = array<i32>} : memref<80x32xf32, #tpu.memory_space<vmem>>, vector<1x16xf32>,
          %get3A_247 = vector.shape_cast %get3A_246 : vector<1x16xf32> to vector<16xf32>
          %add3A_248 = arith.addf %get3A_243, %get3A_247 : vector<16xf32>
          %max3A = arith.constant 0.000000e+00 : f32
          %max3A_249 = vector.broadcast %max3A : f32 to vector<16xf32>
          %max3A_250 = arith.maximumf %add3A_248, %max3A_249 : vector<16xf32>
          %swap3A = arith.index_cast %scan3A_240 : i32 to index
          %swap3A_251 = arith.constant 0 : index
          %swap3A_252 = tpu.vector_load %arg15[%swap3A, %swap3A_251] {strides = array<i32>} : memref<80x32xf32, #tpu.memory_space<vmem>>, vector<1x16xf32>,
          %swap3A_253 = vector.shape_cast %swap3A_252 : vector<1x16xf32> to vector<16xf32>
          %swap3A_254 = vector.shape_cast %max3A_250 : vector<16xf32> to vector<1x16xf32>
          tpu.vector_store %arg15[%swap3A, %swap3A_251], %swap3A_254 {strides = array<i32>} : memref<80x32xf32, #tpu.memory_space<vmem>>, vector<1x16xf32>,
          %get3A_255 = arith.index_cast %scan3A_240 : i32 to index
          %get3A_256 = arith.constant 16 : index
          %get3A_257 = tpu.vector_load %arg13[%get3A_255, %get3A_256] {strides = array<i32>} : memref<80x32xf32, #tpu.memory_space<vmem>>, vector<1x16xf32>,
          %get3A_258 = vector.shape_cast %get3A_257 : vector<1x16xf32> to vector<16xf32>
          %get3A_259 = arith.index_cast %scan3A_240 : i32 to index
          %get3A_260 = arith.constant 16 : index
          %get3A_261 = tpu.vector_load %arg11[%get3A_259, %get3A_260] {strides = array<i32>} : memref<80x32xf32, #tpu.memory_space<vmem>>, vector<1x16xf32>,
          %get3A_262 = vector.shape_cast %get3A_261 : vector<1x16xf32> to vector<16xf32>
          %add3A_263 = arith.addf %get3A_258, %get3A_262 : vector<16xf32>
          %max3A_264 = arith.constant 0.000000e+00 : f32
          %max3A_265 = vector.broadcast %max3A_264 : f32 to vector<16xf32>
          %max3A_266 = arith.maximumf %add3A_263, %max3A_265 : vector<16xf32>
          %swap3A_267 = arith.index_cast %scan3A_240 : i32 to index
          %swap3A_268 = arith.constant 16 : index
          %swap3A_269 = tpu.vector_load %arg15[%swap3A_267, %swap3A_268] {strides = array<i32>} : memref<80x32xf32, #tpu.memory_space<vmem>>, vector<1x16xf32>,
          %swap3A_270 = vector.shape_cast %swap3A_269 : vector<1x16xf32> to vector<16xf32>
          %swap3A_271 = vector.shape_cast %max3A_266 : vector<16xf32> to vector<1x16xf32>
          tpu.vector_store %arg15[%swap3A_267, %swap3A_268], %swap3A_271 {strides = array<i32>} : memref<80x32xf32, #tpu.memory_space<vmem>>, vector<1x16xf32>,
        }
        %scan3A_228 = arith.constant 80 : i32
        %dma_start3A_229 = arith.constant 0 : i32
        %dma_start3A_230 = tpu.memref_slice %arg9[%add3A_204, %dma_start3A_229] : memref<125x80xi32, #tpu.memory_space<vmem>> -> memref<1x80xi32, #tpu.memory_space<vmem>>
        %dma_start3A_231 = tpu.memref_squeeze %dma_start3A_230 : memref<1x80xi32, #tpu.memory_space<vmem>> -> memref<80xi32, #tpu.memory_space<vmem>>
        %dma_start3A_232 = arith.constant 0 : i32
        %dma_start3A_233 = arith.constant 0 : i32
        %dma_start3A_234 = tpu.memref_slice %arg16[%dma_start3A_232, %dma_start3A_233] : memref<10240x32xf32, #tpu.memory_space<vmem_shared>> -> memref<10240x32xf32, #tpu.memory_space<vmem_shared>>
        tpu.enqueue_indirect_dma source(%arg15 : memref<80x32xf32, #tpu.memory_space<vmem>>) target(%dma_start3A_234 : memref<10240x32xf32, #tpu.memory_space<vmem_shared>>) offsets(%dma_start3A_231 : memref<80xi32, #tpu.memory_space<vmem>>) semaphore(%arg22 : memref<!tpu.dma_semaphore, #tpu.memory_space<semaphore_mem>>) {add = true}
        %le3A_235 = arith.constant 122 : i32
        %le3A_236 = arith.cmpi sle, %add3A_204, %le3A_235 : i32
        %convert_element_type3A_237 = arith.extui %le3A_236 : i1 to i32
        %cond3A_238 = arith.constant 0 : i32
        %cond3A_239 = arith.cmpi ne, %convert_element_type3A_237, %cond3A_238 : i32
        scf.if %cond3A_239 {
          %add3A_240 = arith.constant 2 : i32
          %add3A_241 = arith.addi %add3A_204, %add3A_240 : i32
          %mul3A_242 = arith.constant 80 : i32
          %mul3A_243 = arith.muli %add3A_241, %mul3A_242 : i32
          %add3A_244 = arith.addi %mul3A_4, %mul3A_243 : i32
          %jit3A_245 = arith.constant 1600 : i32
          %div3A_246 = arith.divsi %add3A_244, %jit3A_245 : i32
          %sign3A_247 = arith.constant 0 : i32
          %sign3A_248 = arith.cmpi sgt, %add3A_244, %sign3A_247 : i32
          %sign3A_249 = arith.extui %sign3A_248 : i1 to i32
          %sign3A_250 = arith.constant 0 : i32
          %sign3A_251 = arith.cmpi slt, %add3A_244, %sign3A_250 : i32
          %sign3A_252 = arith.extui %sign3A_251 : i1 to i32
          %sign3A_253 = arith.subi %sign3A_249, %sign3A_252 : i32
          %sign3A_254 = arith.constant 0 : i32
          %sign3A_255 = arith.cmpi sgt, %jit3A_245, %sign3A_254 : i32
          %sign3A_256 = arith.extui %sign3A_255 : i1 to i32
          %sign3A_257 = arith.constant 0 : i32
          %sign3A_258 = arith.cmpi slt, %jit3A_245, %sign3A_257 : i32
          %sign3A_259 = arith.extui %sign3A_258 : i1 to i32
          %sign3A_260 = arith.subi %sign3A_256, %sign3A_259 : i32
          %ne3A_261 = arith.cmpi ne, %sign3A_253, %sign3A_260 : i32
          %rem3A_262 = arith.remsi %add3A_244, %jit3A_245 : i32
          %ne3A_263 = arith.constant 0 : i32
          %ne3A_264 = arith.cmpi ne, %rem3A_262, %ne3A_263 : i32
          %and3A_265 = arith.andi %ne3A_261, %ne3A_264 : i1
          %sub3A_266 = arith.constant 1 : i32
          %sub3A_267 = arith.subi %div3A_246, %sub3A_266 : i32
          %select_n3A_268 = arith.select %and3A_265, %sub3A_267, %div3A_246 : i32
          %mul3A_269 = arith.constant 1600 : i32
          %mul3A_270 = arith.muli %select_n3A_268, %mul3A_269 : i32
          %sub3A_271 = arith.subi %add3A_244, %mul3A_270 : i32
          %jit3A_272 = arith.constant 400 : i32
          %div3A_273 = arith.divsi %sub3A_271, %jit3A_272 : i32
          %sign3A_274 = arith.constant 0 : i32
          %sign3A_275 = arith.cmpi sgt, %sub3A_271, %sign3A_274 : i32
          %sign3A_276 = arith.extui %sign3A_275 : i1 to i32
          %sign3A_277 = arith.constant 0 : i32
          %sign3A_278 = arith.cmpi slt, %sub3A_271, %sign3A_277 : i32
          %sign3A_279 = arith.extui %sign3A_278 : i1 to i32
          %sign3A_280 = arith.subi %sign3A_276, %sign3A_279 : i32
          %sign3A_281 = arith.constant 0 : i32
          %sign3A_282 = arith.cmpi sgt, %jit3A_272, %sign3A_281 : i32
          %sign3A_283 = arith.extui %sign3A_282 : i1 to i32
          %sign3A_284 = arith.constant 0 : i32
          %sign3A_285 = arith.cmpi slt, %jit3A_272, %sign3A_284 : i32
          %sign3A_286 = arith.extui %sign3A_285 : i1 to i32
          %sign3A_287 = arith.subi %sign3A_283, %sign3A_286 : i32
          %ne3A_288 = arith.cmpi ne, %sign3A_280, %sign3A_287 : i32
          %rem3A_289 = arith.remsi %sub3A_271, %jit3A_272 : i32
          %ne3A_290 = arith.constant 0 : i32
          %ne3A_291 = arith.cmpi ne, %rem3A_289, %ne3A_290 : i32
          %and3A_292 = arith.andi %ne3A_288, %ne3A_291 : i1
          %sub3A_293 = arith.constant 1 : i32
          %sub3A_294 = arith.subi %div3A_273, %sub3A_293 : i32
          %select_n3A_295 = arith.select %and3A_292, %sub3A_294, %div3A_273 : i32
          %mul3A_296 = arith.constant 400 : i32
          %mul3A_297 = arith.muli %select_n3A_268, %mul3A_296 : i32
          %add3A_298 = arith.addi %mul3A_297, %sub3A_271 : i32
          %mul3A_299 = arith.constant 400 : i32
          %mul3A_300 = arith.muli %select_n3A_295, %mul3A_299 : i32
          %sub3A_301 = arith.subi %add3A_298, %mul3A_300 : i32
          %multiple_of3A_302 = tpu.assume_multiple %sub3A_301, 8 : i32
          %mul3A_303 = arith.constant 32 : i32
          %mul3A_304 = arith.muli %select_n3A_295, %mul3A_303 : i32
          %multiple_of3A_305 = tpu.assume_multiple %mul3A_304, 8 : i32
          %dma_start3A_306 = tpu.memref_slice %arg3[%multiple_of3A_302, %multiple_of3A_305] : memref<80000x128xf32, #tpu.memory_space<hbm>> -> memref<80x32xf32, #tpu.memory_space<hbm>>
          %dma_start3A_307 = tpu.memref_slice %arg3[%multiple_of3A_302, %multiple_of3A_305] : memref<80000x128xf32, #tpu.memory_space<hbm>> -> memref<80x32xf32, #tpu.memory_space<hbm>>
          tpu.enqueue_dma source(%dma_start3A_307 : memref<80x32xf32, #tpu.memory_space<hbm>>) target(%arg11 : memref<80x32xf32, #tpu.memory_space<vmem>>) target_semaphore(%arg18 : memref<!tpu.dma_semaphore, #tpu.memory_space<semaphore_mem>>)
          %dma_start3A_308 = arith.constant 0 : i32
          %dma_start3A_309 = tpu.memref_slice %arg8[%add3A_241, %dma_start3A_308] : memref<125x80xi32, #tpu.memory_space<vmem>> -> memref<1x80xi32, #tpu.memory_space<vmem>>
          %dma_start3A_310 = tpu.memref_squeeze %dma_start3A_309 : memref<1x80xi32, #tpu.memory_space<vmem>> -> memref<80xi32, #tpu.memory_space<vmem>>
          %dma_start3A_311 = arith.constant 0 : i32
          %dma_start3A_312 = arith.constant 0 : i32
          %dma_start3A_313 = tpu.memref_slice %arg2[%dma_start3A_311, %dma_start3A_312] : memref<10000x32xf32, #tpu.memory_space<hbm>> -> memref<10000x32xf32, #tpu.memory_space<hbm>>
          tpu.enqueue_indirect_dma source(%dma_start3A_313 : memref<10000x32xf32, #tpu.memory_space<hbm>>) target(%arg13 : memref<80x32xf32, #tpu.memory_space<vmem>>) offsets(%dma_start3A_310 : memref<80xi32, #tpu.memory_space<vmem>>) semaphore(%arg20 : memref<!tpu.dma_semaphore, #tpu.memory_space<semaphore_mem>>)
        } else {
        }
      } else {
      }
    }
    %scan3A_144 = arith.constant 63 : i32
    %dma_wait3A = arith.constant 0 : i32
    %dma_wait3A_145 = arith.constant 0 : i32
    %dma_wait3A_146 = tpu.memref_slice %arg9[%dma_wait3A, %dma_wait3A_145] : memref<125x80xi32, #tpu.memory_space<vmem>> -> memref<1x80xi32, #tpu.memory_space<vmem>>
    %dma_wait3A_147 = tpu.memref_squeeze %dma_wait3A_146 : memref<1x80xi32, #tpu.memory_space<vmem>> -> memref<80xi32, #tpu.memory_space<vmem>>
    %dma_wait3A_148 = arith.constant 0 : i32
    %dma_wait3A_149 = arith.constant 0 : i32
    %dma_wait3A_150 = tpu.memref_slice %arg16[%dma_wait3A_148, %dma_wait3A_149] : memref<10240x32xf32, #tpu.memory_space<vmem_shared>> -> memref<10240x32xf32, #tpu.memory_space<vmem_shared>>
    tpu.wait_indirect_dma semaphore(%arg21 : memref<!tpu.dma_semaphore, #tpu.memory_space<semaphore_mem>>) src(%arg14 : memref<80x32xf32, #tpu.memory_space<vmem>>) dst(%dma_wait3A_150 : memref<10240x32xf32, #tpu.memory_space<vmem_shared>>)
    %dma_wait3A_151 = arith.constant 0 : i32
    %dma_wait3A_152 = arith.constant 0 : i32
    %dma_wait3A_153 = tpu.memref_slice %arg9[%dma_wait3A_151, %dma_wait3A_152] : memref<125x80xi32, #tpu.memory_space<vmem>> -> memref<1x80xi32, #tpu.memory_space<vmem>>
    %dma_wait3A_154 = tpu.memref_squeeze %dma_wait3A_153 : memref<1x80xi32, #tpu.memory_space<vmem>> -> memref<80xi32, #tpu.memory_space<vmem>>
    %dma_wait3A_155 = arith.constant 0 : i32
    %dma_wait3A_156 = arith.constant 0 : i32
    %dma_wait3A_157 = tpu.memref_slice %arg16[%dma_wait3A_155, %dma_wait3A_156] : memref<10240x32xf32, #tpu.memory_space<vmem_shared>> -> memref<10240x32xf32, #tpu.memory_space<vmem_shared>>
    tpu.wait_indirect_dma semaphore(%arg22 : memref<!tpu.dma_semaphore, #tpu.memory_space<semaphore_mem>>) src(%arg15 : memref<80x32xf32, #tpu.memory_space<vmem>>) dst(%dma_wait3A_157 : memref<10240x32xf32, #tpu.memory_space<vmem_shared>>)
    %barrier3A_158 = arith.constant 0 : index
    tpu.barrier barrier_id(%barrier3A_158)
    "tpu.region"() ({
      %run_scoped3A = tpu.sem_alloc : memref<!tpu.dma_semaphore, #tpu.memory_space<semaphore_mem>>
      %dma_start3A_159 = arith.constant 0 : i32
      %dma_start3A_160 = tpu.memref_slice %arg7[%arg0, %multiple_of3A, %dma_start3A_159] : memref<2x10240x32xf32, #tpu.memory_space<hbm>> -> memref<1x640x32xf32, #tpu.memory_space<hbm>>
      %dma_start3A_161 = tpu.memref_squeeze %dma_start3A_160 : memref<1x640x32xf32, #tpu.memory_space<hbm>> -> memref<640x32xf32, #tpu.memory_space<hbm>>
      %dma_start3A_162 = arith.constant 0 : i32
      %dma_start3A_163 = tpu.memref_slice %arg16[%multiple_of3A, %dma_start3A_162] : memref<10240x32xf32, #tpu.memory_space<vmem_shared>> -> memref<640x32xf32, #tpu.memory_space<vmem_shared>>
      tpu.enqueue_dma source(%dma_start3A_163 : memref<640x32xf32, #tpu.memory_space<vmem_shared>>) target(%dma_start3A_161 : memref<640x32xf32, #tpu.memory_space<hbm>>) target_semaphore(%run_scoped3A : memref<!tpu.dma_semaphore, #tpu.memory_space<semaphore_mem>>)
      %dma_wait3A_164 = arith.constant 0 : i32
      %dma_wait3A_165 = tpu.memref_slice %arg7[%arg0, %multiple_of3A, %dma_wait3A_164] : memref<2x10240x32xf32, #tpu.memory_space<hbm>> -> memref<1x640x32xf32, #tpu.memory_space<hbm>>
      %dma_wait3A_166 = tpu.memref_squeeze %dma_wait3A_165 : memref<1x640x32xf32, #tpu.memory_space<hbm>> -> memref<640x32xf32, #tpu.memory_space<hbm>>
      %dma_wait3A_167 = arith.constant 0 : i32
      %dma_wait3A_168 = tpu.memref_slice %arg16[%multiple_of3A, %dma_wait3A_167] : memref<10240x32xf32, #tpu.memory_space<vmem_shared>> -> memref<640x32xf32, #tpu.memory_space<vmem_shared>>
      tpu.wait_dma2 semaphore(%run_scoped3A : memref<!tpu.dma_semaphore, #tpu.memory_space<semaphore_mem>>) src(%dma_wait3A_168 : memref<640x32xf32, #tpu.memory_space<vmem_shared>>) dst(%dma_wait3A_166 : memref<640x32xf32, #tpu.memory_space<hbm>>)
      tpu.yield
    }) : () -> ()
    return
  }
}

#map = affine_map<(d0, d1) -> (0, 0, 0)>
#map1 = affine_map<(d0, d1) -> (0, 0)>
module attributes {stable_mosaic.version = 14 : i64} {
  func.func @k(%arg0: i32, %arg1: i32, %arg2: memref<2x10000x64xf32, #tpu.memory_space<hbm>>, %arg3: memref<2x160000x128xf32, #tpu.memory_space<hbm>>, %arg4: memref<16x250x80xi32, #tpu.memory_space<hbm>>, %arg5: memref<16x250x80xi32, #tpu.memory_space<hbm>>, %arg6: memref<10240x64xf32, #tpu.memory_space<hbm>>, %arg7: memref<2x10240x64xf32, #tpu.memory_space<hbm>>, %arg8: memref<250x80xi32, #tpu.memory_space<vmem>>, %arg9: memref<250x80xi32, #tpu.memory_space<vmem>>, %arg10: memref<80x64xf32, #tpu.memory_space<vmem>>, %arg11: memref<80x64xf32, #tpu.memory_space<vmem>>, %arg12: memref<80x64xf32, #tpu.memory_space<vmem>>, %arg13: memref<80x64xf32, #tpu.memory_space<vmem>>, %arg14: memref<80x64xf32, #tpu.memory_space<vmem>>, %arg15: memref<80x64xf32, #tpu.memory_space<vmem>>, %arg16: memref<10240x64xf32, #tpu.memory_space<vmem_shared>>, %arg17: memref<!tpu.dma_semaphore, #tpu.memory_space<semaphore_mem>>, %arg18: memref<!tpu.dma_semaphore, #tpu.memory_space<semaphore_mem>>, %arg19: memref<!tpu.dma_semaphore, #tpu.memory_space<semaphore_mem>>, %arg20: memref<!tpu.dma_semaphore, #tpu.memory_space<semaphore_mem>>, %arg21: memref<!tpu.dma_semaphore, #tpu.memory_space<semaphore_mem>>, %arg22: memref<!tpu.dma_semaphore, #tpu.memory_space<semaphore_mem>>) attributes {dimension_semantics = [#tpu.dimension_semantics<core_parallel>, #tpu.dimension_semantics<subcore_parallel>], iteration_bounds = array<i64: 2, 16>, scalar_prefetch = 0 : i64, scratch_operands = 15 : i64, tpu.core_type = #tpu.core_type<sc_vector_subcore>, window_params = [{transform_indices = #map}, {transform_indices = #map}, {transform_indices = #map}, {transform_indices = #map}, {transform_indices = #map1}, {transform_indices = #map}]} {
    %mul3A = arith.constant 640 : i32
    %mul3A_0 = arith.muli %arg1, %mul3A : i32
    %multiple_of3A = tpu.assume_multiple %mul3A_0, 8 : i32
    "tpu.region"() ({
      %run_scoped3A = tpu.sem_alloc : memref<!tpu.dma_semaphore, #tpu.memory_space<semaphore_mem>>
      %dma_start3A_180 = arith.constant 0 : i32
      %dma_start3A_181 = tpu.memref_slice %arg16[%multiple_of3A, %dma_start3A_180] : memref<10240x64xf32, #tpu.memory_space<vmem_shared>> -> memref<640x64xf32, #tpu.memory_space<vmem_shared>>
      %dma_start3A_182 = arith.constant 0 : i32
      %dma_start3A_183 = tpu.memref_slice %arg6[%multiple_of3A, %dma_start3A_182] : memref<10240x64xf32, #tpu.memory_space<hbm>> -> memref<640x64xf32, #tpu.memory_space<hbm>>
      tpu.enqueue_dma source(%dma_start3A_183 : memref<640x64xf32, #tpu.memory_space<hbm>>) target(%dma_start3A_181 : memref<640x64xf32, #tpu.memory_space<vmem_shared>>) target_semaphore(%run_scoped3A : memref<!tpu.dma_semaphore, #tpu.memory_space<semaphore_mem>>)
      %dma_wait3A_184 = arith.constant 0 : i32
      %dma_wait3A_185 = tpu.memref_slice %arg16[%multiple_of3A, %dma_wait3A_184] : memref<10240x64xf32, #tpu.memory_space<vmem_shared>> -> memref<640x64xf32, #tpu.memory_space<vmem_shared>>
      %dma_wait3A_186 = arith.constant 0 : i32
      %dma_wait3A_187 = tpu.memref_slice %arg6[%multiple_of3A, %dma_wait3A_186] : memref<10240x64xf32, #tpu.memory_space<hbm>> -> memref<640x64xf32, #tpu.memory_space<hbm>>
      tpu.wait_dma2 semaphore(%run_scoped3A : memref<!tpu.dma_semaphore, #tpu.memory_space<semaphore_mem>>) src(%dma_wait3A_187 : memref<640x64xf32, #tpu.memory_space<hbm>>) dst(%dma_wait3A_185 : memref<640x64xf32, #tpu.memory_space<vmem_shared>>)
      tpu.yield
    }) : () -> ()
    "tpu.region"() ({
      %run_scoped3A = tpu.sem_alloc : memref<!tpu.dma_semaphore, #tpu.memory_space<semaphore_mem>>
      %dma_start3A_180 = arith.constant 0 : i32
      %dma_start3A_181 = arith.constant 0 : i32
      %dma_start3A_182 = tpu.memref_slice %arg4[%arg1, %dma_start3A_180, %dma_start3A_181] : memref<16x250x80xi32, #tpu.memory_space<hbm>> -> memref<1x250x80xi32, #tpu.memory_space<hbm>>
      %dma_start3A_183 = tpu.memref_squeeze %dma_start3A_182 : memref<1x250x80xi32, #tpu.memory_space<hbm>> -> memref<250x80xi32, #tpu.memory_space<hbm>>
      %dma_start3A_184 = arith.constant 0 : i32
      %dma_start3A_185 = arith.constant 0 : i32
      %dma_start3A_186 = tpu.memref_slice %arg4[%arg1, %dma_start3A_184, %dma_start3A_185] : memref<16x250x80xi32, #tpu.memory_space<hbm>> -> memref<1x250x80xi32, #tpu.memory_space<hbm>>
      %dma_start3A_187 = tpu.memref_squeeze %dma_start3A_186 : memref<1x250x80xi32, #tpu.memory_space<hbm>> -> memref<250x80xi32, #tpu.memory_space<hbm>>
      tpu.enqueue_dma source(%dma_start3A_187 : memref<250x80xi32, #tpu.memory_space<hbm>>) target(%arg8 : memref<250x80xi32, #tpu.memory_space<vmem>>) target_semaphore(%run_scoped3A : memref<!tpu.dma_semaphore, #tpu.memory_space<semaphore_mem>>)
      %dma_wait3A_188 = arith.constant 0 : i32
      %dma_wait3A_189 = arith.constant 0 : i32
      %dma_wait3A_190 = tpu.memref_slice %arg4[%arg1, %dma_wait3A_188, %dma_wait3A_189] : memref<16x250x80xi32, #tpu.memory_space<hbm>> -> memref<1x250x80xi32, #tpu.memory_space<hbm>>
      %dma_wait3A_191 = tpu.memref_squeeze %dma_wait3A_190 : memref<1x250x80xi32, #tpu.memory_space<hbm>> -> memref<250x80xi32, #tpu.memory_space<hbm>>
      %dma_wait3A_192 = arith.constant 0 : i32
      %dma_wait3A_193 = arith.constant 0 : i32
      %dma_wait3A_194 = tpu.memref_slice %arg4[%arg1, %dma_wait3A_192, %dma_wait3A_193] : memref<16x250x80xi32, #tpu.memory_space<hbm>> -> memref<1x250x80xi32, #tpu.memory_space<hbm>>
      %dma_wait3A_195 = tpu.memref_squeeze %dma_wait3A_194 : memref<1x250x80xi32, #tpu.memory_space<hbm>> -> memref<250x80xi32, #tpu.memory_space<hbm>>
      tpu.wait_dma2 semaphore(%run_scoped3A : memref<!tpu.dma_semaphore, #tpu.memory_space<semaphore_mem>>) src(%dma_wait3A_195 : memref<250x80xi32, #tpu.memory_space<hbm>>) dst(%arg8 : memref<250x80xi32, #tpu.memory_space<vmem>>)
      tpu.yield
    }) : () -> ()
    "tpu.region"() ({
      %run_scoped3A = tpu.sem_alloc : memref<!tpu.dma_semaphore, #tpu.memory_space<semaphore_mem>>
      %dma_start3A_180 = arith.constant 0 : i32
      %dma_start3A_181 = arith.constant 0 : i32
      %dma_start3A_182 = tpu.memref_slice %arg5[%arg1, %dma_start3A_180, %dma_start3A_181] : memref<16x250x80xi32, #tpu.memory_space<hbm>> -> memref<1x250x80xi32, #tpu.memory_space<hbm>>
      %dma_start3A_183 = tpu.memref_squeeze %dma_start3A_182 : memref<1x250x80xi32, #tpu.memory_space<hbm>> -> memref<250x80xi32, #tpu.memory_space<hbm>>
      %dma_start3A_184 = arith.constant 0 : i32
      %dma_start3A_185 = arith.constant 0 : i32
      %dma_start3A_186 = tpu.memref_slice %arg5[%arg1, %dma_start3A_184, %dma_start3A_185] : memref<16x250x80xi32, #tpu.memory_space<hbm>> -> memref<1x250x80xi32, #tpu.memory_space<hbm>>
      %dma_start3A_187 = tpu.memref_squeeze %dma_start3A_186 : memref<1x250x80xi32, #tpu.memory_space<hbm>> -> memref<250x80xi32, #tpu.memory_space<hbm>>
      tpu.enqueue_dma source(%dma_start3A_187 : memref<250x80xi32, #tpu.memory_space<hbm>>) target(%arg9 : memref<250x80xi32, #tpu.memory_space<vmem>>) target_semaphore(%run_scoped3A : memref<!tpu.dma_semaphore, #tpu.memory_space<semaphore_mem>>)
      %dma_wait3A_188 = arith.constant 0 : i32
      %dma_wait3A_189 = arith.constant 0 : i32
      %dma_wait3A_190 = tpu.memref_slice %arg5[%arg1, %dma_wait3A_188, %dma_wait3A_189] : memref<16x250x80xi32, #tpu.memory_space<hbm>> -> memref<1x250x80xi32, #tpu.memory_space<hbm>>
      %dma_wait3A_191 = tpu.memref_squeeze %dma_wait3A_190 : memref<1x250x80xi32, #tpu.memory_space<hbm>> -> memref<250x80xi32, #tpu.memory_space<hbm>>
      %dma_wait3A_192 = arith.constant 0 : i32
      %dma_wait3A_193 = arith.constant 0 : i32
      %dma_wait3A_194 = tpu.memref_slice %arg5[%arg1, %dma_wait3A_192, %dma_wait3A_193] : memref<16x250x80xi32, #tpu.memory_space<hbm>> -> memref<1x250x80xi32, #tpu.memory_space<hbm>>
      %dma_wait3A_195 = tpu.memref_squeeze %dma_wait3A_194 : memref<1x250x80xi32, #tpu.memory_space<hbm>> -> memref<250x80xi32, #tpu.memory_space<hbm>>
      tpu.wait_dma2 semaphore(%run_scoped3A : memref<!tpu.dma_semaphore, #tpu.memory_space<semaphore_mem>>) src(%dma_wait3A_195 : memref<250x80xi32, #tpu.memory_space<hbm>>) dst(%arg9 : memref<250x80xi32, #tpu.memory_space<vmem>>)
      tpu.yield
    }) : () -> ()
    %barrier3A = arith.constant 0 : index
    tpu.barrier barrier_id(%barrier3A)
    %mul3A_1 = arith.constant 20000 : i32
    %mul3A_2 = arith.muli %arg1, %mul3A_1 : i32
    %add3A = arith.constant 0 : i32
    %add3A_3 = arith.addi %mul3A_2, %add3A : i32
    %jit3A = arith.constant 1600 : i32
    %div3A = arith.divsi %add3A_3, %jit3A : i32
    %sign3A = arith.constant 0 : i32
    %sign3A_4 = arith.cmpi sgt, %add3A_3, %sign3A : i32
    %sign3A_5 = arith.extui %sign3A_4 : i1 to i32
    %sign3A_6 = arith.constant 0 : i32
    %sign3A_7 = arith.cmpi slt, %add3A_3, %sign3A_6 : i32
    %sign3A_8 = arith.extui %sign3A_7 : i1 to i32
    %sign3A_9 = arith.subi %sign3A_5, %sign3A_8 : i32
    %sign3A_10 = arith.constant 0 : i32
    %sign3A_11 = arith.cmpi sgt, %jit3A, %sign3A_10 : i32
    %sign3A_12 = arith.extui %sign3A_11 : i1 to i32
    %sign3A_13 = arith.constant 0 : i32
    %sign3A_14 = arith.cmpi slt, %jit3A, %sign3A_13 : i32
    %sign3A_15 = arith.extui %sign3A_14 : i1 to i32
    %sign3A_16 = arith.subi %sign3A_12, %sign3A_15 : i32
    %ne3A = arith.cmpi ne, %sign3A_9, %sign3A_16 : i32
    %rem3A = arith.remsi %add3A_3, %jit3A : i32
    %ne3A_17 = arith.constant 0 : i32
    %ne3A_18 = arith.cmpi ne, %rem3A, %ne3A_17 : i32
    %and3A = arith.andi %ne3A, %ne3A_18 : i1
    %sub3A = arith.constant 1 : i32
    %sub3A_19 = arith.subi %div3A, %sub3A : i32
    %select_n3A = arith.select %and3A, %sub3A_19, %div3A : i32
    %mul3A_20 = arith.constant 1600 : i32
    %mul3A_21 = arith.muli %select_n3A, %mul3A_20 : i32
    %sub3A_22 = arith.subi %add3A_3, %mul3A_21 : i32
    %jit3A_23 = arith.constant 800 : i32
    %div3A_24 = arith.divsi %sub3A_22, %jit3A_23 : i32
    %sign3A_25 = arith.constant 0 : i32
    %sign3A_26 = arith.cmpi sgt, %sub3A_22, %sign3A_25 : i32
    %sign3A_27 = arith.extui %sign3A_26 : i1 to i32
    %sign3A_28 = arith.constant 0 : i32
    %sign3A_29 = arith.cmpi slt, %sub3A_22, %sign3A_28 : i32
    %sign3A_30 = arith.extui %sign3A_29 : i1 to i32
    %sign3A_31 = arith.subi %sign3A_27, %sign3A_30 : i32
    %sign3A_32 = arith.constant 0 : i32
    %sign3A_33 = arith.cmpi sgt, %jit3A_23, %sign3A_32 : i32
    %sign3A_34 = arith.extui %sign3A_33 : i1 to i32
    %sign3A_35 = arith.constant 0 : i32
    %sign3A_36 = arith.cmpi slt, %jit3A_23, %sign3A_35 : i32
    %sign3A_37 = arith.extui %sign3A_36 : i1 to i32
    %sign3A_38 = arith.subi %sign3A_34, %sign3A_37 : i32
    %ne3A_39 = arith.cmpi ne, %sign3A_31, %sign3A_38 : i32
    %rem3A_40 = arith.remsi %sub3A_22, %jit3A_23 : i32
    %ne3A_41 = arith.constant 0 : i32
    %ne3A_42 = arith.cmpi ne, %rem3A_40, %ne3A_41 : i32
    %and3A_43 = arith.andi %ne3A_39, %ne3A_42 : i1
    %sub3A_44 = arith.constant 1 : i32
    %sub3A_45 = arith.subi %div3A_24, %sub3A_44 : i32
    %select_n3A_46 = arith.select %and3A_43, %sub3A_45, %div3A_24 : i32
    %mul3A_47 = arith.constant 800 : i32
    %mul3A_48 = arith.muli %select_n3A, %mul3A_47 : i32
    %add3A_49 = arith.addi %mul3A_48, %sub3A_22 : i32
    %mul3A_50 = arith.constant 800 : i32
    %mul3A_51 = arith.muli %select_n3A_46, %mul3A_50 : i32
    %sub3A_52 = arith.subi %add3A_49, %mul3A_51 : i32
    %multiple_of3A_53 = tpu.assume_multiple %sub3A_52, 8 : i32
    %mul3A_54 = arith.constant 64 : i32
    %mul3A_55 = arith.muli %select_n3A_46, %mul3A_54 : i32
    %multiple_of3A_56 = tpu.assume_multiple %mul3A_55, 8 : i32
    %dma_start3A = arith.constant 0 : i32
    %dma_start3A_57 = arith.constant 0 : i32
    %dma_start3A_58 = tpu.memref_slice %arg3[%arg0, %dma_start3A, %dma_start3A_57] : memref<2x160000x128xf32, #tpu.memory_space<hbm>> -> memref<1x160000x128xf32, #tpu.memory_space<hbm>>
    %dma_start3A_59 = tpu.memref_squeeze %dma_start3A_58 : memref<1x160000x128xf32, #tpu.memory_space<hbm>> -> memref<160000x128xf32, #tpu.memory_space<hbm>>
    %dma_start3A_60 = tpu.memref_slice %dma_start3A_59[%multiple_of3A_53, %multiple_of3A_56] : memref<160000x128xf32, #tpu.memory_space<hbm>> -> memref<80x64xf32, #tpu.memory_space<hbm>>
    %dma_start3A_61 = arith.constant 0 : i32
    %dma_start3A_62 = arith.constant 0 : i32
    %dma_start3A_63 = tpu.memref_slice %arg3[%arg0, %dma_start3A_61, %dma_start3A_62] : memref<2x160000x128xf32, #tpu.memory_space<hbm>> -> memref<1x160000x128xf32, #tpu.memory_space<hbm>>
    %dma_start3A_64 = tpu.memref_squeeze %dma_start3A_63 : memref<1x160000x128xf32, #tpu.memory_space<hbm>> -> memref<160000x128xf32, #tpu.memory_space<hbm>>
    %dma_start3A_65 = tpu.memref_slice %dma_start3A_64[%multiple_of3A_53, %multiple_of3A_56] : memref<160000x128xf32, #tpu.memory_space<hbm>> -> memref<80x64xf32, #tpu.memory_space<hbm>>
    tpu.enqueue_dma source(%dma_start3A_65 : memref<80x64xf32, #tpu.memory_space<hbm>>) target(%arg10 : memref<80x64xf32, #tpu.memory_space<vmem>>) target_semaphore(%arg17 : memref<!tpu.dma_semaphore, #tpu.memory_space<semaphore_mem>>)
    %dma_start3A_66 = arith.constant 0 : i32
    %dma_start3A_67 = arith.constant 0 : i32
    %dma_start3A_68 = tpu.memref_slice %arg8[%dma_start3A_66, %dma_start3A_67] : memref<250x80xi32, #tpu.memory_space<vmem>> -> memref<1x80xi32, #tpu.memory_space<vmem>>
    %dma_start3A_69 = tpu.memref_squeeze %dma_start3A_68 : memref<1x80xi32, #tpu.memory_space<vmem>> -> memref<80xi32, #tpu.memory_space<vmem>>
    %dma_start3A_70 = arith.constant 0 : i32
    %dma_start3A_71 = arith.constant 0 : i32
    %dma_start3A_72 = tpu.memref_slice %arg2[%arg0, %dma_start3A_70, %dma_start3A_71] : memref<2x10000x64xf32, #tpu.memory_space<hbm>> -> memref<1x10000x64xf32, #tpu.memory_space<hbm>>
    %dma_start3A_73 = tpu.memref_squeeze %dma_start3A_72 : memref<1x10000x64xf32, #tpu.memory_space<hbm>> -> memref<10000x64xf32, #tpu.memory_space<hbm>>
    %dma_start3A_74 = arith.constant 0 : i32
    %dma_start3A_75 = arith.constant 0 : i32
    %dma_start3A_76 = tpu.memref_slice %dma_start3A_73[%dma_start3A_74, %dma_start3A_75] : memref<10000x64xf32, #tpu.memory_space<hbm>> -> memref<10000x64xf32, #tpu.memory_space<hbm>>
    tpu.enqueue_indirect_dma source(%dma_start3A_76 : memref<10000x64xf32, #tpu.memory_space<hbm>>) target(%arg12 : memref<80x64xf32, #tpu.memory_space<vmem>>) offsets(%dma_start3A_69 : memref<80xi32, #tpu.memory_space<vmem>>) semaphore(%arg19 : memref<!tpu.dma_semaphore, #tpu.memory_space<semaphore_mem>>)
    %add3A_77 = arith.constant 80 : i32
    %add3A_78 = arith.addi %mul3A_2, %add3A_77 : i32
    %jit3A_79 = arith.constant 1600 : i32
    %div3A_80 = arith.divsi %add3A_78, %jit3A_79 : i32
    %sign3A_81 = arith.constant 0 : i32
    %sign3A_82 = arith.cmpi sgt, %add3A_78, %sign3A_81 : i32
    %sign3A_83 = arith.extui %sign3A_82 : i1 to i32
    %sign3A_84 = arith.constant 0 : i32
    %sign3A_85 = arith.cmpi slt, %add3A_78, %sign3A_84 : i32
    %sign3A_86 = arith.extui %sign3A_85 : i1 to i32
    %sign3A_87 = arith.subi %sign3A_83, %sign3A_86 : i32
    %sign3A_88 = arith.constant 0 : i32
    %sign3A_89 = arith.cmpi sgt, %jit3A_79, %sign3A_88 : i32
    %sign3A_90 = arith.extui %sign3A_89 : i1 to i32
    %sign3A_91 = arith.constant 0 : i32
    %sign3A_92 = arith.cmpi slt, %jit3A_79, %sign3A_91 : i32
    %sign3A_93 = arith.extui %sign3A_92 : i1 to i32
    %sign3A_94 = arith.subi %sign3A_90, %sign3A_93 : i32
    %ne3A_95 = arith.cmpi ne, %sign3A_87, %sign3A_94 : i32
    %rem3A_96 = arith.remsi %add3A_78, %jit3A_79 : i32
    %ne3A_97 = arith.constant 0 : i32
    %ne3A_98 = arith.cmpi ne, %rem3A_96, %ne3A_97 : i32
    %and3A_99 = arith.andi %ne3A_95, %ne3A_98 : i1
    %sub3A_100 = arith.constant 1 : i32
    %sub3A_101 = arith.subi %div3A_80, %sub3A_100 : i32
    %select_n3A_102 = arith.select %and3A_99, %sub3A_101, %div3A_80 : i32
    %mul3A_103 = arith.constant 1600 : i32
    %mul3A_104 = arith.muli %select_n3A_102, %mul3A_103 : i32
    %sub3A_105 = arith.subi %add3A_78, %mul3A_104 : i32
    %jit3A_106 = arith.constant 800 : i32
    %div3A_107 = arith.divsi %sub3A_105, %jit3A_106 : i32
    %sign3A_108 = arith.constant 0 : i32
    %sign3A_109 = arith.cmpi sgt, %sub3A_105, %sign3A_108 : i32
    %sign3A_110 = arith.extui %sign3A_109 : i1 to i32
    %sign3A_111 = arith.constant 0 : i32
    %sign3A_112 = arith.cmpi slt, %sub3A_105, %sign3A_111 : i32
    %sign3A_113 = arith.extui %sign3A_112 : i1 to i32
    %sign3A_114 = arith.subi %sign3A_110, %sign3A_113 : i32
    %sign3A_115 = arith.constant 0 : i32
    %sign3A_116 = arith.cmpi sgt, %jit3A_106, %sign3A_115 : i32
    %sign3A_117 = arith.extui %sign3A_116 : i1 to i32
    %sign3A_118 = arith.constant 0 : i32
    %sign3A_119 = arith.cmpi slt, %jit3A_106, %sign3A_118 : i32
    %sign3A_120 = arith.extui %sign3A_119 : i1 to i32
    %sign3A_121 = arith.subi %sign3A_117, %sign3A_120 : i32
    %ne3A_122 = arith.cmpi ne, %sign3A_114, %sign3A_121 : i32
    %rem3A_123 = arith.remsi %sub3A_105, %jit3A_106 : i32
    %ne3A_124 = arith.constant 0 : i32
    %ne3A_125 = arith.cmpi ne, %rem3A_123, %ne3A_124 : i32
    %and3A_126 = arith.andi %ne3A_122, %ne3A_125 : i1
    %sub3A_127 = arith.constant 1 : i32
    %sub3A_128 = arith.subi %div3A_107, %sub3A_127 : i32
    %select_n3A_129 = arith.select %and3A_126, %sub3A_128, %div3A_107 : i32
    %mul3A_130 = arith.constant 800 : i32
    %mul3A_131 = arith.muli %select_n3A_102, %mul3A_130 : i32
    %add3A_132 = arith.addi %mul3A_131, %sub3A_105 : i32
    %mul3A_133 = arith.constant 800 : i32
    %mul3A_134 = arith.muli %select_n3A_129, %mul3A_133 : i32
    %sub3A_135 = arith.subi %add3A_132, %mul3A_134 : i32
    %multiple_of3A_136 = tpu.assume_multiple %sub3A_135, 8 : i32
    %mul3A_137 = arith.constant 64 : i32
    %mul3A_138 = arith.muli %select_n3A_129, %mul3A_137 : i32
    %multiple_of3A_139 = tpu.assume_multiple %mul3A_138, 8 : i32
    %dma_start3A_140 = arith.constant 0 : i32
    %dma_start3A_141 = arith.constant 0 : i32
    %dma_start3A_142 = tpu.memref_slice %arg3[%arg0, %dma_start3A_140, %dma_start3A_141] : memref<2x160000x128xf32, #tpu.memory_space<hbm>> -> memref<1x160000x128xf32, #tpu.memory_space<hbm>>
    %dma_start3A_143 = tpu.memref_squeeze %dma_start3A_142 : memref<1x160000x128xf32, #tpu.memory_space<hbm>> -> memref<160000x128xf32, #tpu.memory_space<hbm>>
    %dma_start3A_144 = tpu.memref_slice %dma_start3A_143[%multiple_of3A_136, %multiple_of3A_139] : memref<160000x128xf32, #tpu.memory_space<hbm>> -> memref<80x64xf32, #tpu.memory_space<hbm>>
    %dma_start3A_145 = arith.constant 0 : i32
    %dma_start3A_146 = arith.constant 0 : i32
    %dma_start3A_147 = tpu.memref_slice %arg3[%arg0, %dma_start3A_145, %dma_start3A_146] : memref<2x160000x128xf32, #tpu.memory_space<hbm>> -> memref<1x160000x128xf32, #tpu.memory_space<hbm>>
    %dma_start3A_148 = tpu.memref_squeeze %dma_start3A_147 : memref<1x160000x128xf32, #tpu.memory_space<hbm>> -> memref<160000x128xf32, #tpu.memory_space<hbm>>
    %dma_start3A_149 = tpu.memref_slice %dma_start3A_148[%multiple_of3A_136, %multiple_of3A_139] : memref<160000x128xf32, #tpu.memory_space<hbm>> -> memref<80x64xf32, #tpu.memory_space<hbm>>
    tpu.enqueue_dma source(%dma_start3A_149 : memref<80x64xf32, #tpu.memory_space<hbm>>) target(%arg11 : memref<80x64xf32, #tpu.memory_space<vmem>>) target_semaphore(%arg18 : memref<!tpu.dma_semaphore, #tpu.memory_space<semaphore_mem>>)
    %dma_start3A_150 = arith.constant 1 : i32
    %dma_start3A_151 = arith.constant 0 : i32
    %dma_start3A_152 = tpu.memref_slice %arg8[%dma_start3A_150, %dma_start3A_151] : memref<250x80xi32, #tpu.memory_space<vmem>> -> memref<1x80xi32, #tpu.memory_space<vmem>>
    %dma_start3A_153 = tpu.memref_squeeze %dma_start3A_152 : memref<1x80xi32, #tpu.memory_space<vmem>> -> memref<80xi32, #tpu.memory_space<vmem>>
    %dma_start3A_154 = arith.constant 0 : i32
    %dma_start3A_155 = arith.constant 0 : i32
    %dma_start3A_156 = tpu.memref_slice %arg2[%arg0, %dma_start3A_154, %dma_start3A_155] : memref<2x10000x64xf32, #tpu.memory_space<hbm>> -> memref<1x10000x64xf32, #tpu.memory_space<hbm>>
    %dma_start3A_157 = tpu.memref_squeeze %dma_start3A_156 : memref<1x10000x64xf32, #tpu.memory_space<hbm>> -> memref<10000x64xf32, #tpu.memory_space<hbm>>
    %dma_start3A_158 = arith.constant 0 : i32
    %dma_start3A_159 = arith.constant 0 : i32
    %dma_start3A_160 = tpu.memref_slice %dma_start3A_157[%dma_start3A_158, %dma_start3A_159] : memref<10000x64xf32, #tpu.memory_space<hbm>> -> memref<10000x64xf32, #tpu.memory_space<hbm>>
    tpu.enqueue_indirect_dma source(%dma_start3A_160 : memref<10000x64xf32, #tpu.memory_space<hbm>>) target(%arg13 : memref<80x64xf32, #tpu.memory_space<vmem>>) offsets(%dma_start3A_153 : memref<80xi32, #tpu.memory_space<vmem>>) semaphore(%arg20 : memref<!tpu.dma_semaphore, #tpu.memory_space<semaphore_mem>>)
    %scan3A = arith.constant 0 : i32
    %scan3A_161 = arith.constant 0 : i32
    %scan3A_162 = arith.constant 125 : i32
    %scan3A_163 = arith.addi %scan3A_161, %scan3A_162 : i32
    %scan3A_164 = arith.constant 1 : i32
    scf.for %scan3A_180 = %scan3A_161 to %scan3A_163 step %scan3A_164  : i32 {
      %mul3A_181 = arith.constant 2 : i32
      %mul3A_182 = arith.muli %mul3A_181, %scan3A_180 : i32
      %dma_wait3A_183 = arith.constant 0 : i32
      %dma_wait3A_184 = arith.constant 0 : i32
      %dma_wait3A_185 = tpu.memref_slice %arg3[%arg0, %dma_wait3A_183, %dma_wait3A_184] : memref<2x160000x128xf32, #tpu.memory_space<hbm>> -> memref<1x160000x128xf32, #tpu.memory_space<hbm>>
      %dma_wait3A_186 = tpu.memref_squeeze %dma_wait3A_185 : memref<1x160000x128xf32, #tpu.memory_space<hbm>> -> memref<160000x128xf32, #tpu.memory_space<hbm>>
      %dma_wait3A_187 = arith.constant 0 : i32
      %dma_wait3A_188 = arith.constant 0 : i32
      %dma_wait3A_189 = tpu.memref_slice %dma_wait3A_186[%dma_wait3A_187, %dma_wait3A_188] : memref<160000x128xf32, #tpu.memory_space<hbm>> -> memref<80x64xf32, #tpu.memory_space<hbm>>
      %dma_wait3A_190 = arith.constant 0 : i32
      %dma_wait3A_191 = arith.constant 0 : i32
      %dma_wait3A_192 = tpu.memref_slice %arg3[%arg0, %dma_wait3A_190, %dma_wait3A_191] : memref<2x160000x128xf32, #tpu.memory_space<hbm>> -> memref<1x160000x128xf32, #tpu.memory_space<hbm>>
      %dma_wait3A_193 = tpu.memref_squeeze %dma_wait3A_192 : memref<1x160000x128xf32, #tpu.memory_space<hbm>> -> memref<160000x128xf32, #tpu.memory_space<hbm>>
      %dma_wait3A_194 = arith.constant 0 : i32
      %dma_wait3A_195 = arith.constant 0 : i32
      %dma_wait3A_196 = tpu.memref_slice %dma_wait3A_193[%dma_wait3A_194, %dma_wait3A_195] : memref<160000x128xf32, #tpu.memory_space<hbm>> -> memref<80x64xf32, #tpu.memory_space<hbm>>
      tpu.wait_dma2 semaphore(%arg17 : memref<!tpu.dma_semaphore, #tpu.memory_space<semaphore_mem>>) src(%dma_wait3A_196 : memref<80x64xf32, #tpu.memory_space<hbm>>) dst(%arg10 : memref<80x64xf32, #tpu.memory_space<vmem>>)
      %dma_wait3A_197 = arith.constant 0 : i32
      %dma_wait3A_198 = arith.constant 0 : i32
      %dma_wait3A_199 = tpu.memref_slice %arg8[%dma_wait3A_197, %dma_wait3A_198] : memref<250x80xi32, #tpu.memory_space<vmem>> -> memref<1x80xi32, #tpu.memory_space<vmem>>
      %dma_wait3A_200 = tpu.memref_squeeze %dma_wait3A_199 : memref<1x80xi32, #tpu.memory_space<vmem>> -> memref<80xi32, #tpu.memory_space<vmem>>
      %dma_wait3A_201 = arith.constant 0 : i32
      %dma_wait3A_202 = arith.constant 0 : i32
      %dma_wait3A_203 = tpu.memref_slice %arg2[%arg0, %dma_wait3A_201, %dma_wait3A_202] : memref<2x10000x64xf32, #tpu.memory_space<hbm>> -> memref<1x10000x64xf32, #tpu.memory_space<hbm>>
      %dma_wait3A_204 = tpu.memref_squeeze %dma_wait3A_203 : memref<1x10000x64xf32, #tpu.memory_space<hbm>> -> memref<10000x64xf32, #tpu.memory_space<hbm>>
      %dma_wait3A_205 = arith.constant 0 : i32
      %dma_wait3A_206 = arith.constant 0 : i32
      %dma_wait3A_207 = tpu.memref_slice %dma_wait3A_204[%dma_wait3A_205, %dma_wait3A_206] : memref<10000x64xf32, #tpu.memory_space<hbm>> -> memref<10000x64xf32, #tpu.memory_space<hbm>>
      tpu.wait_indirect_dma semaphore(%arg19 : memref<!tpu.dma_semaphore, #tpu.memory_space<semaphore_mem>>) src(%dma_wait3A_207 : memref<10000x64xf32, #tpu.memory_space<hbm>>) dst(%arg12 : memref<80x64xf32, #tpu.memory_space<vmem>>)
      %ge3A = arith.constant 2 : i32
      %ge3A_208 = arith.cmpi sge, %mul3A_182, %ge3A : i32
      %convert_element_type3A = arith.extui %ge3A_208 : i1 to i32
      %cond3A = arith.constant 0 : i32
      %cond3A_209 = arith.cmpi ne, %convert_element_type3A, %cond3A : i32
      scf.if %cond3A_209 {
        %dma_wait3A_234 = arith.constant 0 : i32
        %dma_wait3A_235 = arith.constant 0 : i32
        %dma_wait3A_236 = tpu.memref_slice %arg9[%dma_wait3A_234, %dma_wait3A_235] : memref<250x80xi32, #tpu.memory_space<vmem>> -> memref<1x80xi32, #tpu.memory_space<vmem>>
        %dma_wait3A_237 = tpu.memref_squeeze %dma_wait3A_236 : memref<1x80xi32, #tpu.memory_space<vmem>> -> memref<80xi32, #tpu.memory_space<vmem>>
        %dma_wait3A_238 = arith.constant 0 : i32
        %dma_wait3A_239 = arith.constant 0 : i32
        %dma_wait3A_240 = tpu.memref_slice %arg16[%dma_wait3A_238, %dma_wait3A_239] : memref<10240x64xf32, #tpu.memory_space<vmem_shared>> -> memref<10240x64xf32, #tpu.memory_space<vmem_shared>>
        tpu.wait_indirect_dma semaphore(%arg21 : memref<!tpu.dma_semaphore, #tpu.memory_space<semaphore_mem>>) src(%arg14 : memref<80x64xf32, #tpu.memory_space<vmem>>) dst(%dma_wait3A_240 : memref<10240x64xf32, #tpu.memory_space<vmem_shared>>)
      } else {
      }
      %scan3A_210 = arith.constant 0 : i32
      %scan3A_211 = arith.constant 0 : i32
      %scan3A_212 = arith.constant 80 : i32
      %scan3A_213 = arith.addi %scan3A_211, %scan3A_212 : i32
      %scan3A_214 = arith.constant 1 : i32
      scf.for %scan3A_234 = %scan3A_211 to %scan3A_213 step %scan3A_214  : i32 {
        %get3A = arith.index_cast %scan3A_234 : i32 to index
        %get3A_235 = arith.constant 0 : index
        %get3A_236 = tpu.vector_load %arg12[%get3A, %get3A_235] {strides = array<i32>} : memref<80x64xf32, #tpu.memory_space<vmem>>, vector<1x16xf32>,
        %get3A_237 = vector.shape_cast %get3A_236 : vector<1x16xf32> to vector<16xf32>
        %get3A_238 = arith.index_cast %scan3A_234 : i32 to index
        %get3A_239 = arith.constant 0 : index
        %get3A_240 = tpu.vector_load %arg10[%get3A_238, %get3A_239] {strides = array<i32>} : memref<80x64xf32, #tpu.memory_space<vmem>>, vector<1x16xf32>,
        %get3A_241 = vector.shape_cast %get3A_240 : vector<1x16xf32> to vector<16xf32>
        %add3A_242 = arith.addf %get3A_237, %get3A_241 : vector<16xf32>
        %max3A = arith.constant 0.000000e+00 : f32
        %max3A_243 = vector.broadcast %max3A : f32 to vector<16xf32>
        %max3A_244 = arith.maximumf %add3A_242, %max3A_243 : vector<16xf32>
        %swap3A = arith.index_cast %scan3A_234 : i32 to index
        %swap3A_245 = arith.constant 0 : index
        %swap3A_246 = tpu.vector_load %arg14[%swap3A, %swap3A_245] {strides = array<i32>} : memref<80x64xf32, #tpu.memory_space<vmem>>, vector<1x16xf32>,
        %swap3A_247 = vector.shape_cast %swap3A_246 : vector<1x16xf32> to vector<16xf32>
        %swap3A_248 = vector.shape_cast %max3A_244 : vector<16xf32> to vector<1x16xf32>
        tpu.vector_store %arg14[%swap3A, %swap3A_245], %swap3A_248 {strides = array<i32>} : memref<80x64xf32, #tpu.memory_space<vmem>>, vector<1x16xf32>,
        %get3A_249 = arith.index_cast %scan3A_234 : i32 to index
        %get3A_250 = arith.constant 16 : index
        %get3A_251 = tpu.vector_load %arg12[%get3A_249, %get3A_250] {strides = array<i32>} : memref<80x64xf32, #tpu.memory_space<vmem>>, vector<1x16xf32>,
        %get3A_252 = vector.shape_cast %get3A_251 : vector<1x16xf32> to vector<16xf32>
        %get3A_253 = arith.index_cast %scan3A_234 : i32 to index
        %get3A_254 = arith.constant 16 : index
        %get3A_255 = tpu.vector_load %arg10[%get3A_253, %get3A_254] {strides = array<i32>} : memref<80x64xf32, #tpu.memory_space<vmem>>, vector<1x16xf32>,
        %get3A_256 = vector.shape_cast %get3A_255 : vector<1x16xf32> to vector<16xf32>
        %add3A_257 = arith.addf %get3A_252, %get3A_256 : vector<16xf32>
        %max3A_258 = arith.constant 0.000000e+00 : f32
        %max3A_259 = vector.broadcast %max3A_258 : f32 to vector<16xf32>
        %max3A_260 = arith.maximumf %add3A_257, %max3A_259 : vector<16xf32>
        %swap3A_261 = arith.index_cast %scan3A_234 : i32 to index
        %swap3A_262 = arith.constant 16 : index
        %swap3A_263 = tpu.vector_load %arg14[%swap3A_261, %swap3A_262] {strides = array<i32>} : memref<80x64xf32, #tpu.memory_space<vmem>>, vector<1x16xf32>,
        %swap3A_264 = vector.shape_cast %swap3A_263 : vector<1x16xf32> to vector<16xf32>
        %swap3A_265 = vector.shape_cast %max3A_260 : vector<16xf32> to vector<1x16xf32>
        tpu.vector_store %arg14[%swap3A_261, %swap3A_262], %swap3A_265 {strides = array<i32>} : memref<80x64xf32, #tpu.memory_space<vmem>>, vector<1x16xf32>,
        %get3A_266 = arith.index_cast %scan3A_234 : i32 to index
        %get3A_267 = arith.constant 32 : index
        %get3A_268 = tpu.vector_load %arg12[%get3A_266, %get3A_267] {strides = array<i32>} : memref<80x64xf32, #tpu.memory_space<vmem>>, vector<1x16xf32>,
        %get3A_269 = vector.shape_cast %get3A_268 : vector<1x16xf32> to vector<16xf32>
        %get3A_270 = arith.index_cast %scan3A_234 : i32 to index
        %get3A_271 = arith.constant 32 : index
        %get3A_272 = tpu.vector_load %arg10[%get3A_270, %get3A_271] {strides = array<i32>} : memref<80x64xf32, #tpu.memory_space<vmem>>, vector<1x16xf32>,
        %get3A_273 = vector.shape_cast %get3A_272 : vector<1x16xf32> to vector<16xf32>
        %add3A_274 = arith.addf %get3A_269, %get3A_273 : vector<16xf32>
        %max3A_275 = arith.constant 0.000000e+00 : f32
        %max3A_276 = vector.broadcast %max3A_275 : f32 to vector<16xf32>
        %max3A_277 = arith.maximumf %add3A_274, %max3A_276 : vector<16xf32>
        %swap3A_278 = arith.index_cast %scan3A_234 : i32 to index
        %swap3A_279 = arith.constant 32 : index
        %swap3A_280 = tpu.vector_load %arg14[%swap3A_278, %swap3A_279] {strides = array<i32>} : memref<80x64xf32, #tpu.memory_space<vmem>>, vector<1x16xf32>,
        %swap3A_281 = vector.shape_cast %swap3A_280 : vector<1x16xf32> to vector<16xf32>
        %swap3A_282 = vector.shape_cast %max3A_277 : vector<16xf32> to vector<1x16xf32>
        tpu.vector_store %arg14[%swap3A_278, %swap3A_279], %swap3A_282 {strides = array<i32>} : memref<80x64xf32, #tpu.memory_space<vmem>>, vector<1x16xf32>,
        %get3A_283 = arith.index_cast %scan3A_234 : i32 to index
        %get3A_284 = arith.constant 48 : index
        %get3A_285 = tpu.vector_load %arg12[%get3A_283, %get3A_284] {strides = array<i32>} : memref<80x64xf32, #tpu.memory_space<vmem>>, vector<1x16xf32>,
        %get3A_286 = vector.shape_cast %get3A_285 : vector<1x16xf32> to vector<16xf32>
        %get3A_287 = arith.index_cast %scan3A_234 : i32 to index
        %get3A_288 = arith.constant 48 : index
        %get3A_289 = tpu.vector_load %arg10[%get3A_287, %get3A_288] {strides = array<i32>} : memref<80x64xf32, #tpu.memory_space<vmem>>, vector<1x16xf32>,
        %get3A_290 = vector.shape_cast %get3A_289 : vector<1x16xf32> to vector<16xf32>
        %add3A_291 = arith.addf %get3A_286, %get3A_290 : vector<16xf32>
        %max3A_292 = arith.constant 0.000000e+00 : f32
        %max3A_293 = vector.broadcast %max3A_292 : f32 to vector<16xf32>
        %max3A_294 = arith.maximumf %add3A_291, %max3A_293 : vector<16xf32>
        %swap3A_295 = arith.index_cast %scan3A_234 : i32 to index
        %swap3A_296 = arith.constant 48 : index
        %swap3A_297 = tpu.vector_load %arg14[%swap3A_295, %swap3A_296] {strides = array<i32>} : memref<80x64xf32, #tpu.memory_space<vmem>>, vector<1x16xf32>,
        %swap3A_298 = vector.shape_cast %swap3A_297 : vector<1x16xf32> to vector<16xf32>
        %swap3A_299 = vector.shape_cast %max3A_294 : vector<16xf32> to vector<1x16xf32>
        tpu.vector_store %arg14[%swap3A_295, %swap3A_296], %swap3A_299 {strides = array<i32>} : memref<80x64xf32, #tpu.memory_space<vmem>>, vector<1x16xf32>,
      }
      %scan3A_215 = arith.constant 80 : i32
      %dma_start3A_216 = arith.constant 0 : i32
      %dma_start3A_217 = tpu.memref_slice %arg9[%mul3A_182, %dma_start3A_216] : memref<250x80xi32, #tpu.memory_space<vmem>> -> memref<1x80xi32, #tpu.memory_space<vmem>>
      %dma_start3A_218 = tpu.memref_squeeze %dma_start3A_217 : memref<1x80xi32, #tpu.memory_space<vmem>> -> memref<80xi32, #tpu.memory_space<vmem>>
      %dma_start3A_219 = arith.constant 0 : i32
      %dma_start3A_220 = arith.constant 0 : i32
      %dma_start3A_221 = tpu.memref_slice %arg16[%dma_start3A_219, %dma_start3A_220] : memref<10240x64xf32, #tpu.memory_space<vmem_shared>> -> memref<10240x64xf32, #tpu.memory_space<vmem_shared>>
      tpu.enqueue_indirect_dma source(%arg14 : memref<80x64xf32, #tpu.memory_space<vmem>>) target(%dma_start3A_221 : memref<10240x64xf32, #tpu.memory_space<vmem_shared>>) offsets(%dma_start3A_218 : memref<80xi32, #tpu.memory_space<vmem>>) semaphore(%arg21 : memref<!tpu.dma_semaphore, #tpu.memory_space<semaphore_mem>>) {add = true}
      %le3A = arith.constant 247 : i32
      %le3A_222 = arith.cmpi sle, %mul3A_182, %le3A : i32
      %convert_element_type3A_223 = arith.extui %le3A_222 : i1 to i32
      %cond3A_224 = arith.constant 0 : i32
      %cond3A_225 = arith.cmpi ne, %convert_element_type3A_223, %cond3A_224 : i32
      scf.if %cond3A_225 {
        %add3A_234 = arith.constant 2 : i32
        %add3A_235 = arith.addi %mul3A_182, %add3A_234 : i32
        %mul3A_236 = arith.constant 80 : i32
        %mul3A_237 = arith.muli %add3A_235, %mul3A_236 : i32
        %add3A_238 = arith.addi %mul3A_2, %mul3A_237 : i32
        %jit3A_239 = arith.constant 1600 : i32
        %div3A_240 = arith.divsi %add3A_238, %jit3A_239 : i32
        %sign3A_241 = arith.constant 0 : i32
        %sign3A_242 = arith.cmpi sgt, %add3A_238, %sign3A_241 : i32
        %sign3A_243 = arith.extui %sign3A_242 : i1 to i32
        %sign3A_244 = arith.constant 0 : i32
        %sign3A_245 = arith.cmpi slt, %add3A_238, %sign3A_244 : i32
        %sign3A_246 = arith.extui %sign3A_245 : i1 to i32
        %sign3A_247 = arith.subi %sign3A_243, %sign3A_246 : i32
        %sign3A_248 = arith.constant 0 : i32
        %sign3A_249 = arith.cmpi sgt, %jit3A_239, %sign3A_248 : i32
        %sign3A_250 = arith.extui %sign3A_249 : i1 to i32
        %sign3A_251 = arith.constant 0 : i32
        %sign3A_252 = arith.cmpi slt, %jit3A_239, %sign3A_251 : i32
        %sign3A_253 = arith.extui %sign3A_252 : i1 to i32
        %sign3A_254 = arith.subi %sign3A_250, %sign3A_253 : i32
        %ne3A_255 = arith.cmpi ne, %sign3A_247, %sign3A_254 : i32
        %rem3A_256 = arith.remsi %add3A_238, %jit3A_239 : i32
        %ne3A_257 = arith.constant 0 : i32
        %ne3A_258 = arith.cmpi ne, %rem3A_256, %ne3A_257 : i32
        %and3A_259 = arith.andi %ne3A_255, %ne3A_258 : i1
        %sub3A_260 = arith.constant 1 : i32
        %sub3A_261 = arith.subi %div3A_240, %sub3A_260 : i32
        %select_n3A_262 = arith.select %and3A_259, %sub3A_261, %div3A_240 : i32
        %mul3A_263 = arith.constant 1600 : i32
        %mul3A_264 = arith.muli %select_n3A_262, %mul3A_263 : i32
        %sub3A_265 = arith.subi %add3A_238, %mul3A_264 : i32
        %jit3A_266 = arith.constant 800 : i32
        %div3A_267 = arith.divsi %sub3A_265, %jit3A_266 : i32
        %sign3A_268 = arith.constant 0 : i32
        %sign3A_269 = arith.cmpi sgt, %sub3A_265, %sign3A_268 : i32
        %sign3A_270 = arith.extui %sign3A_269 : i1 to i32
        %sign3A_271 = arith.constant 0 : i32
        %sign3A_272 = arith.cmpi slt, %sub3A_265, %sign3A_271 : i32
        %sign3A_273 = arith.extui %sign3A_272 : i1 to i32
        %sign3A_274 = arith.subi %sign3A_270, %sign3A_273 : i32
        %sign3A_275 = arith.constant 0 : i32
        %sign3A_276 = arith.cmpi sgt, %jit3A_266, %sign3A_275 : i32
        %sign3A_277 = arith.extui %sign3A_276 : i1 to i32
        %sign3A_278 = arith.constant 0 : i32
        %sign3A_279 = arith.cmpi slt, %jit3A_266, %sign3A_278 : i32
        %sign3A_280 = arith.extui %sign3A_279 : i1 to i32
        %sign3A_281 = arith.subi %sign3A_277, %sign3A_280 : i32
        %ne3A_282 = arith.cmpi ne, %sign3A_274, %sign3A_281 : i32
        %rem3A_283 = arith.remsi %sub3A_265, %jit3A_266 : i32
        %ne3A_284 = arith.constant 0 : i32
        %ne3A_285 = arith.cmpi ne, %rem3A_283, %ne3A_284 : i32
        %and3A_286 = arith.andi %ne3A_282, %ne3A_285 : i1
        %sub3A_287 = arith.constant 1 : i32
        %sub3A_288 = arith.subi %div3A_267, %sub3A_287 : i32
        %select_n3A_289 = arith.select %and3A_286, %sub3A_288, %div3A_267 : i32
        %mul3A_290 = arith.constant 800 : i32
        %mul3A_291 = arith.muli %select_n3A_262, %mul3A_290 : i32
        %add3A_292 = arith.addi %mul3A_291, %sub3A_265 : i32
        %mul3A_293 = arith.constant 800 : i32
        %mul3A_294 = arith.muli %select_n3A_289, %mul3A_293 : i32
        %sub3A_295 = arith.subi %add3A_292, %mul3A_294 : i32
        %multiple_of3A_296 = tpu.assume_multiple %sub3A_295, 8 : i32
        %mul3A_297 = arith.constant 64 : i32
        %mul3A_298 = arith.muli %select_n3A_289, %mul3A_297 : i32
        %multiple_of3A_299 = tpu.assume_multiple %mul3A_298, 8 : i32
        %dma_start3A_300 = arith.constant 0 : i32
        %dma_start3A_301 = arith.constant 0 : i32
        %dma_start3A_302 = tpu.memref_slice %arg3[%arg0, %dma_start3A_300, %dma_start3A_301] : memref<2x160000x128xf32, #tpu.memory_space<hbm>> -> memref<1x160000x128xf32, #tpu.memory_space<hbm>>
        %dma_start3A_303 = tpu.memref_squeeze %dma_start3A_302 : memref<1x160000x128xf32, #tpu.memory_space<hbm>> -> memref<160000x128xf32, #tpu.memory_space<hbm>>
        %dma_start3A_304 = tpu.memref_slice %dma_start3A_303[%multiple_of3A_296, %multiple_of3A_299] : memref<160000x128xf32, #tpu.memory_space<hbm>> -> memref<80x64xf32, #tpu.memory_space<hbm>>
        %dma_start3A_305 = arith.constant 0 : i32
        %dma_start3A_306 = arith.constant 0 : i32
        %dma_start3A_307 = tpu.memref_slice %arg3[%arg0, %dma_start3A_305, %dma_start3A_306] : memref<2x160000x128xf32, #tpu.memory_space<hbm>> -> memref<1x160000x128xf32, #tpu.memory_space<hbm>>
        %dma_start3A_308 = tpu.memref_squeeze %dma_start3A_307 : memref<1x160000x128xf32, #tpu.memory_space<hbm>> -> memref<160000x128xf32, #tpu.memory_space<hbm>>
        %dma_start3A_309 = tpu.memref_slice %dma_start3A_308[%multiple_of3A_296, %multiple_of3A_299] : memref<160000x128xf32, #tpu.memory_space<hbm>> -> memref<80x64xf32, #tpu.memory_space<hbm>>
        tpu.enqueue_dma source(%dma_start3A_309 : memref<80x64xf32, #tpu.memory_space<hbm>>) target(%arg10 : memref<80x64xf32, #tpu.memory_space<vmem>>) target_semaphore(%arg17 : memref<!tpu.dma_semaphore, #tpu.memory_space<semaphore_mem>>)
        %dma_start3A_310 = arith.constant 0 : i32
        %dma_start3A_311 = tpu.memref_slice %arg8[%add3A_235, %dma_start3A_310] : memref<250x80xi32, #tpu.memory_space<vmem>> -> memref<1x80xi32, #tpu.memory_space<vmem>>
        %dma_start3A_312 = tpu.memref_squeeze %dma_start3A_311 : memref<1x80xi32, #tpu.memory_space<vmem>> -> memref<80xi32, #tpu.memory_space<vmem>>
        %dma_start3A_313 = arith.constant 0 : i32
        %dma_start3A_314 = arith.constant 0 : i32
        %dma_start3A_315 = tpu.memref_slice %arg2[%arg0, %dma_start3A_313, %dma_start3A_314] : memref<2x10000x64xf32, #tpu.memory_space<hbm>> -> memref<1x10000x64xf32, #tpu.memory_space<hbm>>
        %dma_start3A_316 = tpu.memref_squeeze %dma_start3A_315 : memref<1x10000x64xf32, #tpu.memory_space<hbm>> -> memref<10000x64xf32, #tpu.memory_space<hbm>>
        %dma_start3A_317 = arith.constant 0 : i32
        %dma_start3A_318 = arith.constant 0 : i32
        %dma_start3A_319 = tpu.memref_slice %dma_start3A_316[%dma_start3A_317, %dma_start3A_318] : memref<10000x64xf32, #tpu.memory_space<hbm>> -> memref<10000x64xf32, #tpu.memory_space<hbm>>
        tpu.enqueue_indirect_dma source(%dma_start3A_319 : memref<10000x64xf32, #tpu.memory_space<hbm>>) target(%arg12 : memref<80x64xf32, #tpu.memory_space<vmem>>) offsets(%dma_start3A_312 : memref<80xi32, #tpu.memory_space<vmem>>) semaphore(%arg19 : memref<!tpu.dma_semaphore, #tpu.memory_space<semaphore_mem>>)
      } else {
      }
      %mul3A_226 = arith.constant 2 : i32
      %mul3A_227 = arith.muli %mul3A_226, %scan3A_180 : i32
      %add3A_228 = arith.constant 1 : i32
      %add3A_229 = arith.addi %mul3A_227, %add3A_228 : i32
      %lt3A = arith.constant 250 : i32
      %lt3A_230 = arith.cmpi slt, %add3A_229, %lt3A : i32
      %convert_element_type3A_231 = arith.extui %lt3A_230 : i1 to i32
      %cond3A_232 = arith.constant 0 : i32
      %cond3A_233 = arith.cmpi ne, %convert_element_type3A_231, %cond3A_232 : i32
      scf.if %cond3A_233 {
        %mul3A_234 = arith.constant 2 : i32
        %mul3A_235 = arith.muli %mul3A_234, %scan3A_180 : i32
        %add3A_236 = arith.constant 1 : i32
        %add3A_237 = arith.addi %mul3A_235, %add3A_236 : i32
        %dma_wait3A_238 = arith.constant 0 : i32
        %dma_wait3A_239 = arith.constant 0 : i32
        %dma_wait3A_240 = tpu.memref_slice %arg3[%arg0, %dma_wait3A_238, %dma_wait3A_239] : memref<2x160000x128xf32, #tpu.memory_space<hbm>> -> memref<1x160000x128xf32, #tpu.memory_space<hbm>>
        %dma_wait3A_241 = tpu.memref_squeeze %dma_wait3A_240 : memref<1x160000x128xf32, #tpu.memory_space<hbm>> -> memref<160000x128xf32, #tpu.memory_space<hbm>>
        %dma_wait3A_242 = arith.constant 0 : i32
        %dma_wait3A_243 = arith.constant 0 : i32
        %dma_wait3A_244 = tpu.memref_slice %dma_wait3A_241[%dma_wait3A_242, %dma_wait3A_243] : memref<160000x128xf32, #tpu.memory_space<hbm>> -> memref<80x64xf32, #tpu.memory_space<hbm>>
        %dma_wait3A_245 = arith.constant 0 : i32
        %dma_wait3A_246 = arith.constant 0 : i32
        %dma_wait3A_247 = tpu.memref_slice %arg3[%arg0, %dma_wait3A_245, %dma_wait3A_246] : memref<2x160000x128xf32, #tpu.memory_space<hbm>> -> memref<1x160000x128xf32, #tpu.memory_space<hbm>>
        %dma_wait3A_248 = tpu.memref_squeeze %dma_wait3A_247 : memref<1x160000x128xf32, #tpu.memory_space<hbm>> -> memref<160000x128xf32, #tpu.memory_space<hbm>>
        %dma_wait3A_249 = arith.constant 0 : i32
        %dma_wait3A_250 = arith.constant 0 : i32
        %dma_wait3A_251 = tpu.memref_slice %dma_wait3A_248[%dma_wait3A_249, %dma_wait3A_250] : memref<160000x128xf32, #tpu.memory_space<hbm>> -> memref<80x64xf32, #tpu.memory_space<hbm>>
        tpu.wait_dma2 semaphore(%arg18 : memref<!tpu.dma_semaphore, #tpu.memory_space<semaphore_mem>>) src(%dma_wait3A_251 : memref<80x64xf32, #tpu.memory_space<hbm>>) dst(%arg11 : memref<80x64xf32, #tpu.memory_space<vmem>>)
        %dma_wait3A_252 = arith.constant 0 : i32
        %dma_wait3A_253 = arith.constant 0 : i32
        %dma_wait3A_254 = tpu.memref_slice %arg8[%dma_wait3A_252, %dma_wait3A_253] : memref<250x80xi32, #tpu.memory_space<vmem>> -> memref<1x80xi32, #tpu.memory_space<vmem>>
        %dma_wait3A_255 = tpu.memref_squeeze %dma_wait3A_254 : memref<1x80xi32, #tpu.memory_space<vmem>> -> memref<80xi32, #tpu.memory_space<vmem>>
        %dma_wait3A_256 = arith.constant 0 : i32
        %dma_wait3A_257 = arith.constant 0 : i32
        %dma_wait3A_258 = tpu.memref_slice %arg2[%arg0, %dma_wait3A_256, %dma_wait3A_257] : memref<2x10000x64xf32, #tpu.memory_space<hbm>> -> memref<1x10000x64xf32, #tpu.memory_space<hbm>>
        %dma_wait3A_259 = tpu.memref_squeeze %dma_wait3A_258 : memref<1x10000x64xf32, #tpu.memory_space<hbm>> -> memref<10000x64xf32, #tpu.memory_space<hbm>>
        %dma_wait3A_260 = arith.constant 0 : i32
        %dma_wait3A_261 = arith.constant 0 : i32
        %dma_wait3A_262 = tpu.memref_slice %dma_wait3A_259[%dma_wait3A_260, %dma_wait3A_261] : memref<10000x64xf32, #tpu.memory_space<hbm>> -> memref<10000x64xf32, #tpu.memory_space<hbm>>
        tpu.wait_indirect_dma semaphore(%arg20 : memref<!tpu.dma_semaphore, #tpu.memory_space<semaphore_mem>>) src(%dma_wait3A_262 : memref<10000x64xf32, #tpu.memory_space<hbm>>) dst(%arg13 : memref<80x64xf32, #tpu.memory_space<vmem>>)
        %ge3A_263 = arith.constant 2 : i32
        %ge3A_264 = arith.cmpi sge, %add3A_237, %ge3A_263 : i32
        %convert_element_type3A_265 = arith.extui %ge3A_264 : i1 to i32
        %cond3A_266 = arith.constant 0 : i32
        %cond3A_267 = arith.cmpi ne, %convert_element_type3A_265, %cond3A_266 : i32
        scf.if %cond3A_267 {
          %dma_wait3A_285 = arith.constant 0 : i32
          %dma_wait3A_286 = arith.constant 0 : i32
          %dma_wait3A_287 = tpu.memref_slice %arg9[%dma_wait3A_285, %dma_wait3A_286] : memref<250x80xi32, #tpu.memory_space<vmem>> -> memref<1x80xi32, #tpu.memory_space<vmem>>
          %dma_wait3A_288 = tpu.memref_squeeze %dma_wait3A_287 : memref<1x80xi32, #tpu.memory_space<vmem>> -> memref<80xi32, #tpu.memory_space<vmem>>
          %dma_wait3A_289 = arith.constant 0 : i32
          %dma_wait3A_290 = arith.constant 0 : i32
          %dma_wait3A_291 = tpu.memref_slice %arg16[%dma_wait3A_289, %dma_wait3A_290] : memref<10240x64xf32, #tpu.memory_space<vmem_shared>> -> memref<10240x64xf32, #tpu.memory_space<vmem_shared>>
          tpu.wait_indirect_dma semaphore(%arg22 : memref<!tpu.dma_semaphore, #tpu.memory_space<semaphore_mem>>) src(%arg15 : memref<80x64xf32, #tpu.memory_space<vmem>>) dst(%dma_wait3A_291 : memref<10240x64xf32, #tpu.memory_space<vmem_shared>>)
        } else {
        }
        %scan3A_268 = arith.constant 0 : i32
        %scan3A_269 = arith.constant 0 : i32
        %scan3A_270 = arith.constant 80 : i32
        %scan3A_271 = arith.addi %scan3A_269, %scan3A_270 : i32
        %scan3A_272 = arith.constant 1 : i32
        scf.for %scan3A_285 = %scan3A_269 to %scan3A_271 step %scan3A_272  : i32 {
          %get3A = arith.index_cast %scan3A_285 : i32 to index
          %get3A_286 = arith.constant 0 : index
          %get3A_287 = tpu.vector_load %arg13[%get3A, %get3A_286] {strides = array<i32>} : memref<80x64xf32, #tpu.memory_space<vmem>>, vector<1x16xf32>,
          %get3A_288 = vector.shape_cast %get3A_287 : vector<1x16xf32> to vector<16xf32>
          %get3A_289 = arith.index_cast %scan3A_285 : i32 to index
          %get3A_290 = arith.constant 0 : index
          %get3A_291 = tpu.vector_load %arg11[%get3A_289, %get3A_290] {strides = array<i32>} : memref<80x64xf32, #tpu.memory_space<vmem>>, vector<1x16xf32>,
          %get3A_292 = vector.shape_cast %get3A_291 : vector<1x16xf32> to vector<16xf32>
          %add3A_293 = arith.addf %get3A_288, %get3A_292 : vector<16xf32>
          %max3A = arith.constant 0.000000e+00 : f32
          %max3A_294 = vector.broadcast %max3A : f32 to vector<16xf32>
          %max3A_295 = arith.maximumf %add3A_293, %max3A_294 : vector<16xf32>
          %swap3A = arith.index_cast %scan3A_285 : i32 to index
          %swap3A_296 = arith.constant 0 : index
          %swap3A_297 = tpu.vector_load %arg15[%swap3A, %swap3A_296] {strides = array<i32>} : memref<80x64xf32, #tpu.memory_space<vmem>>, vector<1x16xf32>,
          %swap3A_298 = vector.shape_cast %swap3A_297 : vector<1x16xf32> to vector<16xf32>
          %swap3A_299 = vector.shape_cast %max3A_295 : vector<16xf32> to vector<1x16xf32>
          tpu.vector_store %arg15[%swap3A, %swap3A_296], %swap3A_299 {strides = array<i32>} : memref<80x64xf32, #tpu.memory_space<vmem>>, vector<1x16xf32>,
          %get3A_300 = arith.index_cast %scan3A_285 : i32 to index
          %get3A_301 = arith.constant 16 : index
          %get3A_302 = tpu.vector_load %arg13[%get3A_300, %get3A_301] {strides = array<i32>} : memref<80x64xf32, #tpu.memory_space<vmem>>, vector<1x16xf32>,
          %get3A_303 = vector.shape_cast %get3A_302 : vector<1x16xf32> to vector<16xf32>
          %get3A_304 = arith.index_cast %scan3A_285 : i32 to index
          %get3A_305 = arith.constant 16 : index
          %get3A_306 = tpu.vector_load %arg11[%get3A_304, %get3A_305] {strides = array<i32>} : memref<80x64xf32, #tpu.memory_space<vmem>>, vector<1x16xf32>,
          %get3A_307 = vector.shape_cast %get3A_306 : vector<1x16xf32> to vector<16xf32>
          %add3A_308 = arith.addf %get3A_303, %get3A_307 : vector<16xf32>
          %max3A_309 = arith.constant 0.000000e+00 : f32
          %max3A_310 = vector.broadcast %max3A_309 : f32 to vector<16xf32>
          %max3A_311 = arith.maximumf %add3A_308, %max3A_310 : vector<16xf32>
          %swap3A_312 = arith.index_cast %scan3A_285 : i32 to index
          %swap3A_313 = arith.constant 16 : index
          %swap3A_314 = tpu.vector_load %arg15[%swap3A_312, %swap3A_313] {strides = array<i32>} : memref<80x64xf32, #tpu.memory_space<vmem>>, vector<1x16xf32>,
          %swap3A_315 = vector.shape_cast %swap3A_314 : vector<1x16xf32> to vector<16xf32>
          %swap3A_316 = vector.shape_cast %max3A_311 : vector<16xf32> to vector<1x16xf32>
          tpu.vector_store %arg15[%swap3A_312, %swap3A_313], %swap3A_316 {strides = array<i32>} : memref<80x64xf32, #tpu.memory_space<vmem>>, vector<1x16xf32>,
          %get3A_317 = arith.index_cast %scan3A_285 : i32 to index
          %get3A_318 = arith.constant 32 : index
          %get3A_319 = tpu.vector_load %arg13[%get3A_317, %get3A_318] {strides = array<i32>} : memref<80x64xf32, #tpu.memory_space<vmem>>, vector<1x16xf32>,
          %get3A_320 = vector.shape_cast %get3A_319 : vector<1x16xf32> to vector<16xf32>
          %get3A_321 = arith.index_cast %scan3A_285 : i32 to index
          %get3A_322 = arith.constant 32 : index
          %get3A_323 = tpu.vector_load %arg11[%get3A_321, %get3A_322] {strides = array<i32>} : memref<80x64xf32, #tpu.memory_space<vmem>>, vector<1x16xf32>,
          %get3A_324 = vector.shape_cast %get3A_323 : vector<1x16xf32> to vector<16xf32>
          %add3A_325 = arith.addf %get3A_320, %get3A_324 : vector<16xf32>
          %max3A_326 = arith.constant 0.000000e+00 : f32
          %max3A_327 = vector.broadcast %max3A_326 : f32 to vector<16xf32>
          %max3A_328 = arith.maximumf %add3A_325, %max3A_327 : vector<16xf32>
          %swap3A_329 = arith.index_cast %scan3A_285 : i32 to index
          %swap3A_330 = arith.constant 32 : index
          %swap3A_331 = tpu.vector_load %arg15[%swap3A_329, %swap3A_330] {strides = array<i32>} : memref<80x64xf32, #tpu.memory_space<vmem>>, vector<1x16xf32>,
          %swap3A_332 = vector.shape_cast %swap3A_331 : vector<1x16xf32> to vector<16xf32>
          %swap3A_333 = vector.shape_cast %max3A_328 : vector<16xf32> to vector<1x16xf32>
          tpu.vector_store %arg15[%swap3A_329, %swap3A_330], %swap3A_333 {strides = array<i32>} : memref<80x64xf32, #tpu.memory_space<vmem>>, vector<1x16xf32>,
          %get3A_334 = arith.index_cast %scan3A_285 : i32 to index
          %get3A_335 = arith.constant 48 : index
          %get3A_336 = tpu.vector_load %arg13[%get3A_334, %get3A_335] {strides = array<i32>} : memref<80x64xf32, #tpu.memory_space<vmem>>, vector<1x16xf32>,
          %get3A_337 = vector.shape_cast %get3A_336 : vector<1x16xf32> to vector<16xf32>
          %get3A_338 = arith.index_cast %scan3A_285 : i32 to index
          %get3A_339 = arith.constant 48 : index
          %get3A_340 = tpu.vector_load %arg11[%get3A_338, %get3A_339] {strides = array<i32>} : memref<80x64xf32, #tpu.memory_space<vmem>>, vector<1x16xf32>,
          %get3A_341 = vector.shape_cast %get3A_340 : vector<1x16xf32> to vector<16xf32>
          %add3A_342 = arith.addf %get3A_337, %get3A_341 : vector<16xf32>
          %max3A_343 = arith.constant 0.000000e+00 : f32
          %max3A_344 = vector.broadcast %max3A_343 : f32 to vector<16xf32>
          %max3A_345 = arith.maximumf %add3A_342, %max3A_344 : vector<16xf32>
          %swap3A_346 = arith.index_cast %scan3A_285 : i32 to index
          %swap3A_347 = arith.constant 48 : index
          %swap3A_348 = tpu.vector_load %arg15[%swap3A_346, %swap3A_347] {strides = array<i32>} : memref<80x64xf32, #tpu.memory_space<vmem>>, vector<1x16xf32>,
          %swap3A_349 = vector.shape_cast %swap3A_348 : vector<1x16xf32> to vector<16xf32>
          %swap3A_350 = vector.shape_cast %max3A_345 : vector<16xf32> to vector<1x16xf32>
          tpu.vector_store %arg15[%swap3A_346, %swap3A_347], %swap3A_350 {strides = array<i32>} : memref<80x64xf32, #tpu.memory_space<vmem>>, vector<1x16xf32>,
        }
        %scan3A_273 = arith.constant 80 : i32
        %dma_start3A_274 = arith.constant 0 : i32
        %dma_start3A_275 = tpu.memref_slice %arg9[%add3A_237, %dma_start3A_274] : memref<250x80xi32, #tpu.memory_space<vmem>> -> memref<1x80xi32, #tpu.memory_space<vmem>>
        %dma_start3A_276 = tpu.memref_squeeze %dma_start3A_275 : memref<1x80xi32, #tpu.memory_space<vmem>> -> memref<80xi32, #tpu.memory_space<vmem>>
        %dma_start3A_277 = arith.constant 0 : i32
        %dma_start3A_278 = arith.constant 0 : i32
        %dma_start3A_279 = tpu.memref_slice %arg16[%dma_start3A_277, %dma_start3A_278] : memref<10240x64xf32, #tpu.memory_space<vmem_shared>> -> memref<10240x64xf32, #tpu.memory_space<vmem_shared>>
        tpu.enqueue_indirect_dma source(%arg15 : memref<80x64xf32, #tpu.memory_space<vmem>>) target(%dma_start3A_279 : memref<10240x64xf32, #tpu.memory_space<vmem_shared>>) offsets(%dma_start3A_276 : memref<80xi32, #tpu.memory_space<vmem>>) semaphore(%arg22 : memref<!tpu.dma_semaphore, #tpu.memory_space<semaphore_mem>>) {add = true}
        %le3A_280 = arith.constant 247 : i32
        %le3A_281 = arith.cmpi sle, %add3A_237, %le3A_280 : i32
        %convert_element_type3A_282 = arith.extui %le3A_281 : i1 to i32
        %cond3A_283 = arith.constant 0 : i32
        %cond3A_284 = arith.cmpi ne, %convert_element_type3A_282, %cond3A_283 : i32
        scf.if %cond3A_284 {
          %add3A_285 = arith.constant 2 : i32
          %add3A_286 = arith.addi %add3A_237, %add3A_285 : i32
          %mul3A_287 = arith.constant 80 : i32
          %mul3A_288 = arith.muli %add3A_286, %mul3A_287 : i32
          %add3A_289 = arith.addi %mul3A_2, %mul3A_288 : i32
          %jit3A_290 = arith.constant 1600 : i32
          %div3A_291 = arith.divsi %add3A_289, %jit3A_290 : i32
          %sign3A_292 = arith.constant 0 : i32
          %sign3A_293 = arith.cmpi sgt, %add3A_289, %sign3A_292 : i32
          %sign3A_294 = arith.extui %sign3A_293 : i1 to i32
          %sign3A_295 = arith.constant 0 : i32
          %sign3A_296 = arith.cmpi slt, %add3A_289, %sign3A_295 : i32
          %sign3A_297 = arith.extui %sign3A_296 : i1 to i32
          %sign3A_298 = arith.subi %sign3A_294, %sign3A_297 : i32
          %sign3A_299 = arith.constant 0 : i32
          %sign3A_300 = arith.cmpi sgt, %jit3A_290, %sign3A_299 : i32
          %sign3A_301 = arith.extui %sign3A_300 : i1 to i32
          %sign3A_302 = arith.constant 0 : i32
          %sign3A_303 = arith.cmpi slt, %jit3A_290, %sign3A_302 : i32
          %sign3A_304 = arith.extui %sign3A_303 : i1 to i32
          %sign3A_305 = arith.subi %sign3A_301, %sign3A_304 : i32
          %ne3A_306 = arith.cmpi ne, %sign3A_298, %sign3A_305 : i32
          %rem3A_307 = arith.remsi %add3A_289, %jit3A_290 : i32
          %ne3A_308 = arith.constant 0 : i32
          %ne3A_309 = arith.cmpi ne, %rem3A_307, %ne3A_308 : i32
          %and3A_310 = arith.andi %ne3A_306, %ne3A_309 : i1
          %sub3A_311 = arith.constant 1 : i32
          %sub3A_312 = arith.subi %div3A_291, %sub3A_311 : i32
          %select_n3A_313 = arith.select %and3A_310, %sub3A_312, %div3A_291 : i32
          %mul3A_314 = arith.constant 1600 : i32
          %mul3A_315 = arith.muli %select_n3A_313, %mul3A_314 : i32
          %sub3A_316 = arith.subi %add3A_289, %mul3A_315 : i32
          %jit3A_317 = arith.constant 800 : i32
          %div3A_318 = arith.divsi %sub3A_316, %jit3A_317 : i32
          %sign3A_319 = arith.constant 0 : i32
          %sign3A_320 = arith.cmpi sgt, %sub3A_316, %sign3A_319 : i32
          %sign3A_321 = arith.extui %sign3A_320 : i1 to i32
          %sign3A_322 = arith.constant 0 : i32
          %sign3A_323 = arith.cmpi slt, %sub3A_316, %sign3A_322 : i32
          %sign3A_324 = arith.extui %sign3A_323 : i1 to i32
          %sign3A_325 = arith.subi %sign3A_321, %sign3A_324 : i32
          %sign3A_326 = arith.constant 0 : i32
          %sign3A_327 = arith.cmpi sgt, %jit3A_317, %sign3A_326 : i32
          %sign3A_328 = arith.extui %sign3A_327 : i1 to i32
          %sign3A_329 = arith.constant 0 : i32
          %sign3A_330 = arith.cmpi slt, %jit3A_317, %sign3A_329 : i32
          %sign3A_331 = arith.extui %sign3A_330 : i1 to i32
          %sign3A_332 = arith.subi %sign3A_328, %sign3A_331 : i32
          %ne3A_333 = arith.cmpi ne, %sign3A_325, %sign3A_332 : i32
          %rem3A_334 = arith.remsi %sub3A_316, %jit3A_317 : i32
          %ne3A_335 = arith.constant 0 : i32
          %ne3A_336 = arith.cmpi ne, %rem3A_334, %ne3A_335 : i32
          %and3A_337 = arith.andi %ne3A_333, %ne3A_336 : i1
          %sub3A_338 = arith.constant 1 : i32
          %sub3A_339 = arith.subi %div3A_318, %sub3A_338 : i32
          %select_n3A_340 = arith.select %and3A_337, %sub3A_339, %div3A_318 : i32
          %mul3A_341 = arith.constant 800 : i32
          %mul3A_342 = arith.muli %select_n3A_313, %mul3A_341 : i32
          %add3A_343 = arith.addi %mul3A_342, %sub3A_316 : i32
          %mul3A_344 = arith.constant 800 : i32
          %mul3A_345 = arith.muli %select_n3A_340, %mul3A_344 : i32
          %sub3A_346 = arith.subi %add3A_343, %mul3A_345 : i32
          %multiple_of3A_347 = tpu.assume_multiple %sub3A_346, 8 : i32
          %mul3A_348 = arith.constant 64 : i32
          %mul3A_349 = arith.muli %select_n3A_340, %mul3A_348 : i32
          %multiple_of3A_350 = tpu.assume_multiple %mul3A_349, 8 : i32
          %dma_start3A_351 = arith.constant 0 : i32
          %dma_start3A_352 = arith.constant 0 : i32
          %dma_start3A_353 = tpu.memref_slice %arg3[%arg0, %dma_start3A_351, %dma_start3A_352] : memref<2x160000x128xf32, #tpu.memory_space<hbm>> -> memref<1x160000x128xf32, #tpu.memory_space<hbm>>
          %dma_start3A_354 = tpu.memref_squeeze %dma_start3A_353 : memref<1x160000x128xf32, #tpu.memory_space<hbm>> -> memref<160000x128xf32, #tpu.memory_space<hbm>>
          %dma_start3A_355 = tpu.memref_slice %dma_start3A_354[%multiple_of3A_347, %multiple_of3A_350] : memref<160000x128xf32, #tpu.memory_space<hbm>> -> memref<80x64xf32, #tpu.memory_space<hbm>>
          %dma_start3A_356 = arith.constant 0 : i32
          %dma_start3A_357 = arith.constant 0 : i32
          %dma_start3A_358 = tpu.memref_slice %arg3[%arg0, %dma_start3A_356, %dma_start3A_357] : memref<2x160000x128xf32, #tpu.memory_space<hbm>> -> memref<1x160000x128xf32, #tpu.memory_space<hbm>>
          %dma_start3A_359 = tpu.memref_squeeze %dma_start3A_358 : memref<1x160000x128xf32, #tpu.memory_space<hbm>> -> memref<160000x128xf32, #tpu.memory_space<hbm>>
          %dma_start3A_360 = tpu.memref_slice %dma_start3A_359[%multiple_of3A_347, %multiple_of3A_350] : memref<160000x128xf32, #tpu.memory_space<hbm>> -> memref<80x64xf32, #tpu.memory_space<hbm>>
          tpu.enqueue_dma source(%dma_start3A_360 : memref<80x64xf32, #tpu.memory_space<hbm>>) target(%arg11 : memref<80x64xf32, #tpu.memory_space<vmem>>) target_semaphore(%arg18 : memref<!tpu.dma_semaphore, #tpu.memory_space<semaphore_mem>>)
          %dma_start3A_361 = arith.constant 0 : i32
          %dma_start3A_362 = tpu.memref_slice %arg8[%add3A_286, %dma_start3A_361] : memref<250x80xi32, #tpu.memory_space<vmem>> -> memref<1x80xi32, #tpu.memory_space<vmem>>
          %dma_start3A_363 = tpu.memref_squeeze %dma_start3A_362 : memref<1x80xi32, #tpu.memory_space<vmem>> -> memref<80xi32, #tpu.memory_space<vmem>>
          %dma_start3A_364 = arith.constant 0 : i32
          %dma_start3A_365 = arith.constant 0 : i32
          %dma_start3A_366 = tpu.memref_slice %arg2[%arg0, %dma_start3A_364, %dma_start3A_365] : memref<2x10000x64xf32, #tpu.memory_space<hbm>> -> memref<1x10000x64xf32, #tpu.memory_space<hbm>>
          %dma_start3A_367 = tpu.memref_squeeze %dma_start3A_366 : memref<1x10000x64xf32, #tpu.memory_space<hbm>> -> memref<10000x64xf32, #tpu.memory_space<hbm>>
          %dma_start3A_368 = arith.constant 0 : i32
          %dma_start3A_369 = arith.constant 0 : i32
          %dma_start3A_370 = tpu.memref_slice %dma_start3A_367[%dma_start3A_368, %dma_start3A_369] : memref<10000x64xf32, #tpu.memory_space<hbm>> -> memref<10000x64xf32, #tpu.memory_space<hbm>>
          tpu.enqueue_indirect_dma source(%dma_start3A_370 : memref<10000x64xf32, #tpu.memory_space<hbm>>) target(%arg13 : memref<80x64xf32, #tpu.memory_space<vmem>>) offsets(%dma_start3A_363 : memref<80xi32, #tpu.memory_space<vmem>>) semaphore(%arg20 : memref<!tpu.dma_semaphore, #tpu.memory_space<semaphore_mem>>)
        } else {
        }
      } else {
      }
    }
    %scan3A_165 = arith.constant 125 : i32
    %dma_wait3A = arith.constant 0 : i32
    %dma_wait3A_166 = arith.constant 0 : i32
    %dma_wait3A_167 = tpu.memref_slice %arg9[%dma_wait3A, %dma_wait3A_166] : memref<250x80xi32, #tpu.memory_space<vmem>> -> memref<1x80xi32, #tpu.memory_space<vmem>>
    %dma_wait3A_168 = tpu.memref_squeeze %dma_wait3A_167 : memref<1x80xi32, #tpu.memory_space<vmem>> -> memref<80xi32, #tpu.memory_space<vmem>>
    %dma_wait3A_169 = arith.constant 0 : i32
    %dma_wait3A_170 = arith.constant 0 : i32
    %dma_wait3A_171 = tpu.memref_slice %arg16[%dma_wait3A_169, %dma_wait3A_170] : memref<10240x64xf32, #tpu.memory_space<vmem_shared>> -> memref<10240x64xf32, #tpu.memory_space<vmem_shared>>
    tpu.wait_indirect_dma semaphore(%arg21 : memref<!tpu.dma_semaphore, #tpu.memory_space<semaphore_mem>>) src(%arg14 : memref<80x64xf32, #tpu.memory_space<vmem>>) dst(%dma_wait3A_171 : memref<10240x64xf32, #tpu.memory_space<vmem_shared>>)
    %dma_wait3A_172 = arith.constant 0 : i32
    %dma_wait3A_173 = arith.constant 0 : i32
    %dma_wait3A_174 = tpu.memref_slice %arg9[%dma_wait3A_172, %dma_wait3A_173] : memref<250x80xi32, #tpu.memory_space<vmem>> -> memref<1x80xi32, #tpu.memory_space<vmem>>
    %dma_wait3A_175 = tpu.memref_squeeze %dma_wait3A_174 : memref<1x80xi32, #tpu.memory_space<vmem>> -> memref<80xi32, #tpu.memory_space<vmem>>
    %dma_wait3A_176 = arith.constant 0 : i32
    %dma_wait3A_177 = arith.constant 0 : i32
    %dma_wait3A_178 = tpu.memref_slice %arg16[%dma_wait3A_176, %dma_wait3A_177] : memref<10240x64xf32, #tpu.memory_space<vmem_shared>> -> memref<10240x64xf32, #tpu.memory_space<vmem_shared>>
    tpu.wait_indirect_dma semaphore(%arg22 : memref<!tpu.dma_semaphore, #tpu.memory_space<semaphore_mem>>) src(%arg15 : memref<80x64xf32, #tpu.memory_space<vmem>>) dst(%dma_wait3A_178 : memref<10240x64xf32, #tpu.memory_space<vmem_shared>>)
    %barrier3A_179 = arith.constant 0 : index
    tpu.barrier barrier_id(%barrier3A_179)
    "tpu.region"() ({
      %run_scoped3A = tpu.sem_alloc : memref<!tpu.dma_semaphore, #tpu.memory_space<semaphore_mem>>
      %dma_start3A_180 = arith.constant 0 : i32
      %dma_start3A_181 = tpu.memref_slice %arg7[%arg0, %multiple_of3A, %dma_start3A_180] : memref<2x10240x64xf32, #tpu.memory_space<hbm>> -> memref<1x640x64xf32, #tpu.memory_space<hbm>>
      %dma_start3A_182 = tpu.memref_squeeze %dma_start3A_181 : memref<1x640x64xf32, #tpu.memory_space<hbm>> -> memref<640x64xf32, #tpu.memory_space<hbm>>
      %dma_start3A_183 = arith.constant 0 : i32
      %dma_start3A_184 = tpu.memref_slice %arg16[%multiple_of3A, %dma_start3A_183] : memref<10240x64xf32, #tpu.memory_space<vmem_shared>> -> memref<640x64xf32, #tpu.memory_space<vmem_shared>>
      tpu.enqueue_dma source(%dma_start3A_184 : memref<640x64xf32, #tpu.memory_space<vmem_shared>>) target(%dma_start3A_182 : memref<640x64xf32, #tpu.memory_space<hbm>>) target_semaphore(%run_scoped3A : memref<!tpu.dma_semaphore, #tpu.memory_space<semaphore_mem>>)
      %dma_wait3A_185 = arith.constant 0 : i32
      %dma_wait3A_186 = tpu.memref_slice %arg7[%arg0, %multiple_of3A, %dma_wait3A_185] : memref<2x10240x64xf32, #tpu.memory_space<hbm>> -> memref<1x640x64xf32, #tpu.memory_space<hbm>>
      %dma_wait3A_187 = tpu.memref_squeeze %dma_wait3A_186 : memref<1x640x64xf32, #tpu.memory_space<hbm>> -> memref<640x64xf32, #tpu.memory_space<hbm>>
      %dma_wait3A_188 = arith.constant 0 : i32
      %dma_wait3A_189 = tpu.memref_slice %arg16[%multiple_of3A, %dma_wait3A_188] : memref<10240x64xf32, #tpu.memory_space<vmem_shared>> -> memref<640x64xf32, #tpu.memory_space<vmem_shared>>
      tpu.wait_dma2 semaphore(%run_scoped3A : memref<!tpu.dma_semaphore, #tpu.memory_space<semaphore_mem>>) src(%dma_wait3A_189 : memref<640x64xf32, #tpu.memory_space<vmem_shared>>) dst(%dma_wait3A_187 : memref<640x64xf32, #tpu.memory_space<hbm>>)
      tpu.yield
    }) : () -> ()
    return
  }
}

#map = affine_map<(d0, d1) -> (0, 0)>
#map1 = affine_map<(d0, d1) -> (0, 0, 0)>
module attributes {stable_mosaic.version = 14 : i64} {
  func.func @k(%arg0: i32, %arg1: i32, %arg2: memref<10000x32xf32, #tpu.memory_space<hbm>>, %arg3: memref<80000x128xf32, #tpu.memory_space<hbm>>, %arg4: memref<32x125x80xi32, #tpu.memory_space<hbm>>, %arg5: memref<32x125x80xi32, #tpu.memory_space<hbm>>, %arg6: memref<10240x32xf32, #tpu.memory_space<hbm>>, %arg7: memref<2x10240x32xf32, #tpu.memory_space<hbm>>, %arg8: memref<125x80xi32, #tpu.memory_space<vmem>>, %arg9: memref<125x80xi32, #tpu.memory_space<vmem>>, %arg10: memref<80x32xf32, #tpu.memory_space<vmem>>, %arg11: memref<80x32xf32, #tpu.memory_space<vmem>>, %arg12: memref<80x32xf32, #tpu.memory_space<vmem>>, %arg13: memref<80x32xf32, #tpu.memory_space<vmem>>, %arg14: memref<80x32xf32, #tpu.memory_space<vmem>>, %arg15: memref<80x32xf32, #tpu.memory_space<vmem>>, %arg16: memref<10240x32xf32, #tpu.memory_space<vmem_shared>>, %arg17: memref<!tpu.dma_semaphore, #tpu.memory_space<semaphore_mem>>, %arg18: memref<!tpu.dma_semaphore, #tpu.memory_space<semaphore_mem>>, %arg19: memref<!tpu.dma_semaphore, #tpu.memory_space<semaphore_mem>>, %arg20: memref<!tpu.dma_semaphore, #tpu.memory_space<semaphore_mem>>, %arg21: memref<!tpu.dma_semaphore, #tpu.memory_space<semaphore_mem>>, %arg22: memref<!tpu.dma_semaphore, #tpu.memory_space<semaphore_mem>>) attributes {dimension_semantics = [#tpu.dimension_semantics<core_parallel>, #tpu.dimension_semantics<subcore_parallel>], iteration_bounds = array<i64: 2, 16>, scalar_prefetch = 0 : i64, scratch_operands = 15 : i64, tpu.core_type = #tpu.core_type<sc_vector_subcore>, window_params = [{transform_indices = #map}, {transform_indices = #map}, {transform_indices = #map1}, {transform_indices = #map1}, {transform_indices = #map}, {transform_indices = #map1}]} {
    %mul3A = arith.constant 2 : i32
    %mul3A_0 = arith.muli %arg1, %mul3A : i32
    %add3A = arith.addi %mul3A_0, %arg0 : i32
    %mul3A_1 = arith.constant 640 : i32
    %mul3A_2 = arith.muli %arg1, %mul3A_1 : i32
    %multiple_of3A = tpu.assume_multiple %mul3A_2, 8 : i32
    "tpu.region"() ({
      %run_scoped3A = tpu.sem_alloc : memref<!tpu.dma_semaphore, #tpu.memory_space<semaphore_mem>>
      %dma_start3A_159 = arith.constant 0 : i32
      %dma_start3A_160 = tpu.memref_slice %arg16[%multiple_of3A, %dma_start3A_159] : memref<10240x32xf32, #tpu.memory_space<vmem_shared>> -> memref<640x32xf32, #tpu.memory_space<vmem_shared>>
      %dma_start3A_161 = arith.constant 0 : i32
      %dma_start3A_162 = tpu.memref_slice %arg6[%multiple_of3A, %dma_start3A_161] : memref<10240x32xf32, #tpu.memory_space<hbm>> -> memref<640x32xf32, #tpu.memory_space<hbm>>
      tpu.enqueue_dma source(%dma_start3A_162 : memref<640x32xf32, #tpu.memory_space<hbm>>) target(%dma_start3A_160 : memref<640x32xf32, #tpu.memory_space<vmem_shared>>) target_semaphore(%run_scoped3A : memref<!tpu.dma_semaphore, #tpu.memory_space<semaphore_mem>>)
      %dma_wait3A_163 = arith.constant 0 : i32
      %dma_wait3A_164 = tpu.memref_slice %arg16[%multiple_of3A, %dma_wait3A_163] : memref<10240x32xf32, #tpu.memory_space<vmem_shared>> -> memref<640x32xf32, #tpu.memory_space<vmem_shared>>
      %dma_wait3A_165 = arith.constant 0 : i32
      %dma_wait3A_166 = tpu.memref_slice %arg6[%multiple_of3A, %dma_wait3A_165] : memref<10240x32xf32, #tpu.memory_space<hbm>> -> memref<640x32xf32, #tpu.memory_space<hbm>>
      tpu.wait_dma2 semaphore(%run_scoped3A : memref<!tpu.dma_semaphore, #tpu.memory_space<semaphore_mem>>) src(%dma_wait3A_166 : memref<640x32xf32, #tpu.memory_space<hbm>>) dst(%dma_wait3A_164 : memref<640x32xf32, #tpu.memory_space<vmem_shared>>)
      tpu.yield
    }) : () -> ()
    "tpu.region"() ({
      %run_scoped3A = tpu.sem_alloc : memref<!tpu.dma_semaphore, #tpu.memory_space<semaphore_mem>>
      %dma_start3A_159 = arith.constant 0 : i32
      %dma_start3A_160 = arith.constant 0 : i32
      %dma_start3A_161 = tpu.memref_slice %arg4[%add3A, %dma_start3A_159, %dma_start3A_160] : memref<32x125x80xi32, #tpu.memory_space<hbm>> -> memref<1x125x80xi32, #tpu.memory_space<hbm>>
      %dma_start3A_162 = tpu.memref_squeeze %dma_start3A_161 : memref<1x125x80xi32, #tpu.memory_space<hbm>> -> memref<125x80xi32, #tpu.memory_space<hbm>>
      %dma_start3A_163 = arith.constant 0 : i32
      %dma_start3A_164 = arith.constant 0 : i32
      %dma_start3A_165 = tpu.memref_slice %arg4[%add3A, %dma_start3A_163, %dma_start3A_164] : memref<32x125x80xi32, #tpu.memory_space<hbm>> -> memref<1x125x80xi32, #tpu.memory_space<hbm>>
      %dma_start3A_166 = tpu.memref_squeeze %dma_start3A_165 : memref<1x125x80xi32, #tpu.memory_space<hbm>> -> memref<125x80xi32, #tpu.memory_space<hbm>>
      tpu.enqueue_dma source(%dma_start3A_166 : memref<125x80xi32, #tpu.memory_space<hbm>>) target(%arg8 : memref<125x80xi32, #tpu.memory_space<vmem>>) target_semaphore(%run_scoped3A : memref<!tpu.dma_semaphore, #tpu.memory_space<semaphore_mem>>)
      %dma_wait3A_167 = arith.constant 0 : i32
      %dma_wait3A_168 = arith.constant 0 : i32
      %dma_wait3A_169 = tpu.memref_slice %arg4[%add3A, %dma_wait3A_167, %dma_wait3A_168] : memref<32x125x80xi32, #tpu.memory_space<hbm>> -> memref<1x125x80xi32, #tpu.memory_space<hbm>>
      %dma_wait3A_170 = tpu.memref_squeeze %dma_wait3A_169 : memref<1x125x80xi32, #tpu.memory_space<hbm>> -> memref<125x80xi32, #tpu.memory_space<hbm>>
      %dma_wait3A_171 = arith.constant 0 : i32
      %dma_wait3A_172 = arith.constant 0 : i32
      %dma_wait3A_173 = tpu.memref_slice %arg4[%add3A, %dma_wait3A_171, %dma_wait3A_172] : memref<32x125x80xi32, #tpu.memory_space<hbm>> -> memref<1x125x80xi32, #tpu.memory_space<hbm>>
      %dma_wait3A_174 = tpu.memref_squeeze %dma_wait3A_173 : memref<1x125x80xi32, #tpu.memory_space<hbm>> -> memref<125x80xi32, #tpu.memory_space<hbm>>
      tpu.wait_dma2 semaphore(%run_scoped3A : memref<!tpu.dma_semaphore, #tpu.memory_space<semaphore_mem>>) src(%dma_wait3A_174 : memref<125x80xi32, #tpu.memory_space<hbm>>) dst(%arg8 : memref<125x80xi32, #tpu.memory_space<vmem>>)
      tpu.yield
    }) : () -> ()
    "tpu.region"() ({
      %run_scoped3A = tpu.sem_alloc : memref<!tpu.dma_semaphore, #tpu.memory_space<semaphore_mem>>
      %dma_start3A_159 = arith.constant 0 : i32
      %dma_start3A_160 = arith.constant 0 : i32
      %dma_start3A_161 = tpu.memref_slice %arg5[%add3A, %dma_start3A_159, %dma_start3A_160] : memref<32x125x80xi32, #tpu.memory_space<hbm>> -> memref<1x125x80xi32, #tpu.memory_space<hbm>>
      %dma_start3A_162 = tpu.memref_squeeze %dma_start3A_161 : memref<1x125x80xi32, #tpu.memory_space<hbm>> -> memref<125x80xi32, #tpu.memory_space<hbm>>
      %dma_start3A_163 = arith.constant 0 : i32
      %dma_start3A_164 = arith.constant 0 : i32
      %dma_start3A_165 = tpu.memref_slice %arg5[%add3A, %dma_start3A_163, %dma_start3A_164] : memref<32x125x80xi32, #tpu.memory_space<hbm>> -> memref<1x125x80xi32, #tpu.memory_space<hbm>>
      %dma_start3A_166 = tpu.memref_squeeze %dma_start3A_165 : memref<1x125x80xi32, #tpu.memory_space<hbm>> -> memref<125x80xi32, #tpu.memory_space<hbm>>
      tpu.enqueue_dma source(%dma_start3A_166 : memref<125x80xi32, #tpu.memory_space<hbm>>) target(%arg9 : memref<125x80xi32, #tpu.memory_space<vmem>>) target_semaphore(%run_scoped3A : memref<!tpu.dma_semaphore, #tpu.memory_space<semaphore_mem>>)
      %dma_wait3A_167 = arith.constant 0 : i32
      %dma_wait3A_168 = arith.constant 0 : i32
      %dma_wait3A_169 = tpu.memref_slice %arg5[%add3A, %dma_wait3A_167, %dma_wait3A_168] : memref<32x125x80xi32, #tpu.memory_space<hbm>> -> memref<1x125x80xi32, #tpu.memory_space<hbm>>
      %dma_wait3A_170 = tpu.memref_squeeze %dma_wait3A_169 : memref<1x125x80xi32, #tpu.memory_space<hbm>> -> memref<125x80xi32, #tpu.memory_space<hbm>>
      %dma_wait3A_171 = arith.constant 0 : i32
      %dma_wait3A_172 = arith.constant 0 : i32
      %dma_wait3A_173 = tpu.memref_slice %arg5[%add3A, %dma_wait3A_171, %dma_wait3A_172] : memref<32x125x80xi32, #tpu.memory_space<hbm>> -> memref<1x125x80xi32, #tpu.memory_space<hbm>>
      %dma_wait3A_174 = tpu.memref_squeeze %dma_wait3A_173 : memref<1x125x80xi32, #tpu.memory_space<hbm>> -> memref<125x80xi32, #tpu.memory_space<hbm>>
      tpu.wait_dma2 semaphore(%run_scoped3A : memref<!tpu.dma_semaphore, #tpu.memory_space<semaphore_mem>>) src(%dma_wait3A_174 : memref<125x80xi32, #tpu.memory_space<hbm>>) dst(%arg9 : memref<125x80xi32, #tpu.memory_space<vmem>>)
      tpu.yield
    }) : () -> ()
    %barrier3A = arith.constant 0 : index
    tpu.barrier barrier_id(%barrier3A)
    %mul3A_3 = arith.constant 10000 : i32
    %mul3A_4 = arith.muli %add3A, %mul3A_3 : i32
    %add3A_5 = arith.constant 0 : i32
    %add3A_6 = arith.addi %mul3A_4, %add3A_5 : i32
    %jit3A = arith.constant 1600 : i32
    %div3A = arith.divsi %add3A_6, %jit3A : i32
    %sign3A = arith.constant 0 : i32
    %sign3A_7 = arith.cmpi sgt, %add3A_6, %sign3A : i32
    %sign3A_8 = arith.extui %sign3A_7 : i1 to i32
    %sign3A_9 = arith.constant 0 : i32
    %sign3A_10 = arith.cmpi slt, %add3A_6, %sign3A_9 : i32
    %sign3A_11 = arith.extui %sign3A_10 : i1 to i32
    %sign3A_12 = arith.subi %sign3A_8, %sign3A_11 : i32
    %sign3A_13 = arith.constant 0 : i32
    %sign3A_14 = arith.cmpi sgt, %jit3A, %sign3A_13 : i32
    %sign3A_15 = arith.extui %sign3A_14 : i1 to i32
    %sign3A_16 = arith.constant 0 : i32
    %sign3A_17 = arith.cmpi slt, %jit3A, %sign3A_16 : i32
    %sign3A_18 = arith.extui %sign3A_17 : i1 to i32
    %sign3A_19 = arith.subi %sign3A_15, %sign3A_18 : i32
    %ne3A = arith.cmpi ne, %sign3A_12, %sign3A_19 : i32
    %rem3A = arith.remsi %add3A_6, %jit3A : i32
    %ne3A_20 = arith.constant 0 : i32
    %ne3A_21 = arith.cmpi ne, %rem3A, %ne3A_20 : i32
    %and3A = arith.andi %ne3A, %ne3A_21 : i1
    %sub3A = arith.constant 1 : i32
    %sub3A_22 = arith.subi %div3A, %sub3A : i32
    %select_n3A = arith.select %and3A, %sub3A_22, %div3A : i32
    %mul3A_23 = arith.constant 1600 : i32
    %mul3A_24 = arith.muli %select_n3A, %mul3A_23 : i32
    %sub3A_25 = arith.subi %add3A_6, %mul3A_24 : i32
    %jit3A_26 = arith.constant 400 : i32
    %div3A_27 = arith.divsi %sub3A_25, %jit3A_26 : i32
    %sign3A_28 = arith.constant 0 : i32
    %sign3A_29 = arith.cmpi sgt, %sub3A_25, %sign3A_28 : i32
    %sign3A_30 = arith.extui %sign3A_29 : i1 to i32
    %sign3A_31 = arith.constant 0 : i32
    %sign3A_32 = arith.cmpi slt, %sub3A_25, %sign3A_31 : i32
    %sign3A_33 = arith.extui %sign3A_32 : i1 to i32
    %sign3A_34 = arith.subi %sign3A_30, %sign3A_33 : i32
    %sign3A_35 = arith.constant 0 : i32
    %sign3A_36 = arith.cmpi sgt, %jit3A_26, %sign3A_35 : i32
    %sign3A_37 = arith.extui %sign3A_36 : i1 to i32
    %sign3A_38 = arith.constant 0 : i32
    %sign3A_39 = arith.cmpi slt, %jit3A_26, %sign3A_38 : i32
    %sign3A_40 = arith.extui %sign3A_39 : i1 to i32
    %sign3A_41 = arith.subi %sign3A_37, %sign3A_40 : i32
    %ne3A_42 = arith.cmpi ne, %sign3A_34, %sign3A_41 : i32
    %rem3A_43 = arith.remsi %sub3A_25, %jit3A_26 : i32
    %ne3A_44 = arith.constant 0 : i32
    %ne3A_45 = arith.cmpi ne, %rem3A_43, %ne3A_44 : i32
    %and3A_46 = arith.andi %ne3A_42, %ne3A_45 : i1
    %sub3A_47 = arith.constant 1 : i32
    %sub3A_48 = arith.subi %div3A_27, %sub3A_47 : i32
    %select_n3A_49 = arith.select %and3A_46, %sub3A_48, %div3A_27 : i32
    %mul3A_50 = arith.constant 400 : i32
    %mul3A_51 = arith.muli %select_n3A, %mul3A_50 : i32
    %add3A_52 = arith.addi %mul3A_51, %sub3A_25 : i32
    %mul3A_53 = arith.constant 400 : i32
    %mul3A_54 = arith.muli %select_n3A_49, %mul3A_53 : i32
    %sub3A_55 = arith.subi %add3A_52, %mul3A_54 : i32
    %multiple_of3A_56 = tpu.assume_multiple %sub3A_55, 8 : i32
    %mul3A_57 = arith.constant 32 : i32
    %mul3A_58 = arith.muli %select_n3A_49, %mul3A_57 : i32
    %multiple_of3A_59 = tpu.assume_multiple %mul3A_58, 8 : i32
    %dma_start3A = tpu.memref_slice %arg3[%multiple_of3A_56, %multiple_of3A_59] : memref<80000x128xf32, #tpu.memory_space<hbm>> -> memref<80x32xf32, #tpu.memory_space<hbm>>
    %dma_start3A_60 = tpu.memref_slice %arg3[%multiple_of3A_56, %multiple_of3A_59] : memref<80000x128xf32, #tpu.memory_space<hbm>> -> memref<80x32xf32, #tpu.memory_space<hbm>>
    tpu.enqueue_dma source(%dma_start3A_60 : memref<80x32xf32, #tpu.memory_space<hbm>>) target(%arg10 : memref<80x32xf32, #tpu.memory_space<vmem>>) target_semaphore(%arg17 : memref<!tpu.dma_semaphore, #tpu.memory_space<semaphore_mem>>)
    %dma_start3A_61 = arith.constant 0 : i32
    %dma_start3A_62 = arith.constant 0 : i32
    %dma_start3A_63 = tpu.memref_slice %arg8[%dma_start3A_61, %dma_start3A_62] : memref<125x80xi32, #tpu.memory_space<vmem>> -> memref<1x80xi32, #tpu.memory_space<vmem>>
    %dma_start3A_64 = tpu.memref_squeeze %dma_start3A_63 : memref<1x80xi32, #tpu.memory_space<vmem>> -> memref<80xi32, #tpu.memory_space<vmem>>
    %dma_start3A_65 = arith.constant 0 : i32
    %dma_start3A_66 = arith.constant 0 : i32
    %dma_start3A_67 = tpu.memref_slice %arg2[%dma_start3A_65, %dma_start3A_66] : memref<10000x32xf32, #tpu.memory_space<hbm>> -> memref<10000x32xf32, #tpu.memory_space<hbm>>
    tpu.enqueue_indirect_dma source(%dma_start3A_67 : memref<10000x32xf32, #tpu.memory_space<hbm>>) target(%arg12 : memref<80x32xf32, #tpu.memory_space<vmem>>) offsets(%dma_start3A_64 : memref<80xi32, #tpu.memory_space<vmem>>) semaphore(%arg19 : memref<!tpu.dma_semaphore, #tpu.memory_space<semaphore_mem>>)
    %add3A_68 = arith.constant 80 : i32
    %add3A_69 = arith.addi %mul3A_4, %add3A_68 : i32
    %jit3A_70 = arith.constant 1600 : i32
    %div3A_71 = arith.divsi %add3A_69, %jit3A_70 : i32
    %sign3A_72 = arith.constant 0 : i32
    %sign3A_73 = arith.cmpi sgt, %add3A_69, %sign3A_72 : i32
    %sign3A_74 = arith.extui %sign3A_73 : i1 to i32
    %sign3A_75 = arith.constant 0 : i32
    %sign3A_76 = arith.cmpi slt, %add3A_69, %sign3A_75 : i32
    %sign3A_77 = arith.extui %sign3A_76 : i1 to i32
    %sign3A_78 = arith.subi %sign3A_74, %sign3A_77 : i32
    %sign3A_79 = arith.constant 0 : i32
    %sign3A_80 = arith.cmpi sgt, %jit3A_70, %sign3A_79 : i32
    %sign3A_81 = arith.extui %sign3A_80 : i1 to i32
    %sign3A_82 = arith.constant 0 : i32
    %sign3A_83 = arith.cmpi slt, %jit3A_70, %sign3A_82 : i32
    %sign3A_84 = arith.extui %sign3A_83 : i1 to i32
    %sign3A_85 = arith.subi %sign3A_81, %sign3A_84 : i32
    %ne3A_86 = arith.cmpi ne, %sign3A_78, %sign3A_85 : i32
    %rem3A_87 = arith.remsi %add3A_69, %jit3A_70 : i32
    %ne3A_88 = arith.constant 0 : i32
    %ne3A_89 = arith.cmpi ne, %rem3A_87, %ne3A_88 : i32
    %and3A_90 = arith.andi %ne3A_86, %ne3A_89 : i1
    %sub3A_91 = arith.constant 1 : i32
    %sub3A_92 = arith.subi %div3A_71, %sub3A_91 : i32
    %select_n3A_93 = arith.select %and3A_90, %sub3A_92, %div3A_71 : i32
    %mul3A_94 = arith.constant 1600 : i32
    %mul3A_95 = arith.muli %select_n3A_93, %mul3A_94 : i32
    %sub3A_96 = arith.subi %add3A_69, %mul3A_95 : i32
    %jit3A_97 = arith.constant 400 : i32
    %div3A_98 = arith.divsi %sub3A_96, %jit3A_97 : i32
    %sign3A_99 = arith.constant 0 : i32
    %sign3A_100 = arith.cmpi sgt, %sub3A_96, %sign3A_99 : i32
    %sign3A_101 = arith.extui %sign3A_100 : i1 to i32
    %sign3A_102 = arith.constant 0 : i32
    %sign3A_103 = arith.cmpi slt, %sub3A_96, %sign3A_102 : i32
    %sign3A_104 = arith.extui %sign3A_103 : i1 to i32
    %sign3A_105 = arith.subi %sign3A_101, %sign3A_104 : i32
    %sign3A_106 = arith.constant 0 : i32
    %sign3A_107 = arith.cmpi sgt, %jit3A_97, %sign3A_106 : i32
    %sign3A_108 = arith.extui %sign3A_107 : i1 to i32
    %sign3A_109 = arith.constant 0 : i32
    %sign3A_110 = arith.cmpi slt, %jit3A_97, %sign3A_109 : i32
    %sign3A_111 = arith.extui %sign3A_110 : i1 to i32
    %sign3A_112 = arith.subi %sign3A_108, %sign3A_111 : i32
    %ne3A_113 = arith.cmpi ne, %sign3A_105, %sign3A_112 : i32
    %rem3A_114 = arith.remsi %sub3A_96, %jit3A_97 : i32
    %ne3A_115 = arith.constant 0 : i32
    %ne3A_116 = arith.cmpi ne, %rem3A_114, %ne3A_115 : i32
    %and3A_117 = arith.andi %ne3A_113, %ne3A_116 : i1
    %sub3A_118 = arith.constant 1 : i32
    %sub3A_119 = arith.subi %div3A_98, %sub3A_118 : i32
    %select_n3A_120 = arith.select %and3A_117, %sub3A_119, %div3A_98 : i32
    %mul3A_121 = arith.constant 400 : i32
    %mul3A_122 = arith.muli %select_n3A_93, %mul3A_121 : i32
    %add3A_123 = arith.addi %mul3A_122, %sub3A_96 : i32
    %mul3A_124 = arith.constant 400 : i32
    %mul3A_125 = arith.muli %select_n3A_120, %mul3A_124 : i32
    %sub3A_126 = arith.subi %add3A_123, %mul3A_125 : i32
    %multiple_of3A_127 = tpu.assume_multiple %sub3A_126, 8 : i32
    %mul3A_128 = arith.constant 32 : i32
    %mul3A_129 = arith.muli %select_n3A_120, %mul3A_128 : i32
    %multiple_of3A_130 = tpu.assume_multiple %mul3A_129, 8 : i32
    %dma_start3A_131 = tpu.memref_slice %arg3[%multiple_of3A_127, %multiple_of3A_130] : memref<80000x128xf32, #tpu.memory_space<hbm>> -> memref<80x32xf32, #tpu.memory_space<hbm>>
    %dma_start3A_132 = tpu.memref_slice %arg3[%multiple_of3A_127, %multiple_of3A_130] : memref<80000x128xf32, #tpu.memory_space<hbm>> -> memref<80x32xf32, #tpu.memory_space<hbm>>
    tpu.enqueue_dma source(%dma_start3A_132 : memref<80x32xf32, #tpu.memory_space<hbm>>) target(%arg11 : memref<80x32xf32, #tpu.memory_space<vmem>>) target_semaphore(%arg18 : memref<!tpu.dma_semaphore, #tpu.memory_space<semaphore_mem>>)
    %dma_start3A_133 = arith.constant 1 : i32
    %dma_start3A_134 = arith.constant 0 : i32
    %dma_start3A_135 = tpu.memref_slice %arg8[%dma_start3A_133, %dma_start3A_134] : memref<125x80xi32, #tpu.memory_space<vmem>> -> memref<1x80xi32, #tpu.memory_space<vmem>>
    %dma_start3A_136 = tpu.memref_squeeze %dma_start3A_135 : memref<1x80xi32, #tpu.memory_space<vmem>> -> memref<80xi32, #tpu.memory_space<vmem>>
    %dma_start3A_137 = arith.constant 0 : i32
    %dma_start3A_138 = arith.constant 0 : i32
    %dma_start3A_139 = tpu.memref_slice %arg2[%dma_start3A_137, %dma_start3A_138] : memref<10000x32xf32, #tpu.memory_space<hbm>> -> memref<10000x32xf32, #tpu.memory_space<hbm>>
    tpu.enqueue_indirect_dma source(%dma_start3A_139 : memref<10000x32xf32, #tpu.memory_space<hbm>>) target(%arg13 : memref<80x32xf32, #tpu.memory_space<vmem>>) offsets(%dma_start3A_136 : memref<80xi32, #tpu.memory_space<vmem>>) semaphore(%arg20 : memref<!tpu.dma_semaphore, #tpu.memory_space<semaphore_mem>>)
    %scan3A = arith.constant 0 : i32
    %scan3A_140 = arith.constant 0 : i32
    %scan3A_141 = arith.constant 63 : i32
    %scan3A_142 = arith.addi %scan3A_140, %scan3A_141 : i32
    %scan3A_143 = arith.constant 1 : i32
    scf.for %scan3A_159 = %scan3A_140 to %scan3A_142 step %scan3A_143  : i32 {
      %mul3A_160 = arith.constant 2 : i32
      %mul3A_161 = arith.muli %mul3A_160, %scan3A_159 : i32
      %dma_wait3A_162 = arith.constant 0 : i32
      %dma_wait3A_163 = arith.constant 0 : i32
      %dma_wait3A_164 = tpu.memref_slice %arg3[%dma_wait3A_162, %dma_wait3A_163] : memref<80000x128xf32, #tpu.memory_space<hbm>> -> memref<80x32xf32, #tpu.memory_space<hbm>>
      %dma_wait3A_165 = arith.constant 0 : i32
      %dma_wait3A_166 = arith.constant 0 : i32
      %dma_wait3A_167 = tpu.memref_slice %arg3[%dma_wait3A_165, %dma_wait3A_166] : memref<80000x128xf32, #tpu.memory_space<hbm>> -> memref<80x32xf32, #tpu.memory_space<hbm>>
      tpu.wait_dma2 semaphore(%arg17 : memref<!tpu.dma_semaphore, #tpu.memory_space<semaphore_mem>>) src(%dma_wait3A_167 : memref<80x32xf32, #tpu.memory_space<hbm>>) dst(%arg10 : memref<80x32xf32, #tpu.memory_space<vmem>>)
      %dma_wait3A_168 = arith.constant 0 : i32
      %dma_wait3A_169 = arith.constant 0 : i32
      %dma_wait3A_170 = tpu.memref_slice %arg8[%dma_wait3A_168, %dma_wait3A_169] : memref<125x80xi32, #tpu.memory_space<vmem>> -> memref<1x80xi32, #tpu.memory_space<vmem>>
      %dma_wait3A_171 = tpu.memref_squeeze %dma_wait3A_170 : memref<1x80xi32, #tpu.memory_space<vmem>> -> memref<80xi32, #tpu.memory_space<vmem>>
      %dma_wait3A_172 = arith.constant 0 : i32
      %dma_wait3A_173 = arith.constant 0 : i32
      %dma_wait3A_174 = tpu.memref_slice %arg2[%dma_wait3A_172, %dma_wait3A_173] : memref<10000x32xf32, #tpu.memory_space<hbm>> -> memref<10000x32xf32, #tpu.memory_space<hbm>>
      tpu.wait_indirect_dma semaphore(%arg19 : memref<!tpu.dma_semaphore, #tpu.memory_space<semaphore_mem>>) src(%dma_wait3A_174 : memref<10000x32xf32, #tpu.memory_space<hbm>>) dst(%arg12 : memref<80x32xf32, #tpu.memory_space<vmem>>)
      %ge3A = arith.constant 2 : i32
      %ge3A_175 = arith.cmpi sge, %mul3A_161, %ge3A : i32
      %convert_element_type3A = arith.extui %ge3A_175 : i1 to i32
      %cond3A = arith.constant 0 : i32
      %cond3A_176 = arith.cmpi ne, %convert_element_type3A, %cond3A : i32
      scf.if %cond3A_176 {
        %dma_wait3A_201 = arith.constant 0 : i32
        %dma_wait3A_202 = arith.constant 0 : i32
        %dma_wait3A_203 = tpu.memref_slice %arg9[%dma_wait3A_201, %dma_wait3A_202] : memref<125x80xi32, #tpu.memory_space<vmem>> -> memref<1x80xi32, #tpu.memory_space<vmem>>
        %dma_wait3A_204 = tpu.memref_squeeze %dma_wait3A_203 : memref<1x80xi32, #tpu.memory_space<vmem>> -> memref<80xi32, #tpu.memory_space<vmem>>
        %dma_wait3A_205 = arith.constant 0 : i32
        %dma_wait3A_206 = arith.constant 0 : i32
        %dma_wait3A_207 = tpu.memref_slice %arg16[%dma_wait3A_205, %dma_wait3A_206] : memref<10240x32xf32, #tpu.memory_space<vmem_shared>> -> memref<10240x32xf32, #tpu.memory_space<vmem_shared>>
        tpu.wait_indirect_dma semaphore(%arg21 : memref<!tpu.dma_semaphore, #tpu.memory_space<semaphore_mem>>) src(%arg14 : memref<80x32xf32, #tpu.memory_space<vmem>>) dst(%dma_wait3A_207 : memref<10240x32xf32, #tpu.memory_space<vmem_shared>>)
      } else {
      }
      %scan3A_177 = arith.constant 0 : i32
      %scan3A_178 = arith.constant 0 : i32
      %scan3A_179 = arith.constant 80 : i32
      %scan3A_180 = arith.addi %scan3A_178, %scan3A_179 : i32
      %scan3A_181 = arith.constant 1 : i32
      scf.for %scan3A_201 = %scan3A_178 to %scan3A_180 step %scan3A_181  : i32 {
        %get3A = arith.index_cast %scan3A_201 : i32 to index
        %get3A_202 = arith.constant 0 : index
        %get3A_203 = tpu.vector_load %arg12[%get3A, %get3A_202] {strides = array<i32>} : memref<80x32xf32, #tpu.memory_space<vmem>>, vector<1x16xf32>,
        %get3A_204 = vector.shape_cast %get3A_203 : vector<1x16xf32> to vector<16xf32>
        %get3A_205 = arith.index_cast %scan3A_201 : i32 to index
        %get3A_206 = arith.constant 0 : index
        %get3A_207 = tpu.vector_load %arg10[%get3A_205, %get3A_206] {strides = array<i32>} : memref<80x32xf32, #tpu.memory_space<vmem>>, vector<1x16xf32>,
        %get3A_208 = vector.shape_cast %get3A_207 : vector<1x16xf32> to vector<16xf32>
        %add3A_209 = arith.addf %get3A_204, %get3A_208 : vector<16xf32>
        %max3A = arith.constant 0.000000e+00 : f32
        %max3A_210 = vector.broadcast %max3A : f32 to vector<16xf32>
        %max3A_211 = arith.maximumf %add3A_209, %max3A_210 : vector<16xf32>
        %swap3A = arith.index_cast %scan3A_201 : i32 to index
        %swap3A_212 = arith.constant 0 : index
        %swap3A_213 = tpu.vector_load %arg14[%swap3A, %swap3A_212] {strides = array<i32>} : memref<80x32xf32, #tpu.memory_space<vmem>>, vector<1x16xf32>,
        %swap3A_214 = vector.shape_cast %swap3A_213 : vector<1x16xf32> to vector<16xf32>
        %swap3A_215 = vector.shape_cast %max3A_211 : vector<16xf32> to vector<1x16xf32>
        tpu.vector_store %arg14[%swap3A, %swap3A_212], %swap3A_215 {strides = array<i32>} : memref<80x32xf32, #tpu.memory_space<vmem>>, vector<1x16xf32>,
        %get3A_216 = arith.index_cast %scan3A_201 : i32 to index
        %get3A_217 = arith.constant 16 : index
        %get3A_218 = tpu.vector_load %arg12[%get3A_216, %get3A_217] {strides = array<i32>} : memref<80x32xf32, #tpu.memory_space<vmem>>, vector<1x16xf32>,
        %get3A_219 = vector.shape_cast %get3A_218 : vector<1x16xf32> to vector<16xf32>
        %get3A_220 = arith.index_cast %scan3A_201 : i32 to index
        %get3A_221 = arith.constant 16 : index
        %get3A_222 = tpu.vector_load %arg10[%get3A_220, %get3A_221] {strides = array<i32>} : memref<80x32xf32, #tpu.memory_space<vmem>>, vector<1x16xf32>,
        %get3A_223 = vector.shape_cast %get3A_222 : vector<1x16xf32> to vector<16xf32>
        %add3A_224 = arith.addf %get3A_219, %get3A_223 : vector<16xf32>
        %max3A_225 = arith.constant 0.000000e+00 : f32
        %max3A_226 = vector.broadcast %max3A_225 : f32 to vector<16xf32>
        %max3A_227 = arith.maximumf %add3A_224, %max3A_226 : vector<16xf32>
        %swap3A_228 = arith.index_cast %scan3A_201 : i32 to index
        %swap3A_229 = arith.constant 16 : index
        %swap3A_230 = tpu.vector_load %arg14[%swap3A_228, %swap3A_229] {strides = array<i32>} : memref<80x32xf32, #tpu.memory_space<vmem>>, vector<1x16xf32>,
        %swap3A_231 = vector.shape_cast %swap3A_230 : vector<1x16xf32> to vector<16xf32>
        %swap3A_232 = vector.shape_cast %max3A_227 : vector<16xf32> to vector<1x16xf32>
        tpu.vector_store %arg14[%swap3A_228, %swap3A_229], %swap3A_232 {strides = array<i32>} : memref<80x32xf32, #tpu.memory_space<vmem>>, vector<1x16xf32>,
      }
      %scan3A_182 = arith.constant 80 : i32
      %dma_start3A_183 = arith.constant 0 : i32
      %dma_start3A_184 = tpu.memref_slice %arg9[%mul3A_161, %dma_start3A_183] : memref<125x80xi32, #tpu.memory_space<vmem>> -> memref<1x80xi32, #tpu.memory_space<vmem>>
      %dma_start3A_185 = tpu.memref_squeeze %dma_start3A_184 : memref<1x80xi32, #tpu.memory_space<vmem>> -> memref<80xi32, #tpu.memory_space<vmem>>
      %dma_start3A_186 = arith.constant 0 : i32
      %dma_start3A_187 = arith.constant 0 : i32
      %dma_start3A_188 = tpu.memref_slice %arg16[%dma_start3A_186, %dma_start3A_187] : memref<10240x32xf32, #tpu.memory_space<vmem_shared>> -> memref<10240x32xf32, #tpu.memory_space<vmem_shared>>
      tpu.enqueue_indirect_dma source(%arg14 : memref<80x32xf32, #tpu.memory_space<vmem>>) target(%dma_start3A_188 : memref<10240x32xf32, #tpu.memory_space<vmem_shared>>) offsets(%dma_start3A_185 : memref<80xi32, #tpu.memory_space<vmem>>) semaphore(%arg21 : memref<!tpu.dma_semaphore, #tpu.memory_space<semaphore_mem>>) {add = true}
      %le3A = arith.constant 122 : i32
      %le3A_189 = arith.cmpi sle, %mul3A_161, %le3A : i32
      %convert_element_type3A_190 = arith.extui %le3A_189 : i1 to i32
      %cond3A_191 = arith.constant 0 : i32
      %cond3A_192 = arith.cmpi ne, %convert_element_type3A_190, %cond3A_191 : i32
      scf.if %cond3A_192 {
        %add3A_201 = arith.constant 2 : i32
        %add3A_202 = arith.addi %mul3A_161, %add3A_201 : i32
        %mul3A_203 = arith.constant 80 : i32
        %mul3A_204 = arith.muli %add3A_202, %mul3A_203 : i32
        %add3A_205 = arith.addi %mul3A_4, %mul3A_204 : i32
        %jit3A_206 = arith.constant 1600 : i32
        %div3A_207 = arith.divsi %add3A_205, %jit3A_206 : i32
        %sign3A_208 = arith.constant 0 : i32
        %sign3A_209 = arith.cmpi sgt, %add3A_205, %sign3A_208 : i32
        %sign3A_210 = arith.extui %sign3A_209 : i1 to i32
        %sign3A_211 = arith.constant 0 : i32
        %sign3A_212 = arith.cmpi slt, %add3A_205, %sign3A_211 : i32
        %sign3A_213 = arith.extui %sign3A_212 : i1 to i32
        %sign3A_214 = arith.subi %sign3A_210, %sign3A_213 : i32
        %sign3A_215 = arith.constant 0 : i32
        %sign3A_216 = arith.cmpi sgt, %jit3A_206, %sign3A_215 : i32
        %sign3A_217 = arith.extui %sign3A_216 : i1 to i32
        %sign3A_218 = arith.constant 0 : i32
        %sign3A_219 = arith.cmpi slt, %jit3A_206, %sign3A_218 : i32
        %sign3A_220 = arith.extui %sign3A_219 : i1 to i32
        %sign3A_221 = arith.subi %sign3A_217, %sign3A_220 : i32
        %ne3A_222 = arith.cmpi ne, %sign3A_214, %sign3A_221 : i32
        %rem3A_223 = arith.remsi %add3A_205, %jit3A_206 : i32
        %ne3A_224 = arith.constant 0 : i32
        %ne3A_225 = arith.cmpi ne, %rem3A_223, %ne3A_224 : i32
        %and3A_226 = arith.andi %ne3A_222, %ne3A_225 : i1
        %sub3A_227 = arith.constant 1 : i32
        %sub3A_228 = arith.subi %div3A_207, %sub3A_227 : i32
        %select_n3A_229 = arith.select %and3A_226, %sub3A_228, %div3A_207 : i32
        %mul3A_230 = arith.constant 1600 : i32
        %mul3A_231 = arith.muli %select_n3A_229, %mul3A_230 : i32
        %sub3A_232 = arith.subi %add3A_205, %mul3A_231 : i32
        %jit3A_233 = arith.constant 400 : i32
        %div3A_234 = arith.divsi %sub3A_232, %jit3A_233 : i32
        %sign3A_235 = arith.constant 0 : i32
        %sign3A_236 = arith.cmpi sgt, %sub3A_232, %sign3A_235 : i32
        %sign3A_237 = arith.extui %sign3A_236 : i1 to i32
        %sign3A_238 = arith.constant 0 : i32
        %sign3A_239 = arith.cmpi slt, %sub3A_232, %sign3A_238 : i32
        %sign3A_240 = arith.extui %sign3A_239 : i1 to i32
        %sign3A_241 = arith.subi %sign3A_237, %sign3A_240 : i32
        %sign3A_242 = arith.constant 0 : i32
        %sign3A_243 = arith.cmpi sgt, %jit3A_233, %sign3A_242 : i32
        %sign3A_244 = arith.extui %sign3A_243 : i1 to i32
        %sign3A_245 = arith.constant 0 : i32
        %sign3A_246 = arith.cmpi slt, %jit3A_233, %sign3A_245 : i32
        %sign3A_247 = arith.extui %sign3A_246 : i1 to i32
        %sign3A_248 = arith.subi %sign3A_244, %sign3A_247 : i32
        %ne3A_249 = arith.cmpi ne, %sign3A_241, %sign3A_248 : i32
        %rem3A_250 = arith.remsi %sub3A_232, %jit3A_233 : i32
        %ne3A_251 = arith.constant 0 : i32
        %ne3A_252 = arith.cmpi ne, %rem3A_250, %ne3A_251 : i32
        %and3A_253 = arith.andi %ne3A_249, %ne3A_252 : i1
        %sub3A_254 = arith.constant 1 : i32
        %sub3A_255 = arith.subi %div3A_234, %sub3A_254 : i32
        %select_n3A_256 = arith.select %and3A_253, %sub3A_255, %div3A_234 : i32
        %mul3A_257 = arith.constant 400 : i32
        %mul3A_258 = arith.muli %select_n3A_229, %mul3A_257 : i32
        %add3A_259 = arith.addi %mul3A_258, %sub3A_232 : i32
        %mul3A_260 = arith.constant 400 : i32
        %mul3A_261 = arith.muli %select_n3A_256, %mul3A_260 : i32
        %sub3A_262 = arith.subi %add3A_259, %mul3A_261 : i32
        %multiple_of3A_263 = tpu.assume_multiple %sub3A_262, 8 : i32
        %mul3A_264 = arith.constant 32 : i32
        %mul3A_265 = arith.muli %select_n3A_256, %mul3A_264 : i32
        %multiple_of3A_266 = tpu.assume_multiple %mul3A_265, 8 : i32
        %dma_start3A_267 = tpu.memref_slice %arg3[%multiple_of3A_263, %multiple_of3A_266] : memref<80000x128xf32, #tpu.memory_space<hbm>> -> memref<80x32xf32, #tpu.memory_space<hbm>>
        %dma_start3A_268 = tpu.memref_slice %arg3[%multiple_of3A_263, %multiple_of3A_266] : memref<80000x128xf32, #tpu.memory_space<hbm>> -> memref<80x32xf32, #tpu.memory_space<hbm>>
        tpu.enqueue_dma source(%dma_start3A_268 : memref<80x32xf32, #tpu.memory_space<hbm>>) target(%arg10 : memref<80x32xf32, #tpu.memory_space<vmem>>) target_semaphore(%arg17 : memref<!tpu.dma_semaphore, #tpu.memory_space<semaphore_mem>>)
        %dma_start3A_269 = arith.constant 0 : i32
        %dma_start3A_270 = tpu.memref_slice %arg8[%add3A_202, %dma_start3A_269] : memref<125x80xi32, #tpu.memory_space<vmem>> -> memref<1x80xi32, #tpu.memory_space<vmem>>
        %dma_start3A_271 = tpu.memref_squeeze %dma_start3A_270 : memref<1x80xi32, #tpu.memory_space<vmem>> -> memref<80xi32, #tpu.memory_space<vmem>>
        %dma_start3A_272 = arith.constant 0 : i32
        %dma_start3A_273 = arith.constant 0 : i32
        %dma_start3A_274 = tpu.memref_slice %arg2[%dma_start3A_272, %dma_start3A_273] : memref<10000x32xf32, #tpu.memory_space<hbm>> -> memref<10000x32xf32, #tpu.memory_space<hbm>>
        tpu.enqueue_indirect_dma source(%dma_start3A_274 : memref<10000x32xf32, #tpu.memory_space<hbm>>) target(%arg12 : memref<80x32xf32, #tpu.memory_space<vmem>>) offsets(%dma_start3A_271 : memref<80xi32, #tpu.memory_space<vmem>>) semaphore(%arg19 : memref<!tpu.dma_semaphore, #tpu.memory_space<semaphore_mem>>)
      } else {
      }
      %mul3A_193 = arith.constant 2 : i32
      %mul3A_194 = arith.muli %mul3A_193, %scan3A_159 : i32
      %add3A_195 = arith.constant 1 : i32
      %add3A_196 = arith.addi %mul3A_194, %add3A_195 : i32
      %lt3A = arith.constant 125 : i32
      %lt3A_197 = arith.cmpi slt, %add3A_196, %lt3A : i32
      %convert_element_type3A_198 = arith.extui %lt3A_197 : i1 to i32
      %cond3A_199 = arith.constant 0 : i32
      %cond3A_200 = arith.cmpi ne, %convert_element_type3A_198, %cond3A_199 : i32
      scf.if %cond3A_200 {
        %mul3A_201 = arith.constant 2 : i32
        %mul3A_202 = arith.muli %mul3A_201, %scan3A_159 : i32
        %add3A_203 = arith.constant 1 : i32
        %add3A_204 = arith.addi %mul3A_202, %add3A_203 : i32
        %dma_wait3A_205 = arith.constant 0 : i32
        %dma_wait3A_206 = arith.constant 0 : i32
        %dma_wait3A_207 = tpu.memref_slice %arg3[%dma_wait3A_205, %dma_wait3A_206] : memref<80000x128xf32, #tpu.memory_space<hbm>> -> memref<80x32xf32, #tpu.memory_space<hbm>>
        %dma_wait3A_208 = arith.constant 0 : i32
        %dma_wait3A_209 = arith.constant 0 : i32
        %dma_wait3A_210 = tpu.memref_slice %arg3[%dma_wait3A_208, %dma_wait3A_209] : memref<80000x128xf32, #tpu.memory_space<hbm>> -> memref<80x32xf32, #tpu.memory_space<hbm>>
        tpu.wait_dma2 semaphore(%arg18 : memref<!tpu.dma_semaphore, #tpu.memory_space<semaphore_mem>>) src(%dma_wait3A_210 : memref<80x32xf32, #tpu.memory_space<hbm>>) dst(%arg11 : memref<80x32xf32, #tpu.memory_space<vmem>>)
        %dma_wait3A_211 = arith.constant 0 : i32
        %dma_wait3A_212 = arith.constant 0 : i32
        %dma_wait3A_213 = tpu.memref_slice %arg8[%dma_wait3A_211, %dma_wait3A_212] : memref<125x80xi32, #tpu.memory_space<vmem>> -> memref<1x80xi32, #tpu.memory_space<vmem>>
        %dma_wait3A_214 = tpu.memref_squeeze %dma_wait3A_213 : memref<1x80xi32, #tpu.memory_space<vmem>> -> memref<80xi32, #tpu.memory_space<vmem>>
        %dma_wait3A_215 = arith.constant 0 : i32
        %dma_wait3A_216 = arith.constant 0 : i32
        %dma_wait3A_217 = tpu.memref_slice %arg2[%dma_wait3A_215, %dma_wait3A_216] : memref<10000x32xf32, #tpu.memory_space<hbm>> -> memref<10000x32xf32, #tpu.memory_space<hbm>>
        tpu.wait_indirect_dma semaphore(%arg20 : memref<!tpu.dma_semaphore, #tpu.memory_space<semaphore_mem>>) src(%dma_wait3A_217 : memref<10000x32xf32, #tpu.memory_space<hbm>>) dst(%arg13 : memref<80x32xf32, #tpu.memory_space<vmem>>)
        %ge3A_218 = arith.constant 2 : i32
        %ge3A_219 = arith.cmpi sge, %add3A_204, %ge3A_218 : i32
        %convert_element_type3A_220 = arith.extui %ge3A_219 : i1 to i32
        %cond3A_221 = arith.constant 0 : i32
        %cond3A_222 = arith.cmpi ne, %convert_element_type3A_220, %cond3A_221 : i32
        scf.if %cond3A_222 {
          %dma_wait3A_240 = arith.constant 0 : i32
          %dma_wait3A_241 = arith.constant 0 : i32
          %dma_wait3A_242 = tpu.memref_slice %arg9[%dma_wait3A_240, %dma_wait3A_241] : memref<125x80xi32, #tpu.memory_space<vmem>> -> memref<1x80xi32, #tpu.memory_space<vmem>>
          %dma_wait3A_243 = tpu.memref_squeeze %dma_wait3A_242 : memref<1x80xi32, #tpu.memory_space<vmem>> -> memref<80xi32, #tpu.memory_space<vmem>>
          %dma_wait3A_244 = arith.constant 0 : i32
          %dma_wait3A_245 = arith.constant 0 : i32
          %dma_wait3A_246 = tpu.memref_slice %arg16[%dma_wait3A_244, %dma_wait3A_245] : memref<10240x32xf32, #tpu.memory_space<vmem_shared>> -> memref<10240x32xf32, #tpu.memory_space<vmem_shared>>
          tpu.wait_indirect_dma semaphore(%arg22 : memref<!tpu.dma_semaphore, #tpu.memory_space<semaphore_mem>>) src(%arg15 : memref<80x32xf32, #tpu.memory_space<vmem>>) dst(%dma_wait3A_246 : memref<10240x32xf32, #tpu.memory_space<vmem_shared>>)
        } else {
        }
        %scan3A_223 = arith.constant 0 : i32
        %scan3A_224 = arith.constant 0 : i32
        %scan3A_225 = arith.constant 80 : i32
        %scan3A_226 = arith.addi %scan3A_224, %scan3A_225 : i32
        %scan3A_227 = arith.constant 1 : i32
        scf.for %scan3A_240 = %scan3A_224 to %scan3A_226 step %scan3A_227  : i32 {
          %get3A = arith.index_cast %scan3A_240 : i32 to index
          %get3A_241 = arith.constant 0 : index
          %get3A_242 = tpu.vector_load %arg13[%get3A, %get3A_241] {strides = array<i32>} : memref<80x32xf32, #tpu.memory_space<vmem>>, vector<1x16xf32>,
          %get3A_243 = vector.shape_cast %get3A_242 : vector<1x16xf32> to vector<16xf32>
          %get3A_244 = arith.index_cast %scan3A_240 : i32 to index
          %get3A_245 = arith.constant 0 : index
          %get3A_246 = tpu.vector_load %arg11[%get3A_244, %get3A_245] {strides = array<i32>} : memref<80x32xf32, #tpu.memory_space<vmem>>, vector<1x16xf32>,
          %get3A_247 = vector.shape_cast %get3A_246 : vector<1x16xf32> to vector<16xf32>
          %add3A_248 = arith.addf %get3A_243, %get3A_247 : vector<16xf32>
          %max3A = arith.constant 0.000000e+00 : f32
          %max3A_249 = vector.broadcast %max3A : f32 to vector<16xf32>
          %max3A_250 = arith.maximumf %add3A_248, %max3A_249 : vector<16xf32>
          %swap3A = arith.index_cast %scan3A_240 : i32 to index
          %swap3A_251 = arith.constant 0 : index
          %swap3A_252 = tpu.vector_load %arg15[%swap3A, %swap3A_251] {strides = array<i32>} : memref<80x32xf32, #tpu.memory_space<vmem>>, vector<1x16xf32>,
          %swap3A_253 = vector.shape_cast %swap3A_252 : vector<1x16xf32> to vector<16xf32>
          %swap3A_254 = vector.shape_cast %max3A_250 : vector<16xf32> to vector<1x16xf32>
          tpu.vector_store %arg15[%swap3A, %swap3A_251], %swap3A_254 {strides = array<i32>} : memref<80x32xf32, #tpu.memory_space<vmem>>, vector<1x16xf32>,
          %get3A_255 = arith.index_cast %scan3A_240 : i32 to index
          %get3A_256 = arith.constant 16 : index
          %get3A_257 = tpu.vector_load %arg13[%get3A_255, %get3A_256] {strides = array<i32>} : memref<80x32xf32, #tpu.memory_space<vmem>>, vector<1x16xf32>,
          %get3A_258 = vector.shape_cast %get3A_257 : vector<1x16xf32> to vector<16xf32>
          %get3A_259 = arith.index_cast %scan3A_240 : i32 to index
          %get3A_260 = arith.constant 16 : index
          %get3A_261 = tpu.vector_load %arg11[%get3A_259, %get3A_260] {strides = array<i32>} : memref<80x32xf32, #tpu.memory_space<vmem>>, vector<1x16xf32>,
          %get3A_262 = vector.shape_cast %get3A_261 : vector<1x16xf32> to vector<16xf32>
          %add3A_263 = arith.addf %get3A_258, %get3A_262 : vector<16xf32>
          %max3A_264 = arith.constant 0.000000e+00 : f32
          %max3A_265 = vector.broadcast %max3A_264 : f32 to vector<16xf32>
          %max3A_266 = arith.maximumf %add3A_263, %max3A_265 : vector<16xf32>
          %swap3A_267 = arith.index_cast %scan3A_240 : i32 to index
          %swap3A_268 = arith.constant 16 : index
          %swap3A_269 = tpu.vector_load %arg15[%swap3A_267, %swap3A_268] {strides = array<i32>} : memref<80x32xf32, #tpu.memory_space<vmem>>, vector<1x16xf32>,
          %swap3A_270 = vector.shape_cast %swap3A_269 : vector<1x16xf32> to vector<16xf32>
          %swap3A_271 = vector.shape_cast %max3A_266 : vector<16xf32> to vector<1x16xf32>
          tpu.vector_store %arg15[%swap3A_267, %swap3A_268], %swap3A_271 {strides = array<i32>} : memref<80x32xf32, #tpu.memory_space<vmem>>, vector<1x16xf32>,
        }
        %scan3A_228 = arith.constant 80 : i32
        %dma_start3A_229 = arith.constant 0 : i32
        %dma_start3A_230 = tpu.memref_slice %arg9[%add3A_204, %dma_start3A_229] : memref<125x80xi32, #tpu.memory_space<vmem>> -> memref<1x80xi32, #tpu.memory_space<vmem>>
        %dma_start3A_231 = tpu.memref_squeeze %dma_start3A_230 : memref<1x80xi32, #tpu.memory_space<vmem>> -> memref<80xi32, #tpu.memory_space<vmem>>
        %dma_start3A_232 = arith.constant 0 : i32
        %dma_start3A_233 = arith.constant 0 : i32
        %dma_start3A_234 = tpu.memref_slice %arg16[%dma_start3A_232, %dma_start3A_233] : memref<10240x32xf32, #tpu.memory_space<vmem_shared>> -> memref<10240x32xf32, #tpu.memory_space<vmem_shared>>
        tpu.enqueue_indirect_dma source(%arg15 : memref<80x32xf32, #tpu.memory_space<vmem>>) target(%dma_start3A_234 : memref<10240x32xf32, #tpu.memory_space<vmem_shared>>) offsets(%dma_start3A_231 : memref<80xi32, #tpu.memory_space<vmem>>) semaphore(%arg22 : memref<!tpu.dma_semaphore, #tpu.memory_space<semaphore_mem>>) {add = true}
        %le3A_235 = arith.constant 122 : i32
        %le3A_236 = arith.cmpi sle, %add3A_204, %le3A_235 : i32
        %convert_element_type3A_237 = arith.extui %le3A_236 : i1 to i32
        %cond3A_238 = arith.constant 0 : i32
        %cond3A_239 = arith.cmpi ne, %convert_element_type3A_237, %cond3A_238 : i32
        scf.if %cond3A_239 {
          %add3A_240 = arith.constant 2 : i32
          %add3A_241 = arith.addi %add3A_204, %add3A_240 : i32
          %mul3A_242 = arith.constant 80 : i32
          %mul3A_243 = arith.muli %add3A_241, %mul3A_242 : i32
          %add3A_244 = arith.addi %mul3A_4, %mul3A_243 : i32
          %jit3A_245 = arith.constant 1600 : i32
          %div3A_246 = arith.divsi %add3A_244, %jit3A_245 : i32
          %sign3A_247 = arith.constant 0 : i32
          %sign3A_248 = arith.cmpi sgt, %add3A_244, %sign3A_247 : i32
          %sign3A_249 = arith.extui %sign3A_248 : i1 to i32
          %sign3A_250 = arith.constant 0 : i32
          %sign3A_251 = arith.cmpi slt, %add3A_244, %sign3A_250 : i32
          %sign3A_252 = arith.extui %sign3A_251 : i1 to i32
          %sign3A_253 = arith.subi %sign3A_249, %sign3A_252 : i32
          %sign3A_254 = arith.constant 0 : i32
          %sign3A_255 = arith.cmpi sgt, %jit3A_245, %sign3A_254 : i32
          %sign3A_256 = arith.extui %sign3A_255 : i1 to i32
          %sign3A_257 = arith.constant 0 : i32
          %sign3A_258 = arith.cmpi slt, %jit3A_245, %sign3A_257 : i32
          %sign3A_259 = arith.extui %sign3A_258 : i1 to i32
          %sign3A_260 = arith.subi %sign3A_256, %sign3A_259 : i32
          %ne3A_261 = arith.cmpi ne, %sign3A_253, %sign3A_260 : i32
          %rem3A_262 = arith.remsi %add3A_244, %jit3A_245 : i32
          %ne3A_263 = arith.constant 0 : i32
          %ne3A_264 = arith.cmpi ne, %rem3A_262, %ne3A_263 : i32
          %and3A_265 = arith.andi %ne3A_261, %ne3A_264 : i1
          %sub3A_266 = arith.constant 1 : i32
          %sub3A_267 = arith.subi %div3A_246, %sub3A_266 : i32
          %select_n3A_268 = arith.select %and3A_265, %sub3A_267, %div3A_246 : i32
          %mul3A_269 = arith.constant 1600 : i32
          %mul3A_270 = arith.muli %select_n3A_268, %mul3A_269 : i32
          %sub3A_271 = arith.subi %add3A_244, %mul3A_270 : i32
          %jit3A_272 = arith.constant 400 : i32
          %div3A_273 = arith.divsi %sub3A_271, %jit3A_272 : i32
          %sign3A_274 = arith.constant 0 : i32
          %sign3A_275 = arith.cmpi sgt, %sub3A_271, %sign3A_274 : i32
          %sign3A_276 = arith.extui %sign3A_275 : i1 to i32
          %sign3A_277 = arith.constant 0 : i32
          %sign3A_278 = arith.cmpi slt, %sub3A_271, %sign3A_277 : i32
          %sign3A_279 = arith.extui %sign3A_278 : i1 to i32
          %sign3A_280 = arith.subi %sign3A_276, %sign3A_279 : i32
          %sign3A_281 = arith.constant 0 : i32
          %sign3A_282 = arith.cmpi sgt, %jit3A_272, %sign3A_281 : i32
          %sign3A_283 = arith.extui %sign3A_282 : i1 to i32
          %sign3A_284 = arith.constant 0 : i32
          %sign3A_285 = arith.cmpi slt, %jit3A_272, %sign3A_284 : i32
          %sign3A_286 = arith.extui %sign3A_285 : i1 to i32
          %sign3A_287 = arith.subi %sign3A_283, %sign3A_286 : i32
          %ne3A_288 = arith.cmpi ne, %sign3A_280, %sign3A_287 : i32
          %rem3A_289 = arith.remsi %sub3A_271, %jit3A_272 : i32
          %ne3A_290 = arith.constant 0 : i32
          %ne3A_291 = arith.cmpi ne, %rem3A_289, %ne3A_290 : i32
          %and3A_292 = arith.andi %ne3A_288, %ne3A_291 : i1
          %sub3A_293 = arith.constant 1 : i32
          %sub3A_294 = arith.subi %div3A_273, %sub3A_293 : i32
          %select_n3A_295 = arith.select %and3A_292, %sub3A_294, %div3A_273 : i32
          %mul3A_296 = arith.constant 400 : i32
          %mul3A_297 = arith.muli %select_n3A_268, %mul3A_296 : i32
          %add3A_298 = arith.addi %mul3A_297, %sub3A_271 : i32
          %mul3A_299 = arith.constant 400 : i32
          %mul3A_300 = arith.muli %select_n3A_295, %mul3A_299 : i32
          %sub3A_301 = arith.subi %add3A_298, %mul3A_300 : i32
          %multiple_of3A_302 = tpu.assume_multiple %sub3A_301, 8 : i32
          %mul3A_303 = arith.constant 32 : i32
          %mul3A_304 = arith.muli %select_n3A_295, %mul3A_303 : i32
          %multiple_of3A_305 = tpu.assume_multiple %mul3A_304, 8 : i32
          %dma_start3A_306 = tpu.memref_slice %arg3[%multiple_of3A_302, %multiple_of3A_305] : memref<80000x128xf32, #tpu.memory_space<hbm>> -> memref<80x32xf32, #tpu.memory_space<hbm>>
          %dma_start3A_307 = tpu.memref_slice %arg3[%multiple_of3A_302, %multiple_of3A_305] : memref<80000x128xf32, #tpu.memory_space<hbm>> -> memref<80x32xf32, #tpu.memory_space<hbm>>
          tpu.enqueue_dma source(%dma_start3A_307 : memref<80x32xf32, #tpu.memory_space<hbm>>) target(%arg11 : memref<80x32xf32, #tpu.memory_space<vmem>>) target_semaphore(%arg18 : memref<!tpu.dma_semaphore, #tpu.memory_space<semaphore_mem>>)
          %dma_start3A_308 = arith.constant 0 : i32
          %dma_start3A_309 = tpu.memref_slice %arg8[%add3A_241, %dma_start3A_308] : memref<125x80xi32, #tpu.memory_space<vmem>> -> memref<1x80xi32, #tpu.memory_space<vmem>>
          %dma_start3A_310 = tpu.memref_squeeze %dma_start3A_309 : memref<1x80xi32, #tpu.memory_space<vmem>> -> memref<80xi32, #tpu.memory_space<vmem>>
          %dma_start3A_311 = arith.constant 0 : i32
          %dma_start3A_312 = arith.constant 0 : i32
          %dma_start3A_313 = tpu.memref_slice %arg2[%dma_start3A_311, %dma_start3A_312] : memref<10000x32xf32, #tpu.memory_space<hbm>> -> memref<10000x32xf32, #tpu.memory_space<hbm>>
          tpu.enqueue_indirect_dma source(%dma_start3A_313 : memref<10000x32xf32, #tpu.memory_space<hbm>>) target(%arg13 : memref<80x32xf32, #tpu.memory_space<vmem>>) offsets(%dma_start3A_310 : memref<80xi32, #tpu.memory_space<vmem>>) semaphore(%arg20 : memref<!tpu.dma_semaphore, #tpu.memory_space<semaphore_mem>>)
        } else {
        }
      } else {
      }
    }
    %scan3A_144 = arith.constant 63 : i32
    %dma_wait3A = arith.constant 0 : i32
    %dma_wait3A_145 = arith.constant 0 : i32
    %dma_wait3A_146 = tpu.memref_slice %arg9[%dma_wait3A, %dma_wait3A_145] : memref<125x80xi32, #tpu.memory_space<vmem>> -> memref<1x80xi32, #tpu.memory_space<vmem>>
    %dma_wait3A_147 = tpu.memref_squeeze %dma_wait3A_146 : memref<1x80xi32, #tpu.memory_space<vmem>> -> memref<80xi32, #tpu.memory_space<vmem>>
    %dma_wait3A_148 = arith.constant 0 : i32
    %dma_wait3A_149 = arith.constant 0 : i32
    %dma_wait3A_150 = tpu.memref_slice %arg16[%dma_wait3A_148, %dma_wait3A_149] : memref<10240x32xf32, #tpu.memory_space<vmem_shared>> -> memref<10240x32xf32, #tpu.memory_space<vmem_shared>>
    tpu.wait_indirect_dma semaphore(%arg21 : memref<!tpu.dma_semaphore, #tpu.memory_space<semaphore_mem>>) src(%arg14 : memref<80x32xf32, #tpu.memory_space<vmem>>) dst(%dma_wait3A_150 : memref<10240x32xf32, #tpu.memory_space<vmem_shared>>)
    %dma_wait3A_151 = arith.constant 0 : i32
    %dma_wait3A_152 = arith.constant 0 : i32
    %dma_wait3A_153 = tpu.memref_slice %arg9[%dma_wait3A_151, %dma_wait3A_152] : memref<125x80xi32, #tpu.memory_space<vmem>> -> memref<1x80xi32, #tpu.memory_space<vmem>>
    %dma_wait3A_154 = tpu.memref_squeeze %dma_wait3A_153 : memref<1x80xi32, #tpu.memory_space<vmem>> -> memref<80xi32, #tpu.memory_space<vmem>>
    %dma_wait3A_155 = arith.constant 0 : i32
    %dma_wait3A_156 = arith.constant 0 : i32
    %dma_wait3A_157 = tpu.memref_slice %arg16[%dma_wait3A_155, %dma_wait3A_156] : memref<10240x32xf32, #tpu.memory_space<vmem_shared>> -> memref<10240x32xf32, #tpu.memory_space<vmem_shared>>
    tpu.wait_indirect_dma semaphore(%arg22 : memref<!tpu.dma_semaphore, #tpu.memory_space<semaphore_mem>>) src(%arg15 : memref<80x32xf32, #tpu.memory_space<vmem>>) dst(%dma_wait3A_157 : memref<10240x32xf32, #tpu.memory_space<vmem_shared>>)
    %barrier3A_158 = arith.constant 0 : index
    tpu.barrier barrier_id(%barrier3A_158)
    "tpu.region"() ({
      %run_scoped3A = tpu.sem_alloc : memref<!tpu.dma_semaphore, #tpu.memory_space<semaphore_mem>>
      %dma_start3A_159 = arith.constant 0 : i32
      %dma_start3A_160 = tpu.memref_slice %arg7[%arg0, %multiple_of3A, %dma_start3A_159] : memref<2x10240x32xf32, #tpu.memory_space<hbm>> -> memref<1x640x32xf32, #tpu.memory_space<hbm>>
      %dma_start3A_161 = tpu.memref_squeeze %dma_start3A_160 : memref<1x640x32xf32, #tpu.memory_space<hbm>> -> memref<640x32xf32, #tpu.memory_space<hbm>>
      %dma_start3A_162 = arith.constant 0 : i32
      %dma_start3A_163 = tpu.memref_slice %arg16[%multiple_of3A, %dma_start3A_162] : memref<10240x32xf32, #tpu.memory_space<vmem_shared>> -> memref<640x32xf32, #tpu.memory_space<vmem_shared>>
      tpu.enqueue_dma source(%dma_start3A_163 : memref<640x32xf32, #tpu.memory_space<vmem_shared>>) target(%dma_start3A_161 : memref<640x32xf32, #tpu.memory_space<hbm>>) target_semaphore(%run_scoped3A : memref<!tpu.dma_semaphore, #tpu.memory_space<semaphore_mem>>)
      %dma_wait3A_164 = arith.constant 0 : i32
      %dma_wait3A_165 = tpu.memref_slice %arg7[%arg0, %multiple_of3A, %dma_wait3A_164] : memref<2x10240x32xf32, #tpu.memory_space<hbm>> -> memref<1x640x32xf32, #tpu.memory_space<hbm>>
      %dma_wait3A_166 = tpu.memref_squeeze %dma_wait3A_165 : memref<1x640x32xf32, #tpu.memory_space<hbm>> -> memref<640x32xf32, #tpu.memory_space<hbm>>
      %dma_wait3A_167 = arith.constant 0 : i32
      %dma_wait3A_168 = tpu.memref_slice %arg16[%multiple_of3A, %dma_wait3A_167] : memref<10240x32xf32, #tpu.memory_space<vmem_shared>> -> memref<640x32xf32, #tpu.memory_space<vmem_shared>>
      tpu.wait_dma2 semaphore(%run_scoped3A : memref<!tpu.dma_semaphore, #tpu.memory_space<semaphore_mem>>) src(%dma_wait3A_168 : memref<640x32xf32, #tpu.memory_space<vmem_shared>>) dst(%dma_wait3A_166 : memref<640x32xf32, #tpu.memory_space<hbm>>)
      tpu.yield
    }) : () -> ()
    return
  }
}

module attributes {stable_mosaic.version = 14 : i64} {
  func.func @body(%arg0: i32, %arg1: memref<1600x16xf32, #tpu.memory_space<vmem>>, %arg2: memref<16x128xf32, #tpu.memory_space<vmem>>, %arg3: memref<1x128xf32, #tpu.memory_space<vmem>>, %arg4: memref<16x32xf32, #tpu.memory_space<vmem>>, %arg5: memref<1x32xf32, #tpu.memory_space<vmem>>, %arg6: memref<16x32xf32, #tpu.memory_space<vmem>>, %arg7: memref<1x32xf32, #tpu.memory_space<vmem>>, %arg8: memref<2x800x128xf32, #tpu.memory_space<vmem>>, %arg9: memref<400x128xf32, #tpu.memory_space<vmem>>, %arg10: memref<400x128xf32, #tpu.memory_space<vmem>>) attributes {dimension_semantics = [#tpu.dimension_semantics<arbitrary>], iteration_bounds = array<i64: 200>, scalar_prefetch = 0 : i64, scratch_operands = 0 : i64, tpu.core_type = #tpu.core_type<tc>, window_params = [{transform_indices = @transform_0, window_bounds = array<i64: 1600, 16>}, {pipeline_mode = #tpu.pipeline_mode<synchronous>, transform_indices = @transform_1, window_bounds = array<i64: 16, 128>}, {pipeline_mode = #tpu.pipeline_mode<synchronous>, transform_indices = @transform_2, window_bounds = array<i64: 1, 128>}, {pipeline_mode = #tpu.pipeline_mode<synchronous>, transform_indices = @transform_3, window_bounds = array<i64: 16, 32>}, {pipeline_mode = #tpu.pipeline_mode<synchronous>, transform_indices = @transform_4, window_bounds = array<i64: 1, 32>}, {pipeline_mode = #tpu.pipeline_mode<synchronous>, transform_indices = @transform_5, window_bounds = array<i64: 16, 32>}, {pipeline_mode = #tpu.pipeline_mode<synchronous>, transform_indices = @transform_6, window_bounds = array<i64: 1, 32>}, {transform_indices = @transform_7, window_bounds = array<i64: 2, 800, 128>}, {transform_indices = @transform_8, window_bounds = array<i64: 400, 128>}, {transform_indices = @transform_9, window_bounds = array<i64: 400, 128>}]} {
    %get3A = arith.constant 0 : index
    %get3A_0 = arith.constant 0 : index
    %get3A_1 = vector.load %arg1[%get3A, %get3A_0] : memref<1600x16xf32, #tpu.memory_space<vmem>>, vector<1600x16xf32>
    %get3A_2 = arith.constant 0 : index
    %get3A_3 = arith.constant 0 : index
    %get3A_4 = vector.load %arg2[%get3A_2, %get3A_3] : memref<16x128xf32, #tpu.memory_space<vmem>>, vector<16x128xf32>
    %dot_general3A = arith.constant dense<0.000000e+00> : vector<1600x128xf32>
    %dot_general3A_5 = tpu.matmul %get3A_1, %get3A_4, %dot_general3A {dimension_numbers = #tpu.dot_dimension_numbers<[1], [0], [0], [1], [0, 0, 1, 1], [], []>, transpose_lhs_hint = false} : vector<1600x16xf32>, vector<16x128xf32>, vector<1600x128xf32> -> vector<1600x128xf32>
    %get3A_6 = arith.constant 0 : index
    %get3A_7 = arith.constant 0 : index
    %get3A_8 = vector.load %arg3[%get3A_6, %get3A_7] : memref<1x128xf32, #tpu.memory_space<vmem>>, vector<1x128xf32>
    %add3A = vector.broadcast %get3A_8 : vector<1x128xf32> to vector<1600x128xf32>
    %add3A_9 = arith.addf %dot_general3A_5, %add3A : vector<1600x128xf32>
    %slice3A = vector.extract_strided_slice %add3A_9 {offsets = [0, 0], sizes = [1600, 64], strides = [1, 1]} : vector<1600x128xf32> to vector<1600x64xf32>
    %slice3A_10 = vector.extract_strided_slice %slice3A {offsets = [0, 0], sizes = [800, 64], strides = [1, 1]} : vector<1600x64xf32> to vector<800x64xf32>
    %slice3A_11 = vector.extract_strided_slice %slice3A {offsets = [800, 0], sizes = [800, 64], strides = [1, 1]} : vector<1600x64xf32> to vector<800x64xf32>
    %concatenate3A = tpu.concatenate %slice3A_10, %slice3A_11 in 1 : vector<800x64xf32>, vector<800x64xf32> -> vector<800x128xf32>
    %swap3A = arith.constant 0 : index
    %swap3A_12 = arith.constant 0 : index
    %swap3A_13 = arith.constant 0 : index
    %swap3A_14 = vector.load %arg8[%swap3A, %swap3A_12, %swap3A_13] : memref<2x800x128xf32, #tpu.memory_space<vmem>>, vector<1x800x128xf32>
    %swap3A_15 = vector.shape_cast %swap3A_14 : vector<1x800x128xf32> to vector<800x128xf32>
    %swap3A_16 = vector.shape_cast %concatenate3A : vector<800x128xf32> to vector<1x800x128xf32>
    tpu.vector_store %arg8[%swap3A, %swap3A_12, %swap3A_13], %swap3A_16 {strides = array<i32>} : memref<2x800x128xf32, #tpu.memory_space<vmem>>, vector<1x800x128xf32>,
    %slice3A_17 = vector.extract_strided_slice %add3A_9 {offsets = [0, 64], sizes = [1600, 64], strides = [1, 1]} : vector<1600x128xf32> to vector<1600x64xf32>
    %slice3A_18 = vector.extract_strided_slice %slice3A_17 {offsets = [0, 0], sizes = [800, 64], strides = [1, 1]} : vector<1600x64xf32> to vector<800x64xf32>
    %slice3A_19 = vector.extract_strided_slice %slice3A_17 {offsets = [800, 0], sizes = [800, 64], strides = [1, 1]} : vector<1600x64xf32> to vector<800x64xf32>
    %concatenate3A_20 = tpu.concatenate %slice3A_18, %slice3A_19 in 1 : vector<800x64xf32>, vector<800x64xf32> -> vector<800x128xf32>
    %swap3A_21 = arith.constant 1 : index
    %swap3A_22 = arith.constant 0 : index
    %swap3A_23 = arith.constant 0 : index
    %swap3A_24 = vector.load %arg8[%swap3A_21, %swap3A_22, %swap3A_23] : memref<2x800x128xf32, #tpu.memory_space<vmem>>, vector<1x800x128xf32>
    %swap3A_25 = vector.shape_cast %swap3A_24 : vector<1x800x128xf32> to vector<800x128xf32>
    %swap3A_26 = vector.shape_cast %concatenate3A_20 : vector<800x128xf32> to vector<1x800x128xf32>
    tpu.vector_store %arg8[%swap3A_21, %swap3A_22, %swap3A_23], %swap3A_26 {strides = array<i32>} : memref<2x800x128xf32, #tpu.memory_space<vmem>>, vector<1x800x128xf32>,
    %get3A_27 = arith.constant 0 : index
    %get3A_28 = arith.constant 0 : index
    %get3A_29 = vector.load %arg4[%get3A_27, %get3A_28] : memref<16x32xf32, #tpu.memory_space<vmem>>, vector<16x32xf32>
    %dot_general3A_30 = arith.constant dense<0.000000e+00> : vector<1600x32xf32>
    %dot_general3A_31 = tpu.matmul %get3A_1, %get3A_29, %dot_general3A_30 {dimension_numbers = #tpu.dot_dimension_numbers<[1], [0], [0], [1], [0, 0, 1, 1], [], []>, transpose_lhs_hint = false} : vector<1600x16xf32>, vector<16x32xf32>, vector<1600x32xf32> -> vector<1600x32xf32>
    %get3A_32 = arith.constant 0 : index
    %get3A_33 = arith.constant 0 : index
    %get3A_34 = vector.load %arg5[%get3A_32, %get3A_33] : memref<1x32xf32, #tpu.memory_space<vmem>>, vector<1x32xf32>
    %add3A_35 = vector.broadcast %get3A_34 : vector<1x32xf32> to vector<1600x32xf32>
    %add3A_36 = arith.addf %dot_general3A_31, %add3A_35 : vector<1600x32xf32>
    %slice3A_37 = vector.extract_strided_slice %add3A_36 {offsets = [0, 0], sizes = [400, 32], strides = [1, 1]} : vector<1600x32xf32> to vector<400x32xf32>
    %slice3A_38 = vector.extract_strided_slice %add3A_36 {offsets = [400, 0], sizes = [400, 32], strides = [1, 1]} : vector<1600x32xf32> to vector<400x32xf32>
    %slice3A_39 = vector.extract_strided_slice %add3A_36 {offsets = [800, 0], sizes = [400, 32], strides = [1, 1]} : vector<1600x32xf32> to vector<400x32xf32>
    %slice3A_40 = vector.extract_strided_slice %add3A_36 {offsets = [1200, 0], sizes = [400, 32], strides = [1, 1]} : vector<1600x32xf32> to vector<400x32xf32>
    %concatenate3A_41 = tpu.concatenate %slice3A_37, %slice3A_38, %slice3A_39, %slice3A_40 in 1 : vector<400x32xf32>, vector<400x32xf32>, vector<400x32xf32>, vector<400x32xf32> -> vector<400x128xf32>
    %swap3A_42 = arith.constant 0 : index
    %swap3A_43 = arith.constant 0 : index
    %swap3A_44 = vector.load %arg9[%swap3A_42, %swap3A_43] : memref<400x128xf32, #tpu.memory_space<vmem>>, vector<400x128xf32>
    tpu.vector_store %arg9[%swap3A_42, %swap3A_43], %concatenate3A_41 {strides = array<i32>} : memref<400x128xf32, #tpu.memory_space<vmem>>, vector<400x128xf32>,
    %get3A_45 = arith.constant 0 : index
    %get3A_46 = arith.constant 0 : index
    %get3A_47 = vector.load %arg6[%get3A_45, %get3A_46] : memref<16x32xf32, #tpu.memory_space<vmem>>, vector<16x32xf32>
    %dot_general3A_48 = arith.constant dense<0.000000e+00> : vector<1600x32xf32>
    %dot_general3A_49 = tpu.matmul %get3A_1, %get3A_47, %dot_general3A_48 {dimension_numbers = #tpu.dot_dimension_numbers<[1], [0], [0], [1], [0, 0, 1, 1], [], []>, transpose_lhs_hint = false} : vector<1600x16xf32>, vector<16x32xf32>, vector<1600x32xf32> -> vector<1600x32xf32>
    %get3A_50 = arith.constant 0 : index
    %get3A_51 = arith.constant 0 : index
    %get3A_52 = vector.load %arg7[%get3A_50, %get3A_51] : memref<1x32xf32, #tpu.memory_space<vmem>>, vector<1x32xf32>
    %add3A_53 = vector.broadcast %get3A_52 : vector<1x32xf32> to vector<1600x32xf32>
    %add3A_54 = arith.addf %dot_general3A_49, %add3A_53 : vector<1600x32xf32>
    %slice3A_55 = vector.extract_strided_slice %add3A_54 {offsets = [0, 0], sizes = [400, 32], strides = [1, 1]} : vector<1600x32xf32> to vector<400x32xf32>
    %slice3A_56 = vector.extract_strided_slice %add3A_54 {offsets = [400, 0], sizes = [400, 32], strides = [1, 1]} : vector<1600x32xf32> to vector<400x32xf32>
    %slice3A_57 = vector.extract_strided_slice %add3A_54 {offsets = [800, 0], sizes = [400, 32], strides = [1, 1]} : vector<1600x32xf32> to vector<400x32xf32>
    %slice3A_58 = vector.extract_strided_slice %add3A_54 {offsets = [1200, 0], sizes = [400, 32], strides = [1, 1]} : vector<1600x32xf32> to vector<400x32xf32>
    %concatenate3A_59 = tpu.concatenate %slice3A_55, %slice3A_56, %slice3A_57, %slice3A_58 in 1 : vector<400x32xf32>, vector<400x32xf32>, vector<400x32xf32>, vector<400x32xf32> -> vector<400x128xf32>
    %swap3A_60 = arith.constant 0 : index
    %swap3A_61 = arith.constant 0 : index
    %swap3A_62 = vector.load %arg10[%swap3A_60, %swap3A_61] : memref<400x128xf32, #tpu.memory_space<vmem>>, vector<400x128xf32>
    tpu.vector_store %arg10[%swap3A_60, %swap3A_61], %concatenate3A_59 {strides = array<i32>} : memref<400x128xf32, #tpu.memory_space<vmem>>, vector<400x128xf32>,
    return
  }
  func.func @transform_0(%arg0: i32) -> (i32, i32) {
    %c0_i32 = arith.constant 0 : i32
    %c0_i32_0 = arith.constant 0 : i32
    return %arg0, %c0_i32 : i32, i32
  }
  func.func @transform_1(%arg0: i32) -> (i32, i32) {
    %c0_i32 = arith.constant 0 : i32
    %c0_i32_0 = arith.constant 0 : i32
    %c0_i32_1 = arith.constant 0 : i32
    return %c0_i32, %c0_i32_0 : i32, i32
  }
  func.func @transform_2(%arg0: i32) -> (i32, i32) {
    %c0_i32 = arith.constant 0 : i32
    %c0_i32_0 = arith.constant 0 : i32
    %c0_i32_1 = arith.constant 0 : i32
    return %c0_i32, %c0_i32_0 : i32, i32
  }
  func.func @transform_3(%arg0: i32) -> (i32, i32) {
    %c0_i32 = arith.constant 0 : i32
    %c0_i32_0 = arith.constant 0 : i32
    %c0_i32_1 = arith.constant 0 : i32
    return %c0_i32, %c0_i32_0 : i32, i32
  }
  func.func @transform_4(%arg0: i32) -> (i32, i32) {
    %c0_i32 = arith.constant 0 : i32
    %c0_i32_0 = arith.constant 0 : i32
    %c0_i32_1 = arith.constant 0 : i32
    return %c0_i32, %c0_i32_0 : i32, i32
  }
  func.func @transform_5(%arg0: i32) -> (i32, i32) {
    %c0_i32 = arith.constant 0 : i32
    %c0_i32_0 = arith.constant 0 : i32
    %c0_i32_1 = arith.constant 0 : i32
    return %c0_i32, %c0_i32_0 : i32, i32
  }
  func.func @transform_6(%arg0: i32) -> (i32, i32) {
    %c0_i32 = arith.constant 0 : i32
    %c0_i32_0 = arith.constant 0 : i32
    %c0_i32_1 = arith.constant 0 : i32
    return %c0_i32, %c0_i32_0 : i32, i32
  }
  func.func @transform_7(%arg0: i32) -> (i32, i32, i32) {
    %c0_i32 = arith.constant 0 : i32
    %c0_i32_0 = arith.constant 0 : i32
    %c0_i32_1 = arith.constant 0 : i32
    return %c0_i32, %arg0, %c0_i32_0 : i32, i32, i32
  }
  func.func @transform_8(%arg0: i32) -> (i32, i32) {
    %c0_i32 = arith.constant 0 : i32
    %c0_i32_0 = arith.constant 0 : i32
    return %arg0, %c0_i32 : i32, i32
  }
  func.func @transform_9(%arg0: i32) -> (i32, i32) {
    %c0_i32 = arith.constant 0 : i32
    %c0_i32_0 = arith.constant 0 : i32
    return %arg0, %c0_i32 : i32, i32
  }
}

module attributes {stable_mosaic.version = 14 : i64} {
  func.func @body(%arg0: memref<10000x128xf32, #tpu.memory_space<vmem>>, %arg1: memref<2x10240x64xf32, #tpu.memory_space<vmem>>, %arg2: memref<128x32xf32, #tpu.memory_space<vmem>>, %arg3: memref<1x32xf32, #tpu.memory_space<vmem>>, %arg4: memref<32x32xf32, #tpu.memory_space<vmem>>, %arg5: memref<1x32xf32, #tpu.memory_space<vmem>>, %arg6: memref<1x32xf32, #tpu.memory_space<vmem>>, %arg7: memref<1x32xf32, #tpu.memory_space<vmem>>, %arg8: memref<10000x32xf32, #tpu.memory_space<vmem>>) attributes {dimension_semantics = [], scalar_prefetch = 0 : i64, scratch_operands = 0 : i64, tpu.core_type = #tpu.core_type<tc>} {
    %get3A = arith.constant 0 : index
    %get3A_0 = arith.constant 0 : index
    %get3A_1 = arith.constant 0 : index
    %get3A_2 = vector.load %arg1[%get3A, %get3A_0, %get3A_1] : memref<2x10240x64xf32, #tpu.memory_space<vmem>>, vector<1x10000x64xf32>
    %get3A_3 = vector.shape_cast %get3A_2 : vector<1x10000x64xf32> to vector<10000x64xf32>
    %get3A_4 = arith.constant 1 : index
    %get3A_5 = arith.constant 0 : index
    %get3A_6 = arith.constant 0 : index
    %get3A_7 = vector.load %arg1[%get3A_4, %get3A_5, %get3A_6] : memref<2x10240x64xf32, #tpu.memory_space<vmem>>, vector<1x10000x64xf32>
    %get3A_8 = vector.shape_cast %get3A_7 : vector<1x10000x64xf32> to vector<10000x64xf32>
    %concatenate3A = tpu.concatenate %get3A_3, %get3A_8 in 1 : vector<10000x64xf32>, vector<10000x64xf32> -> vector<10000x128xf32>
    %get3A_9 = arith.constant 0 : index
    %get3A_10 = arith.constant 0 : index
    %get3A_11 = vector.load %arg0[%get3A_9, %get3A_10] : memref<10000x128xf32, #tpu.memory_space<vmem>>, vector<10000x128xf32>
    %add3A = arith.addf %get3A_11, %concatenate3A : vector<10000x128xf32>
    %get3A_12 = arith.constant 0 : index
    %get3A_13 = arith.constant 0 : index
    %get3A_14 = vector.load %arg2[%get3A_12, %get3A_13] : memref<128x32xf32, #tpu.memory_space<vmem>>, vector<128x32xf32>
    %dot_general3A = arith.constant dense<0.000000e+00> : vector<10000x32xf32>
    %dot_general3A_15 = tpu.matmul %add3A, %get3A_14, %dot_general3A {dimension_numbers = #tpu.dot_dimension_numbers<[1], [0], [0], [1], [0, 0, 1, 1], [], []>, precision = #tpu.contract_precision<fp32>, transpose_lhs_hint = false} : vector<10000x128xf32>, vector<128x32xf32>, vector<10000x32xf32> -> vector<10000x32xf32>
    %get3A_16 = arith.constant 0 : index
    %get3A_17 = arith.constant 0 : index
    %get3A_18 = vector.load %arg3[%get3A_16, %get3A_17] : memref<1x32xf32, #tpu.memory_space<vmem>>, vector<1x32xf32>
    %add3A_19 = vector.broadcast %get3A_18 : vector<1x32xf32> to vector<10000x32xf32>
    %add3A_20 = arith.addf %dot_general3A_15, %add3A_19 : vector<10000x32xf32>
    %max3A = arith.constant 0.000000e+00 : f32
    %max3A_21 = vector.broadcast %max3A : f32 to vector<10000x32xf32>
    %max3A_22 = arith.maximumf %add3A_20, %max3A_21 : vector<10000x32xf32>
    %get3A_23 = arith.constant 0 : index
    %get3A_24 = arith.constant 0 : index
    %get3A_25 = vector.load %arg4[%get3A_23, %get3A_24] : memref<32x32xf32, #tpu.memory_space<vmem>>, vector<32x32xf32>
    %dot_general3A_26 = arith.constant dense<0.000000e+00> : vector<10000x32xf32>
    %dot_general3A_27 = tpu.matmul %max3A_22, %get3A_25, %dot_general3A_26 {dimension_numbers = #tpu.dot_dimension_numbers<[1], [0], [0], [1], [0, 0, 1, 1], [], []>, precision = #tpu.contract_precision<fp32>, transpose_lhs_hint = false} : vector<10000x32xf32>, vector<32x32xf32>, vector<10000x32xf32> -> vector<10000x32xf32>
    %get3A_28 = arith.constant 0 : index
    %get3A_29 = arith.constant 0 : index
    %get3A_30 = vector.load %arg5[%get3A_28, %get3A_29] : memref<1x32xf32, #tpu.memory_space<vmem>>, vector<1x32xf32>
    %add3A_31 = vector.broadcast %get3A_30 : vector<1x32xf32> to vector<10000x32xf32>
    %add3A_32 = arith.addf %dot_general3A_27, %add3A_31 : vector<10000x32xf32>
    %reduce_sum3A = arith.constant dense<0.000000e+00> : vector<32xf32>
    %reduce_sum3A_33 = vector.multi_reduction <add>, %add3A_32, %reduce_sum3A [0] : vector<10000x32xf32> to vector<32xf32>
    %broadcast_in_dim3A = vector.shape_cast %reduce_sum3A_33 : vector<32xf32> to vector<1x32xf32>
    %div3A = arith.constant 1.000000e+04 : f32
    %div3A_34 = vector.broadcast %div3A : f32 to vector<1x32xf32>
    %div3A_35 = arith.divf %broadcast_in_dim3A, %div3A_34 : vector<1x32xf32>
    %sub3A = vector.broadcast %div3A_35 : vector<1x32xf32> to vector<10000x32xf32>
    %sub3A_36 = arith.subf %add3A_32, %sub3A : vector<10000x32xf32>
    %integer_pow3A = arith.mulf %sub3A_36, %sub3A_36 : vector<10000x32xf32>
    %reduce_sum3A_37 = arith.constant dense<0.000000e+00> : vector<32xf32>
    %reduce_sum3A_38 = vector.multi_reduction <add>, %integer_pow3A, %reduce_sum3A_37 [0] : vector<10000x32xf32> to vector<32xf32>
    %broadcast_in_dim3A_39 = vector.shape_cast %reduce_sum3A_38 : vector<32xf32> to vector<1x32xf32>
    %div3A_40 = arith.constant 1.000000e+04 : f32
    %div3A_41 = vector.broadcast %div3A_40 : f32 to vector<1x32xf32>
    %div3A_42 = arith.divf %broadcast_in_dim3A_39, %div3A_41 : vector<1x32xf32>
    %sub3A_43 = vector.broadcast %div3A_35 : vector<1x32xf32> to vector<10000x32xf32>
    %sub3A_44 = arith.subf %add3A_32, %sub3A_43 : vector<10000x32xf32>
    %add3A_45 = arith.constant 9.99999974E-6 : f32
    %add3A_46 = vector.broadcast %add3A_45 : f32 to vector<1x32xf32>
    %add3A_47 = arith.addf %div3A_42, %add3A_46 : vector<1x32xf32>
    %sqrt3A = math.sqrt %add3A_47 : vector<1x32xf32>
    %div3A_48 = vector.broadcast %sqrt3A : vector<1x32xf32> to vector<10000x32xf32>
    %div3A_49 = arith.divf %sub3A_44, %div3A_48 : vector<10000x32xf32>
    %get3A_50 = arith.constant 0 : index
    %get3A_51 = arith.constant 0 : index
    %get3A_52 = vector.load %arg6[%get3A_50, %get3A_51] : memref<1x32xf32, #tpu.memory_space<vmem>>, vector<1x32xf32>
    %mul3A = vector.broadcast %get3A_52 : vector<1x32xf32> to vector<10000x32xf32>
    %mul3A_53 = arith.mulf %div3A_49, %mul3A : vector<10000x32xf32>
    %get3A_54 = arith.constant 0 : index
    %get3A_55 = arith.constant 0 : index
    %get3A_56 = vector.load %arg7[%get3A_54, %get3A_55] : memref<1x32xf32, #tpu.memory_space<vmem>>, vector<1x32xf32>
    %add3A_57 = vector.broadcast %get3A_56 : vector<1x32xf32> to vector<10000x32xf32>
    %add3A_58 = arith.addf %mul3A_53, %add3A_57 : vector<10000x32xf32>
    %max3A_59 = arith.constant 0.000000e+00 : f32
    %max3A_60 = vector.broadcast %max3A_59 : f32 to vector<10000x32xf32>
    %max3A_61 = arith.maximumf %add3A_58, %max3A_60 : vector<10000x32xf32>
    %swap3A = arith.constant 0 : index
    %swap3A_62 = arith.constant 0 : index
    %swap3A_63 = vector.load %arg8[%swap3A, %swap3A_62] : memref<10000x32xf32, #tpu.memory_space<vmem>>, vector<10000x32xf32>
    tpu.vector_store %arg8[%swap3A, %swap3A_62], %max3A_61 {strides = array<i32>} : memref<10000x32xf32, #tpu.memory_space<vmem>>, vector<10000x32xf32>,
    return
  }
}

module attributes {stable_mosaic.version = 14 : i64} {
  func.func @body(%arg0: memref<10000x32xf32, #tpu.memory_space<vmem>>, %arg1: memref<2x10240x32xf32, #tpu.memory_space<vmem>>, %arg2: memref<32x32xf32, #tpu.memory_space<vmem>>, %arg3: memref<1x32xf32, #tpu.memory_space<vmem>>, %arg4: memref<32x32xf32, #tpu.memory_space<vmem>>, %arg5: memref<1x32xf32, #tpu.memory_space<vmem>>, %arg6: memref<1x32xf32, #tpu.memory_space<vmem>>, %arg7: memref<1x32xf32, #tpu.memory_space<vmem>>, %arg8: memref<10000x32xf32, #tpu.memory_space<vmem>>) attributes {dimension_semantics = [], scalar_prefetch = 0 : i64, scratch_operands = 0 : i64, tpu.core_type = #tpu.core_type<tc>} {
    %get3A = arith.constant 0 : index
    %get3A_0 = arith.constant 0 : index
    %get3A_1 = arith.constant 0 : index
    %get3A_2 = vector.load %arg1[%get3A, %get3A_0, %get3A_1] : memref<2x10240x32xf32, #tpu.memory_space<vmem>>, vector<1x10000x32xf32>
    %get3A_3 = vector.shape_cast %get3A_2 : vector<1x10000x32xf32> to vector<10000x32xf32>
    %get3A_4 = arith.constant 1 : index
    %get3A_5 = arith.constant 0 : index
    %get3A_6 = arith.constant 0 : index
    %get3A_7 = vector.load %arg1[%get3A_4, %get3A_5, %get3A_6] : memref<2x10240x32xf32, #tpu.memory_space<vmem>>, vector<1x10000x32xf32>
    %get3A_8 = vector.shape_cast %get3A_7 : vector<1x10000x32xf32> to vector<10000x32xf32>
    %add3A = arith.addf %get3A_3, %get3A_8 : vector<10000x32xf32>
    %get3A_9 = arith.constant 0 : index
    %get3A_10 = arith.constant 0 : index
    %get3A_11 = vector.load %arg0[%get3A_9, %get3A_10] : memref<10000x32xf32, #tpu.memory_space<vmem>>, vector<10000x32xf32>
    %add3A_12 = arith.addf %get3A_11, %add3A : vector<10000x32xf32>
    %get3A_13 = arith.constant 0 : index
    %get3A_14 = arith.constant 0 : index
    %get3A_15 = vector.load %arg2[%get3A_13, %get3A_14] : memref<32x32xf32, #tpu.memory_space<vmem>>, vector<32x32xf32>
    %dot_general3A = arith.constant dense<0.000000e+00> : vector<10000x32xf32>
    %dot_general3A_16 = tpu.matmul %add3A_12, %get3A_15, %dot_general3A {dimension_numbers = #tpu.dot_dimension_numbers<[1], [0], [0], [1], [0, 0, 1, 1], [], []>, precision = #tpu.contract_precision<fp32>, transpose_lhs_hint = false} : vector<10000x32xf32>, vector<32x32xf32>, vector<10000x32xf32> -> vector<10000x32xf32>
    %get3A_17 = arith.constant 0 : index
    %get3A_18 = arith.constant 0 : index
    %get3A_19 = vector.load %arg3[%get3A_17, %get3A_18] : memref<1x32xf32, #tpu.memory_space<vmem>>, vector<1x32xf32>
    %add3A_20 = vector.broadcast %get3A_19 : vector<1x32xf32> to vector<10000x32xf32>
    %add3A_21 = arith.addf %dot_general3A_16, %add3A_20 : vector<10000x32xf32>
    %max3A = arith.constant 0.000000e+00 : f32
    %max3A_22 = vector.broadcast %max3A : f32 to vector<10000x32xf32>
    %max3A_23 = arith.maximumf %add3A_21, %max3A_22 : vector<10000x32xf32>
    %get3A_24 = arith.constant 0 : index
    %get3A_25 = arith.constant 0 : index
    %get3A_26 = vector.load %arg4[%get3A_24, %get3A_25] : memref<32x32xf32, #tpu.memory_space<vmem>>, vector<32x32xf32>
    %dot_general3A_27 = arith.constant dense<0.000000e+00> : vector<10000x32xf32>
    %dot_general3A_28 = tpu.matmul %max3A_23, %get3A_26, %dot_general3A_27 {dimension_numbers = #tpu.dot_dimension_numbers<[1], [0], [0], [1], [0, 0, 1, 1], [], []>, precision = #tpu.contract_precision<fp32>, transpose_lhs_hint = false} : vector<10000x32xf32>, vector<32x32xf32>, vector<10000x32xf32> -> vector<10000x32xf32>
    %get3A_29 = arith.constant 0 : index
    %get3A_30 = arith.constant 0 : index
    %get3A_31 = vector.load %arg5[%get3A_29, %get3A_30] : memref<1x32xf32, #tpu.memory_space<vmem>>, vector<1x32xf32>
    %add3A_32 = vector.broadcast %get3A_31 : vector<1x32xf32> to vector<10000x32xf32>
    %add3A_33 = arith.addf %dot_general3A_28, %add3A_32 : vector<10000x32xf32>
    %reduce_sum3A = arith.constant dense<0.000000e+00> : vector<32xf32>
    %reduce_sum3A_34 = vector.multi_reduction <add>, %add3A_33, %reduce_sum3A [0] : vector<10000x32xf32> to vector<32xf32>
    %broadcast_in_dim3A = vector.shape_cast %reduce_sum3A_34 : vector<32xf32> to vector<1x32xf32>
    %div3A = arith.constant 1.000000e+04 : f32
    %div3A_35 = vector.broadcast %div3A : f32 to vector<1x32xf32>
    %div3A_36 = arith.divf %broadcast_in_dim3A, %div3A_35 : vector<1x32xf32>
    %sub3A = vector.broadcast %div3A_36 : vector<1x32xf32> to vector<10000x32xf32>
    %sub3A_37 = arith.subf %add3A_33, %sub3A : vector<10000x32xf32>
    %integer_pow3A = arith.mulf %sub3A_37, %sub3A_37 : vector<10000x32xf32>
    %reduce_sum3A_38 = arith.constant dense<0.000000e+00> : vector<32xf32>
    %reduce_sum3A_39 = vector.multi_reduction <add>, %integer_pow3A, %reduce_sum3A_38 [0] : vector<10000x32xf32> to vector<32xf32>
    %broadcast_in_dim3A_40 = vector.shape_cast %reduce_sum3A_39 : vector<32xf32> to vector<1x32xf32>
    %div3A_41 = arith.constant 1.000000e+04 : f32
    %div3A_42 = vector.broadcast %div3A_41 : f32 to vector<1x32xf32>
    %div3A_43 = arith.divf %broadcast_in_dim3A_40, %div3A_42 : vector<1x32xf32>
    %sub3A_44 = vector.broadcast %div3A_36 : vector<1x32xf32> to vector<10000x32xf32>
    %sub3A_45 = arith.subf %add3A_33, %sub3A_44 : vector<10000x32xf32>
    %add3A_46 = arith.constant 9.99999974E-6 : f32
    %add3A_47 = vector.broadcast %add3A_46 : f32 to vector<1x32xf32>
    %add3A_48 = arith.addf %div3A_43, %add3A_47 : vector<1x32xf32>
    %sqrt3A = math.sqrt %add3A_48 : vector<1x32xf32>
    %div3A_49 = vector.broadcast %sqrt3A : vector<1x32xf32> to vector<10000x32xf32>
    %div3A_50 = arith.divf %sub3A_45, %div3A_49 : vector<10000x32xf32>
    %get3A_51 = arith.constant 0 : index
    %get3A_52 = arith.constant 0 : index
    %get3A_53 = vector.load %arg6[%get3A_51, %get3A_52] : memref<1x32xf32, #tpu.memory_space<vmem>>, vector<1x32xf32>
    %mul3A = vector.broadcast %get3A_53 : vector<1x32xf32> to vector<10000x32xf32>
    %mul3A_54 = arith.mulf %div3A_50, %mul3A : vector<10000x32xf32>
    %get3A_55 = arith.constant 0 : index
    %get3A_56 = arith.constant 0 : index
    %get3A_57 = vector.load %arg7[%get3A_55, %get3A_56] : memref<1x32xf32, #tpu.memory_space<vmem>>, vector<1x32xf32>
    %add3A_58 = vector.broadcast %get3A_57 : vector<1x32xf32> to vector<10000x32xf32>
    %add3A_59 = arith.addf %mul3A_54, %add3A_58 : vector<10000x32xf32>
    %max3A_60 = arith.constant 0.000000e+00 : f32
    %max3A_61 = vector.broadcast %max3A_60 : f32 to vector<10000x32xf32>
    %max3A_62 = arith.maximumf %add3A_59, %max3A_61 : vector<10000x32xf32>
    %swap3A = arith.constant 0 : index
    %swap3A_63 = arith.constant 0 : index
    %swap3A_64 = vector.load %arg8[%swap3A, %swap3A_63] : memref<10000x32xf32, #tpu.memory_space<vmem>>, vector<10000x32xf32>
    tpu.vector_store %arg8[%swap3A, %swap3A_63], %max3A_62 {strides = array<i32>} : memref<10000x32xf32, #tpu.memory_space<vmem>>, vector<10000x32xf32>,
    return
  }
}

module attributes {stable_mosaic.version = 14 : i64} {
  func.func @body(%arg0: memref<10000x32xf32, #tpu.memory_space<vmem>>, %arg1: memref<2x10240x32xf32, #tpu.memory_space<vmem>>, %arg2: memref<32x32xf32, #tpu.memory_space<vmem>>, %arg3: memref<1x32xf32, #tpu.memory_space<vmem>>, %arg4: memref<32x32xf32, #tpu.memory_space<vmem>>, %arg5: memref<1x32xf32, #tpu.memory_space<vmem>>, %arg6: memref<1x32xf32, #tpu.memory_space<vmem>>, %arg7: memref<1x32xf32, #tpu.memory_space<vmem>>, %arg8: memref<10000x32xf32, #tpu.memory_space<vmem>>, %arg9: memref<10000x32xf32, #tpu.memory_space<vmem>>, %arg10: memref<1x10000xi32, #tpu.memory_space<vmem>>, %arg11: memref<64x96xf32, #tpu.memory_space<vmem>>) attributes {dimension_semantics = [], scalar_prefetch = 0 : i64, scratch_operands = 0 : i64, tpu.core_type = #tpu.core_type<tc>} {
    %get3A = arith.constant 0 : index
    %get3A_0 = arith.constant 0 : index
    %get3A_1 = vector.load %arg0[%get3A, %get3A_0] : memref<10000x32xf32, #tpu.memory_space<vmem>>, vector<10000x32xf32>
    %get3A_2 = arith.constant 0 : index
    %get3A_3 = arith.constant 0 : index
    %get3A_4 = arith.constant 0 : index
    %get3A_5 = vector.load %arg1[%get3A_2, %get3A_3, %get3A_4] : memref<2x10240x32xf32, #tpu.memory_space<vmem>>, vector<1x10000x32xf32>
    %get3A_6 = vector.shape_cast %get3A_5 : vector<1x10000x32xf32> to vector<10000x32xf32>
    %add3A = arith.addf %get3A_1, %get3A_6 : vector<10000x32xf32>
    %get3A_7 = arith.constant 1 : index
    %get3A_8 = arith.constant 0 : index
    %get3A_9 = arith.constant 0 : index
    %get3A_10 = vector.load %arg1[%get3A_7, %get3A_8, %get3A_9] : memref<2x10240x32xf32, #tpu.memory_space<vmem>>, vector<1x10000x32xf32>
    %get3A_11 = vector.shape_cast %get3A_10 : vector<1x10000x32xf32> to vector<10000x32xf32>
    %add3A_12 = arith.addf %add3A, %get3A_11 : vector<10000x32xf32>
    %get3A_13 = arith.constant 0 : index
    %get3A_14 = arith.constant 0 : index
    %get3A_15 = vector.load %arg2[%get3A_13, %get3A_14] : memref<32x32xf32, #tpu.memory_space<vmem>>, vector<32x32xf32>
    %dot_general3A = arith.constant dense<0.000000e+00> : vector<10000x32xf32>
    %dot_general3A_16 = tpu.matmul %add3A_12, %get3A_15, %dot_general3A {dimension_numbers = #tpu.dot_dimension_numbers<[1], [0], [0], [1], [0, 0, 1, 1], [], []>, precision = #tpu.contract_precision<fp32>, transpose_lhs_hint = false} : vector<10000x32xf32>, vector<32x32xf32>, vector<10000x32xf32> -> vector<10000x32xf32>
    %get3A_17 = arith.constant 0 : index
    %get3A_18 = arith.constant 0 : index
    %get3A_19 = vector.load %arg3[%get3A_17, %get3A_18] : memref<1x32xf32, #tpu.memory_space<vmem>>, vector<1x32xf32>
    %add3A_20 = vector.broadcast %get3A_19 : vector<1x32xf32> to vector<10000x32xf32>
    %add3A_21 = arith.addf %dot_general3A_16, %add3A_20 : vector<10000x32xf32>
    %max3A = arith.constant 0.000000e+00 : f32
    %max3A_22 = vector.broadcast %max3A : f32 to vector<10000x32xf32>
    %max3A_23 = arith.maximumf %add3A_21, %max3A_22 : vector<10000x32xf32>
    %get3A_24 = arith.constant 0 : index
    %get3A_25 = arith.constant 0 : index
    %get3A_26 = vector.load %arg4[%get3A_24, %get3A_25] : memref<32x32xf32, #tpu.memory_space<vmem>>, vector<32x32xf32>
    %dot_general3A_27 = arith.constant dense<0.000000e+00> : vector<10000x32xf32>
    %dot_general3A_28 = tpu.matmul %max3A_23, %get3A_26, %dot_general3A_27 {dimension_numbers = #tpu.dot_dimension_numbers<[1], [0], [0], [1], [0, 0, 1, 1], [], []>, precision = #tpu.contract_precision<fp32>, transpose_lhs_hint = false} : vector<10000x32xf32>, vector<32x32xf32>, vector<10000x32xf32> -> vector<10000x32xf32>
    %get3A_29 = arith.constant 0 : index
    %get3A_30 = arith.constant 0 : index
    %get3A_31 = vector.load %arg5[%get3A_29, %get3A_30] : memref<1x32xf32, #tpu.memory_space<vmem>>, vector<1x32xf32>
    %add3A_32 = vector.broadcast %get3A_31 : vector<1x32xf32> to vector<10000x32xf32>
    %add3A_33 = arith.addf %dot_general3A_28, %add3A_32 : vector<10000x32xf32>
    %reduce_sum3A = arith.constant dense<0.000000e+00> : vector<32xf32>
    %reduce_sum3A_34 = vector.multi_reduction <add>, %add3A_33, %reduce_sum3A [0] : vector<10000x32xf32> to vector<32xf32>
    %broadcast_in_dim3A = vector.shape_cast %reduce_sum3A_34 : vector<32xf32> to vector<1x32xf32>
    %div3A = arith.constant 1.000000e+04 : f32
    %div3A_35 = vector.broadcast %div3A : f32 to vector<1x32xf32>
    %div3A_36 = arith.divf %broadcast_in_dim3A, %div3A_35 : vector<1x32xf32>
    %sub3A = vector.broadcast %div3A_36 : vector<1x32xf32> to vector<10000x32xf32>
    %sub3A_37 = arith.subf %add3A_33, %sub3A : vector<10000x32xf32>
    %integer_pow3A = arith.mulf %sub3A_37, %sub3A_37 : vector<10000x32xf32>
    %reduce_sum3A_38 = arith.constant dense<0.000000e+00> : vector<32xf32>
    %reduce_sum3A_39 = vector.multi_reduction <add>, %integer_pow3A, %reduce_sum3A_38 [0] : vector<10000x32xf32> to vector<32xf32>
    %broadcast_in_dim3A_40 = vector.shape_cast %reduce_sum3A_39 : vector<32xf32> to vector<1x32xf32>
    %div3A_41 = arith.constant 1.000000e+04 : f32
    %div3A_42 = vector.broadcast %div3A_41 : f32 to vector<1x32xf32>
    %div3A_43 = arith.divf %broadcast_in_dim3A_40, %div3A_42 : vector<1x32xf32>
    %sub3A_44 = vector.broadcast %div3A_36 : vector<1x32xf32> to vector<10000x32xf32>
    %sub3A_45 = arith.subf %add3A_33, %sub3A_44 : vector<10000x32xf32>
    %add3A_46 = arith.constant 9.99999974E-6 : f32
    %add3A_47 = vector.broadcast %add3A_46 : f32 to vector<1x32xf32>
    %add3A_48 = arith.addf %div3A_43, %add3A_47 : vector<1x32xf32>
    %sqrt3A = math.sqrt %add3A_48 : vector<1x32xf32>
    %div3A_49 = vector.broadcast %sqrt3A : vector<1x32xf32> to vector<10000x32xf32>
    %div3A_50 = arith.divf %sub3A_45, %div3A_49 : vector<10000x32xf32>
    %get3A_51 = arith.constant 0 : index
    %get3A_52 = arith.constant 0 : index
    %get3A_53 = vector.load %arg6[%get3A_51, %get3A_52] : memref<1x32xf32, #tpu.memory_space<vmem>>, vector<1x32xf32>
    %mul3A = vector.broadcast %get3A_53 : vector<1x32xf32> to vector<10000x32xf32>
    %mul3A_54 = arith.mulf %div3A_50, %mul3A : vector<10000x32xf32>
    %get3A_55 = arith.constant 0 : index
    %get3A_56 = arith.constant 0 : index
    %get3A_57 = vector.load %arg7[%get3A_55, %get3A_56] : memref<1x32xf32, #tpu.memory_space<vmem>>, vector<1x32xf32>
    %add3A_58 = vector.broadcast %get3A_57 : vector<1x32xf32> to vector<10000x32xf32>
    %add3A_59 = arith.addf %mul3A_54, %add3A_58 : vector<10000x32xf32>
    %max3A_60 = arith.constant 0.000000e+00 : f32
    %max3A_61 = vector.broadcast %max3A_60 : f32 to vector<10000x32xf32>
    %max3A_62 = arith.maximumf %add3A_59, %max3A_61 : vector<10000x32xf32>
    %iota3A = tpu.iota {dimensions = array<i32: 0>} : vector<64x10000xi32>
    %get3A_63 = arith.constant 0 : index
    %get3A_64 = arith.constant 0 : index
    %get3A_65 = vector.load %arg10[%get3A_63, %get3A_64] : memref<1x10000xi32, #tpu.memory_space<vmem>>, vector<1x10000xi32>
    %eq3A = vector.broadcast %get3A_65 : vector<1x10000xi32> to vector<64x10000xi32>
    %eq3A_66 = arith.cmpi eq, %iota3A, %eq3A : vector<64x10000xi32>
    %convert_element_type3A = arith.extui %eq3A_66 : vector<64x10000xi1> to vector<64x10000xi32>
    %convert_element_type3A_67 = arith.sitofp %convert_element_type3A : vector<64x10000xi32> to vector<64x10000xf32>
    %get3A_68 = arith.constant 0 : index
    %get3A_69 = arith.constant 0 : index
    %get3A_70 = vector.load %arg8[%get3A_68, %get3A_69] : memref<10000x32xf32, #tpu.memory_space<vmem>>, vector<10000x32xf32>
    %dot_general3A_71 = arith.constant dense<0.000000e+00> : vector<64x32xf32>
    %dot_general3A_72 = tpu.matmul %convert_element_type3A_67, %get3A_70, %dot_general3A_71 {dimension_numbers = #tpu.dot_dimension_numbers<[1], [0], [0], [1], [0, 0, 1, 1], [], []>, precision = #tpu.contract_precision<fp32>, transpose_lhs_hint = false} : vector<64x10000xf32>, vector<10000x32xf32>, vector<64x32xf32> -> vector<64x32xf32>
    %swap3A = arith.constant 0 : index
    %swap3A_73 = arith.constant 0 : index
    %swap3A_74 = vector.load %arg11[%swap3A, %swap3A_73] : memref<64x96xf32, #tpu.memory_space<vmem>>, vector<64x32xf32>
    tpu.vector_store %arg11[%swap3A, %swap3A_73], %dot_general3A_72 {strides = array<i32>} : memref<64x96xf32, #tpu.memory_space<vmem>>, vector<64x32xf32>,
    %get3A_75 = arith.constant 0 : index
    %get3A_76 = arith.constant 0 : index
    %get3A_77 = vector.load %arg9[%get3A_75, %get3A_76] : memref<10000x32xf32, #tpu.memory_space<vmem>>, vector<10000x32xf32>
    %dot_general3A_78 = arith.constant dense<0.000000e+00> : vector<64x32xf32>
    %dot_general3A_79 = tpu.matmul %convert_element_type3A_67, %get3A_77, %dot_general3A_78 {dimension_numbers = #tpu.dot_dimension_numbers<[1], [0], [0], [1], [0, 0, 1, 1], [], []>, precision = #tpu.contract_precision<fp32>, transpose_lhs_hint = false} : vector<64x10000xf32>, vector<10000x32xf32>, vector<64x32xf32> -> vector<64x32xf32>
    %swap3A_80 = arith.constant 0 : index
    %swap3A_81 = arith.constant 32 : index
    %swap3A_82 = vector.load %arg11[%swap3A_80, %swap3A_81] : memref<64x96xf32, #tpu.memory_space<vmem>>, vector<64x32xf32>
    tpu.vector_store %arg11[%swap3A_80, %swap3A_81], %dot_general3A_79 {strides = array<i32>} : memref<64x96xf32, #tpu.memory_space<vmem>>, vector<64x32xf32>,
    %dot_general3A_83 = arith.constant dense<0.000000e+00> : vector<64x32xf32>
    %dot_general3A_84 = tpu.matmul %convert_element_type3A_67, %max3A_62, %dot_general3A_83 {dimension_numbers = #tpu.dot_dimension_numbers<[1], [0], [0], [1], [0, 0, 1, 1], [], []>, precision = #tpu.contract_precision<fp32>, transpose_lhs_hint = false} : vector<64x10000xf32>, vector<10000x32xf32>, vector<64x32xf32> -> vector<64x32xf32>
    %swap3A_85 = arith.constant 0 : index
    %swap3A_86 = arith.constant 64 : index
    %swap3A_87 = vector.load %arg11[%swap3A_85, %swap3A_86] : memref<64x96xf32, #tpu.memory_space<vmem>>, vector<64x32xf32>
    tpu.vector_store %arg11[%swap3A_85, %swap3A_86], %dot_general3A_84 {strides = array<i32>} : memref<64x96xf32, #tpu.memory_space<vmem>>, vector<64x32xf32>,
    return
  }
}

</mosaic_0001>

<sc_bundles>
// kernel: kernel.12.cloned.1.call-start
scs
__scs_entry_jumppad:
0x0: {  	(pc) =	sbr.rel $0x88, $3  }
0x1: {  	(tag) =	ssettag $0x0;
	lr =	simm.s32 $0x1  }
0x2: {  	[smem:$0x3F85] =	sst lr;
	_ =	strace $0xD0000000  }
0x3: {  	_ = 	snop  }
0x4: {  	_ = 	snop  }
0x5: {  	_ = 	snop  }
0x6: {  	_ = 	snop  }
0x7: {  	_ = 	snop  }
__scs_overlays_trampoline_lowered:
0x8: {  	[smem:$0x3F94] =	sst s0  }
0x9: {  	[smem:$0x3F95] =	sst s1  }
0xa: {  	[smem:$0x3F96] =	sst s2  }
0xb: {  	[smem:$0x3F97] =	sst s3  }
0xc: {  	[smem:$0x3F98] =	sst s4  }
0xd: {  	[smem:$0x3F99] =	sst s5  }
0xe: {  	[smem:$0x3F9A] =	sst s6  }
0xf: {  	[smem:$0x3F9B] =	sst s7  }
0x10: {  	[smem:$0x3F9C] =	sst s8  }
0x11: {  	[smem:$0x3F9D] =	sst s9;
	s0 =	simm.s32 @!p0 $0x0  }
0x12: {  	s1 =	sld [smem:$0x3F83];
	s0 =	simm.s32 @p0 $0x1  }
0x13: {  	[smem:$0x3F9E] =	sst s0;
	s0 =	simm.s32 @!p1 $0x0  }
0x14: {  	s2 =	sld [smem:$0x3F82];
	s0 =	simm.s32 @p1 $0x1  }
0x15: {  	[smem:$0x3F9F] =	sst s0;
	s0 =	simm.s32 @!p2 $0x0  }
0x16: {  	s3 =	sld [smem:$0x3FDB];
	s0 =	simm.s32 @p2 $0x1  }
0x17: {  	s4 =	simm.s32 $0x1BF5;
	[smem:$0x3FA1] =	sst s0  }
0x18: {  	s0 =	sld [smem:$0x3F84];
	_ =	swait.ge [sflag:s4], $0x0  }
0x19: {  	s7 =	sld [smem:$0x3F85]  }
0x1a: {  	s8 =	sadd.s32 $0xFFFFE003, lr  }
0x1b: {  	s9 =	sadd.s32 $0xFFFFFEF7, lr;
	s5 =	simm.s32 $0xFFFFFFFF;
	p2 =	slt.u32 s8, $0xFFFFF086  }
0x1c: {  	p1 =	slt.u32 s9, $0xF7A;
	s5 =	simm.s32 @!p2 $0x0  }
0x1d: {  	s5 =	simm.s32 @p1 $0x1;
	p0 =	seq.s32 s7, s2  }
0x1e: {  	s7 =	smul.u32 @!p0 $0xF7A, s2;
	p2 =	seq.s32 @!p0 s5, $0x0  }
0x1f: {  	s9 =	smul.u32 $0xF7A, s1;
	s8 =	simm.s32 @!p0 $0x1BF5;
	p2 =	por !p2, p0  }
0x20: {  	[sflag:s8] =	ssyncset.s32 @!p0 $0xFFFFF086;
	s6 =	sadd.s32 @!p0 s3, s7;
	s7 =	simm.s32 @!p0 $0x108  }
0x21: {  	s3 =	sadd.s32 s3, s9;
	s6 =	sadd.s32 @!p0 $0x88, s6;
	s7 =	simm.s32 @p2 $0x1082  }
0x22: {  	[simem:s7], [sflag:s8] =	dma.local @!p0 [hbm:s6], $0xF7A  }
0x23: {  	s9 =	sor.u32 $0xD0000000, s2;
	s6 =	simm.s32 $0x108;
	_ =	swait.ge @!p0 [sflag:s8], $0x0  }
0x24: {  	s3 =	sadd.s32 $0x88, s3;
	s6 =	simm.s32 @!p1 $0x1082;
	[sflag:s4] =	ssyncset.s32 $0xFFFFF086  }
0x25: {  	[simem:s6], [sflag:s4] =	dma.local [hbm:s3], $0xF7A  }
0x26: {  	[smem:$0x3F85] =	sst s1;
	(tag) =	ssettag s2;
	_ =	strace s9  }
0x27: {  	s1 =	sld [smem:$0x3F95]  }
0x28: {  	s2 =	sld [smem:$0x3F96]  }
0x29: {  	s4 =	sld [smem:$0x3F98]  }
0x2a: {  	p0 =	seq.s32 s5, $0x0;
	s5 =	sld [smem:$0x3F99]  }
0x2b: {  	s6 =	sld [smem:$0x3F9A]  }
0x2c: {  	s7 =	sld [smem:$0x3F9B]  }
0x2d: {  	s3 =	simm.s32 $0x108;
	s8 =	sld [smem:$0x3F9C]  }
0x2e: {  	s3 =	simm.s32 @!p0 $0x1082;
	s9 =	sld [smem:$0x3F9D]  }
0x2f: {  	lr =	sadd.s32 s0, s3;
	s0 =	sld [smem:$0x3F94]  }
0x30: {  	s3 =	sld [smem:$0x3F97]  }
0x31: {  	[smem:$0x3FA0] =	sst s10  }
0x32: {  	s10 =	sld [smem:$0x3F9E];
	_ =	sdelay $0x3  }
0x33: {  	p0 =	seq.s32 s10, $0x1;
	s10 =	sld [smem:$0x3FA0];
	_ =	sdelay $0x3  }
0x34: {  	[smem:$0x3FA0] =	sst s10  }
0x35: {  	s10 =	sld [smem:$0x3F9F];
	_ =	sdelay $0x3  }
0x36: {  	p1 =	seq.s32 s10, $0x1;
	s10 =	sld [smem:$0x3FA0];
	_ =	sdelay $0x3  }
0x37: {  	[smem:$0x3FA0] =	sst s10  }
0x38: {  	s10 =	sld [smem:$0x3FA1]  }
0x39: {  	_ = 	snop;
	(pc) =	sbr.ind lr, $3  }
0x3a: {  	_ = 	snop  }
0x3b: {  	_ = 	snop  }
0x3c: {  	p2 =	seq.s32 s10, $0x1;
	s10 =	sld [smem:$0x3FA0]  }
0x3d: {  	_ =	shalt  }
0x3e: {  	_ =	shalt  }
0x3f: {  	_ =	shalt  }
0x40: {  	_ =	shalt  }
0x41: {  	_ =	shalt  }
0x42: {  	_ =	shalt  }
0x43: {  	_ =	shalt  }
0x44: {  	_ =	shalt  }
0x45: {  	_ =	shalt  }
0x46: {  	_ =	shalt  }
0x47: {  	_ =	shalt  }
0x48: {  	_ =	shalt  }
0x49: {  	_ =	shalt  }
0x4a: {  	_ =	shalt  }
0x4b: {  	_ =	shalt  }
0x4c: {  	_ =	shalt  }
0x4d: {  	_ =	shalt  }
0x4e: {  	_ =	shalt  }
0x4f: {  	_ =	shalt  }
0x50: {  	_ =	shalt  }
0x51: {  	_ =	shalt  }
0x52: {  	_ =	shalt  }
0x53: {  	_ =	shalt  }
0x54: {  	_ =	shalt  }
0x55: {  	_ =	shalt  }
0x56: {  	_ =	shalt  }
0x57: {  	_ =	shalt  }
0x58: {  	_ =	shalt  }
0x59: {  	_ =	shalt  }
0x5a: {  	_ =	shalt  }
0x5b: {  	_ =	shalt  }
0x5c: {  	_ =	shalt  }
0x5d: {  	_ =	shalt  }
0x5e: {  	_ =	shalt  }
0x5f: {  	_ =	shalt  }
0x60: {  	_ =	shalt  }
0x61: {  	_ =	shalt  }
0x62: {  	_ =	shalt  }
0x63: {  	_ =	shalt  }
0x64: {  	_ =	shalt  }
0x65: {  	_ =	shalt  }
0x66: {  	_ =	shalt  }
0x67: {  	_ =	shalt  }
0x68: {  	_ =	shalt  }
0x69: {  	_ =	shalt  }
0x6a: {  	_ =	shalt  }
0x6b: {  	_ =	shalt  }
0x6c: {  	_ =	shalt  }
0x6d: {  	_ =	shalt  }
0x6e: {  	_ =	shalt  }
0x6f: {  	_ =	shalt  }
0x70: {  	_ =	shalt  }
0x71: {  	_ =	shalt  }
0x72: {  	_ =	shalt  }
0x73: {  	_ =	shalt  }
0x74: {  	_ =	shalt  }
0x75: {  	_ =	shalt  }
0x76: {  	_ =	shalt  }
0x77: {  	_ =	shalt  }
0x78: {  	_ =	shalt  }
0x79: {  	_ =	shalt  }
0x7a: {  	_ =	shalt  }
0x7b: {  	_ =	shalt  }
0x7c: {  	_ =	shalt  }
0x7d: {  	_ =	shalt  }
0x7e: {  	_ =	shalt  }
0x7f: {  	_ =	shalt  }
0x80: {  	_ =	shalt  }
0x81: {  	_ =	shalt  }
0x82: {  	_ =	shalt  }
0x83: {  	_ =	shalt  }
0x84: {  	_ =	shalt  }
0x85: {  	_ =	shalt  }
0x86: {  	_ =	shalt  }
0x87: {  	_ =	shalt  }
.Lfunc_end0:
.L_simem_size_0:
called_computation.1_lowered:
.L_overlay_start_0:
0x88: {  	s2 =	sld [smem:$0x3FD9]  }
0x89: {  	s3 =	sld [smem:$0x3FFE];
	_ =	sdelay $0x1  }
0x8a: {  	s1 =	srdreg.scid  }
0x8b: {  	s0 =	sand.u32 $0x1, s1  }
0x8c: {  	s16 =	sshll.u32 s0, $0xA;
	s2 =	sadd.s32 s3, s2  }
0x8d: {  	s2 =	sadd.s32 s2, s16  }
0x8e: {  	[smem:$0x3FAC] =	sst s2  }
0x8f: {  	_ = 	snop  }
0x90: {  	(tm) =	ssettm $0x1  }
0x91: {  	s17 =	sld [smem:$0x3FFB];
	_ =	sdelay $0x3  }
0x92: {  	_ =	strace s17  }
0x93: {  	s2 =	sld [smem:$0x3FFC];
	_ =	sdelay $0x3  }
0x94: {  	_ =	strace s2  }
0x95: {  	s2 =	sld [smem:$0x3FFD];
	_ =	sdelay $0x3  }
0x96: {  	_ =	strace s2  }
0x97: {  	_ =	strace $0x8FFFFFFF  }
0x98: {  	s18 =	sld [smem:$0x3FDB];
	_ =	sdelay $0x1  }
0x99: {  	s19 =	simm.s32 $_scs_section_size  }
0x9a: {  	s4 =	simm.s32 $_size__tile_overlayer_lowered;
	s5 =	simm.s32 $_tile_overlayer_lowered  }
0x9b: {  	s22 =	simm.s32 $0x1BFF;
	s21 =	sshll.u32 s5, $0x1;
	s2 =	sadd.s32 s19, s18  }
0x9c: {  	s6 =	simm.s32 $0x0;
	s20 =	sshll.u32 s4, $0x1;
	s4 =	sadd.s32 s21, s2  }
0x9d: {  	[timem:s6], [sflag:s22] =	dma.local [hbm:s4], s20  }
0x9e: {  	_ =	swait.ge [sflag:s22], s20  }
0x9f: {  	s3 =	ssub.s32 $0x0, s20;
	[sflag:s22] =	ssyncset.done $0x0  }
0xa0: {  	[sflag:s22] =	ssyncadd.s32 s3;
	_ =	sdelay $0x1  }
0xa1: {  	s23 =	simm.s32 $0x1B8B  }
0xa2: {  	_ =	swait.ge [sflag:s23], $0x1  }
0xa3: {  	[sflag:s23] =	ssyncset.done $0x0  }
0xa4: {  	s25 =	simm.s32 $0x1B8E;
	s24 =	sld [smem:$0x3FFE];
	[sflag:s23] =	ssyncadd.s32 $0xFFFFFFFF  }
0xa5: {  	s26 =	simm.s32 $execute0_lowered;
	[smem:$0x3FD2] =	sst s25  }
0xa6: {  	s4 =	sshll.u32 s26, $0x1;
	_ =	strace $0x80000049;
	[dreg:$0x1] =	wrdreg $0xFFFFFFFF  }
0xa7: {  	s28 =	simm.s32 $_size_execute0_lowered;
	s2 =	sadd.s32 s2, s4;
	[dreg:$0x0] =	wrdreg $0x0  }
0xa8: {  	s4 =	sshll.u32 s28, $0x1;
	[dreg:$0x2] =	wrdreg s2  }
0xa9: {  	[dreg:$0x3] =	wrdreg s4  }
0xaa: {  	[dreg:$0x4] =	wrdreg $0xC0  }
0xab: {  	_ =	task [dreg:s6], $0x5FFFF  }
0xac: {  	[dreg:$0x1] =	wrdreg $0xFFFFFFFF  }
0xad: {  	[dreg:$0x0] =	wrdreg $0x60  }
0xae: {  	[dreg:$0x2] =	wrdreg s24  }
0xaf: {  	[dreg:$0x3] =	wrdreg $0x8A200  }
0xb0: {  	[dreg:$0x4] =	wrdreg $0x9  }
0xb1: {  	_ =	task.clear_ibuf [dreg:s6], $0x5FFFF;
	_ =	strace $0x90000049  }
0xb2: {  	s29 =	simm.s32 $0x9;
	_ =	strace $0x8000004B  }
0xb3: {  	_ =	swait.ge [sflag:s29], $0x1  }
0xb4: {  	[sflag:s29] =	ssyncadd.s32 $0xFFFFFFFF  }
0xb5: {  	_ =	strace $0x9000004B  }
0xb6: {  	_ =	sfence  }
0xb7: {  	s30 =	sld [smem:$0x0];
	_ =	sdelay $0x2  }
0xb8: {  	s31 =	sshll.u32 s1, $0xD;
	s1 =	sshrl.u32 s1, $0x2  }
0xb9: {  	s3 =	sand.u32 $0x4000, s31;
	s1 =	sadd.s32 s1, s30  }
0xba: {  	s0 =	sor.u32 s3, s0;
	s1 =	sshll.u32 s1, $0x11  }
0xbb: {  	s0 =	sor.u32 s1, s0  }
0xbc: {  	s0 =	sadd.s32 $0x8F2B, s0  }
0xbd: {  	[sflag:s0] =	ssyncadd.remote.s32 $0x1  }
0xbe: {  	_ =	sfence.sel $0xFFFF  }
0xbf: {  	[dreg:$0x0] =	wrdreg $0xFFFFFFFF;
	(pc) =	sbr.abs _section_cstart, $3  }
0xc0: {  	[dreg:$0x1] =	wrdreg $0xFFFFFFFF  }
0xc1: {  	_ =	task.clear_ibuf [dreg:s6], $0x2FFFF;
	_ =	strace $0x9FFFFFFF  }
0xc2: {  	(tm) =	ssettm $0x7FFFFFFF  }
0xc3: {  	_ =	shalt  }
tec
execute0_lowered:
.L_overlay_start_1:
0x0: {  	(tag) =	ssettag $0x1  }
0x1: {  	s0 =	srdreg.scid  }
0x2: {  	s18 =	stileid.u32;
	s9 =	rddreg [dreg:$0x0];
	s19 =	simm.s32 $0x0  }
0x3: {  	s28 =	simm.s32 $0x7620;
	s0 =	sand.u32 $0x1, s0;
	s1 =	sshll.u32 s18, $0x1  }
0x4: {  	s29 =	simm.s32 $0x5;
	s8 =	smul.u32 $0x5000, s18;
	s1 =	sor.u32 s0, s1  }
0x5: {  	s30 =	simm.s32 $0x6;
	s31 =	simm.s32 $0x2;
	s1 =	smul.u32 $0x2710, s1  }
0x6: {  	[smem:$0x7FF] =	sst s19;
	s19 =	sshll.u32 s18, $0x6;
	s14 =	smul.u32 $0x50000, s0  }
0x7: {  	s18 =	simm.s32 $0x0;
	s2 =	smulhi.u32 $0x28F5C3, s1;
	s4 =	sadd.s32 $0x50, s1  }
0x8: {  	s0 =	ssub.s32 $0x2, s0;
	s16 =	sshrl.u32 s8, $0x3;
	s7 =	smulhi.u32 $0x28F5C3, s4  }
0x9: {  	s14 =	sadd.s32 s8, s14;
	s16 =	sadd.s32 s16, s9;
	s3 =	smul.u32 $0xFFFFF9C0, s2  }
0xa: {  	s26 =	sshrl.u32 s1, $0x3;
	s14 =	sshrl.u32 s14, $0x3;
	s17 =	smul.u32 $0xFFFFF9C0, s7  }
0xb: {  	s10 =	sadd.s32 s1, s3;
	s3 =	rddreg [dreg:$0x1];
	_ =	strace $0x8000004A  }
0xc: {  	s5 =	smulhi.u32 $0x51EB851F, s10;
	s6 =	sshra.s32 s10, $0x1F;
	s11 =	sadd.s32 s4, s17  }
0xd: {  	s24 =	ssub.s32 $0x0, s10;
	p0 =	slt.s32 s10, $0x1;
	s6 =	smul.u32 $0x51EB851F, s6  }
0xe: {  	s17 =	sadd.s32 s14, s9;
	s14 =	simm.s32 $0x1;
	s12 =	smulhi.u32 $0x51EB851F, s11  }
0xf: {  	s4 =	sshra.s32 s11, $0x1F;
	s25 =	ssub.s32 $0x0, s11;
	p6 =	slt.s32 s11, $0x1  }
0x10: {  	s13 =	smul.u32 $0x51EB851F, s4;
	s4 =	sshrl.u32 s0, $0x1;
	s5 =	sadd.s32 s6, s5  }
0x11: {  	s0 =	ssub.s32 s0, s4;
	s6 =	sshrl.u32 s5, $0x1F;
	s5 =	sshra.s32 s5, $0x7  }
0x12: {  	s12 =	sadd.s32 s13, s12;
	s0 =	smax.u32 s0, $0x1;
	s20 =	sadd.s32 s6, s5  }
0x13: {  	s21 =	sshrl.u32 s12, $0x1F;
	s22 =	sshra.s32 s12, $0x7;
	s5 =	sadd.s32 $0x520E00, s9  }
0x14: {  	s12 =	sadd.s32 s26, s9;
	s26 =	sadd.s32 $0x534C00, s17;
	[dreg:$0xa] =	wrdreg s0  }
0x15: {  	s17 =	simm.s32 $0x7;
	s0 =	simm.s32 $0x8020;
	s23 =	smul.u32 $0xFFFFFE70, s20  }
0x16: {  	s15 =	sadd.s32 s21, s22;
	s21 =	sadd.s32 $0x517000, s12;
	[dreg:$0x9] =	wrdreg s26  }
0x17: {  	s26 =	simm.s32 $0x3;
	s6 =	smul.u32 $0xFFFFFE70, s15;
	[dreg:$0x5] =	wrdreg s21  }
0x18: {  	s21 =	simm.s32 $0x4E20;
	p1 =	sne.s32 s23, s24;
	s24 =	sadd.s32 $0x50D200, s12  }
0x19: {  	p0 =	por !p0, !p1;
	p2 =	sne.s32 s6, s25;
	s6 =	sadd.s32 $0xA02E00, s9  }
0x1a: {  	s9 =	simm.s32 $0x1;
	p1 =	por !p6, !p2;
	p0 =	por !p0, !p0  }
0x1b: {  	s12 =	simm.s32 $0x1;
	s9 =	simm.s32 @!p0 $0x0;
	p0 =	por !p1, !p1  }
0x1c: {  	[dreg:$0x6] =	wrdreg s24;
	s13 =	ssub.s32 s20, s9;
	s14 =	simm.s32 @!p0 $0x0  }
0x1d: {  	s20 =	sadd.s32 $0x52AC00, s16;
	s2 =	ssub.s32 s2, s13;
	s14 =	ssub.s32 s15, s14  }
0x1e: {  	s9 =	sor.u32 $0x1C07, s19;
	s2 =	smul.u32 $0x190, s2;
	s7 =	ssub.s32 s7, s14  }
0x1f: {  	s19 =	simm.s32 $0x20;
	s15 =	sadd.s32 s8, s3;
	s7 =	smul.u32 $0x190, s7  }
0x20: {  	[dreg:$0x4] =	wrdreg s20;
	s22 =	sshll.u32 s13, $0x5;
	s2 =	sadd.s32 s10, s2  }
0x21: {  	s23 =	sshll.u32 s14, $0x5;
	s2 =	sshll.u32 s2, $0x7;
	s7 =	sadd.s32 s11, s7  }
.Ltmp0:
0x22: {  	s7 =	sshll.u32 s7, $0x7;
	s2 =	sadd.s32 s22, s2;
	(pc) =	sbr.rel .LBB2_1-.Ltmp0, $4  }
0x23: {  	s20 =	simm.s32 $0x80;
	s7 =	sadd.s32 s23, s7;
	s2 =	sshrl.u32 s2, $0x3  }
0x24: {  	[dreg:$0x3] =	wrdreg s15;
	s7 =	sshrl.u32 s7, $0x3;
	s2 =	sadd.s32 s6, s2  }
0x25: {  	s22 =	simm.s32 $0x50;
	[dreg:$0x7] =	wrdreg s2;
	s25 =	sadd.s32 s6, s7  }
0x26: {  	s23 =	simm.s32 $0x6220;
	s2 =	simm.s32 $0x4;
	[dreg:$0x8] =	wrdreg s25  }
.LBB2_10:
0x27: {  	_ =	swait.ge [sflag:s29], $0xA00  }
0x28: {  	[sflag:s29] =	ssyncset.done $0x0  }
0x29: {  	[sflag:s29] =	ssyncadd.s32 $0xFFFFF600  }
0x2a: {  	_ =	swait.ge [sflag:s30], $0xA00  }
0x2b: {  	[sflag:s30] =	ssyncset.done $0x0  }
0x2c: {  	[sflag:s30] =	ssyncadd.s32 $0xFFFFF600  }
0x2d: {  	[bflag:$0x0] =	sbarrier.arrive $0xFFFF  }
0x2e: {  	s4 =	rddreg [dreg:$0x9]  }
0x2f: {  	[hbm:s4], [sflag:s9] =	dma.local [spmem:s24], $0xA00  }
0x30: {  	_ =	swait.ge [sflag:s17], $0xA00  }
0x31: {  	s18 =	sadd.s32 $0x1, s18;
	s25 =	rddreg [dreg:$0xa]  }
0x32: {  	p0 =	sne.s32 s18, s25  }
.Ltmp1:
0x33: {  	_ = 	snop;
	(pc) =	sbr.rel @!p0 .LBB2_11-.Ltmp1, $3  }
0x34: {  	_ =	sdelay $0x1  }
0x35: {  	[sflag:s17] =	ssyncset.done $0x0  }
0x36: {  	[sflag:s17] =	ssyncadd.s32 $0xFFFFF600  }
.LBB2_1:
0x37: {  	s4 =	rddreg [dreg:$0x3]  }
0x38: {  	s10 =	rddreg [dreg:$0x4];
	s24 =	sshrl.u32 s4, $0x3  }
0x39: {  	[spmem:s24], [sflag:s9] =	dma.local [hbm:s10], $0xA00  }
0x3a: {  	_ =	swait.ge [sflag:s17], $0xA00  }
0x3b: {  	[sflag:s17] =	ssyncset.done $0x0  }
0x3c: {  	s11 =	simm.s32 $0x0;
	s7 =	rddreg [dreg:$0x5];
	[sflag:s17] =	ssyncadd.s32 $0xFFFFF600  }
0x3d: {  	[tilespmem:s11], [sflag:$0x7] =	stream.linear.gather [hbm4b:s7+s11], $0x2710, $0x38;
	[tilespmem:$0xDA20] =	vst v63  }
0x3e: {  	_ =	swait.ge [sflag:s17], $0x2710  }
0x3f: {  	[sflag:s17] =	ssyncset.done $0x0  }
0x40: {  	s8 =	simm.s32 $0x2710;
	s13 =	rddreg [dreg:$0x6];
	[sflag:s17] =	ssyncadd.s32 $0xFFFFD8F0  }
0x41: {  	[tilespmem:s8], [sflag:$0x7] =	stream.linear.gather [hbm4b:s13+s11], $0x2710, $0x38;
	[tilespmem:$0xDA20] =	vst v63  }
0x42: {  	_ =	swait.ge [sflag:s17], $0x2710  }
0x43: {  	[sflag:s17] =	ssyncset.done $0x0  }
0x44: {  	[sflag:s17] =	ssyncadd.s32 $0xFFFFD8F0  }
0x45: {  	[bflag:$0x0] =	sbarrier.arrive $0xFFFF  }
0x46: {  	s14 =	rddreg [dreg:$0x7]  }
0x47: {  	[tilespmem:s21], [sflag:$0x1] =	stream.strided.gather [hbm4b:s14+s19], $0xA00, s20, s19, $0x38;
	[tilespmem:$0xDA20] =	vst v63  }
0x48: {  	_ = 	snop  }
0x49: {  	[tilespmem:s23], [sflag:$0x3] =	stream.indirect.gather [hbm4b:s5+s22], $0x20, s11, s22, $0xb8;
	[tilespmem:$0xDA20] =	vst v63  }
.Ltmp2:
0x4a: {  	s16 =	simm.s32 $0x5820;
	s15 =	rddreg [dreg:$0x8];
	(pc) =	sbr.rel .LBB2_2-.Ltmp2, $4  }
0x4b: {  	[tilespmem:s16], [sflag:$0x2] =	stream.strided.gather [hbm4b:s15+s19], $0xA00, s20, s19, $0x38;
	[tilespmem:$0xDA20] =	vst v63  }
0x4c: {  	s25 =	simm.s32 $0x6C20  }
0x4d: {  	[tilespmem:s25], [sflag:$0x4] =	stream.indirect.gather [hbm4b:s5+s22], $0x20, s22, s22, $0xb8;
	[tilespmem:$0xDA20] =	vst v63  }
0x4e: {  	s25 =	simm.s32 $0x0  }
.LBB2_9:
0x4f: {  	s25 =	sadd.s32 $0x1, s25  }
.LBB2_2:
0x50: {  	_ =	swait.ge [sflag:s12], $0xA00  }
0x51: {  	[sflag:s12] =	ssyncset.done $0x0  }
0x52: {  	[sflag:s12] =	ssyncadd.s32 $0xFFFFF600  }
0x53: {  	_ =	swait.ge [sflag:s26], $0xA00  }
0x54: {  	p0 =	seq.s32 s25, $0x0;
	[sflag:s26] =	ssyncset.done $0x0  }
0x55: {  	s7 =	simm.s32 @!p0 $0x5;
	[sflag:s26] =	ssyncadd.s32 $0xFFFFF600  }
0x56: {  	_ =	swait.ge @!p0 [sflag:s7], $0xA00  }
0x57: {  	[sflag:s7] =	ssyncset.done @!p0 $0x0  }
0x58: {  	[sflag:s7] =	ssyncadd.s32 @!p0 $0xFFFFF600;
	s7 =	simm.s32 $0x0  }
0x59: {  	v1 =	vld [tilespmem:s7+$0x6230]  }
0x5a: {  	v2 =	vld [tilespmem:s7+$0x4E30]  }
0x5b: {  	v3 =	vld [tilespmem:s7+$0x6220]  }
0x5c: {  	v4 =	vld [tilespmem:s7+$0x4E20];
	_ =	sdelay $0x1  }
0x5d: {  	s10 =	simm.s32 $0x20  }
0x5e: {  	v0 =	vld [tilespmem:s10+$0x6230]  }
0x5f: {  	v5 =	vadd.f32 v2, v1;
	v2 =	vld [tilespmem:s10+$0x4E30]  }
0x60: {  	v1 =	vld [tilespmem:s10+$0x6220];
	v4 =	vadd.f32 v4, v3  }
0x61: {  	v3 =	vld [tilespmem:s10+$0x4E20];
	v5 =	vmax.f32 v5, $0.0e+00  }
0x62: {  	s8 =	sshll.u32 s25, $0x1;
	s11 =	simm.s32 $0x100;
	v4 =	vmax.f32 v4, $0.0e+00;
	[tilespmem:s7+$0x7630] =	vst v5  }
.LBB2_3:
0x63: {  	[tilespmem:s7+$0x7620] =	vst v4;
	s7 =	smov.u32 s10;
	s10 =	sshra.s32 s11, $0x2;
	p1 =	sne.s32 s11, $0x2780  }
.Ltmp3:
0x64: {  	s11 =	sadd.s32 $0x80, s11;
	v4 =	vadd.f32 v2, v0;
	v0 =	vld [tilespmem:s10+$0x6230];
	(pc) =	sbr.rel @p1 .LBB2_3-.Ltmp3, $4  }
0x65: {  	v2 =	vld [tilespmem:s10+$0x4E30]  }
0x66: {  	v5 =	vadd.f32 v3, v1;
	v1 =	vld [tilespmem:s10+$0x6220];
	v4 =	vmax.f32 v4, $0.0e+00  }
0x67: {  	v3 =	vld [tilespmem:s10+$0x4E20];
	[tilespmem:s7+$0x7630] =	vst v4  }
0x68: {  	v4 =	vmax.f32 v5, $0.0e+00  }
0x69: {  	_ =	sdelay $0x1  }
0x6a: {  	s11 =	smul.u32 $0x280, s25;
	p1 =	seq.s32 s25, $0x3E;
	v0 =	vadd.f32 v2, v0  }
.Ltmp4:
0x6b: {  	v1 =	vadd.f32 v3, v1;
	(pc) =	sbr.rel @p1 .LBB2_10-.Ltmp4, $4  }
0x6c: {  	[tilespmem:s7+$0x7620] =	vst v4;
	v0 =	vmax.f32 v0, $0.0e+00  }
0x6d: {  	s16 =	sshra.s32 s11, $0x2;
	[tilespmem:s10+$0x7630] =	vst v0;
	v63 =	vmax.f32 v1, $0.0e+00  }
0x6e: {  	s7 =	sadd.s32 $0x2710, s16;
	[tilespmem:s10+$0x7620] =	vst v63  }
0x6f: {  	[spmem:s3] =	stream.indirect.scatter.add.f32 [tilespmem:s28], [sflag:$0x5], $0x20, s7, s22, $0xb8;
	[tilespmem:$0xDA20] =	vst v63  }
0x70: {  	s7 =	smul.u32 $0xA0, s25;
	_ =	sdelay $0x1  }
0x71: {  	s10 =	sadd.s32 $0xA0, s7  }
0x72: {  	s11 =	sadd.s32 s1, s10  }
0x73: {  	s13 =	smulhi.u32 $0x51EB851F, s11;
	_ =	sdelay $0x1  }
0x74: {  	s13 =	sshrl.u32 s13, $0x9  }
0x75: {  	s14 =	smul.u32 $0xFFFFF9C0, s13;
	_ =	sdelay $0x1  }
0x76: {  	s11 =	sadd.s32 s11, s14  }
0x77: {  	s14 =	smulhi.u32 $0x51EB851F, s11;
	s15 =	sshra.s32 s11, $0x1F  }
0x78: {  	s15 =	smul.u32 $0x51EB851F, s15;
	_ =	sdelay $0x1  }
0x79: {  	s14 =	sadd.s32 s15, s14  }
0x7a: {  	s15 =	sshrl.u32 s14, $0x1F;
	s14 =	sshra.s32 s14, $0x7  }
0x7b: {  	s14 =	sadd.s32 s15, s14  }
0x7c: {  	s15 =	smul.u32 $0xFFFFFE70, s14  }
0x7d: {  	s16 =	ssub.s32 $0x0, s11  }
0x7e: {  	p1 =	slt.s32 s11, $0x1;
	p2 =	sne.s32 s15, s16  }
0x7f: {  	p1 =	por !p1, !p2  }
0x80: {  	s15 =	simm.s32 $0x1;
	p1 =	por !p1, !p1  }
0x81: {  	s15 =	simm.s32 @!p1 $0x0  }
0x82: {  	s14 =	ssub.s32 s14, s15  }
0x83: {  	s13 =	ssub.s32 s13, s14  }
0x84: {  	s13 =	smul.u32 $0x190, s13;
	_ =	sdelay $0x1  }
0x85: {  	s11 =	sadd.s32 s11, s13  }
0x86: {  	s8 =	sor.u32 $0x1, s8;
	s16 =	sshll.u32 s14, $0x5;
	s11 =	sshll.u32 s11, $0x7  }
0x87: {  	p1 =	sgt.u32 s8, $0x7C;
	s11 =	sadd.s32 s16, s11  }
.Ltmp5:
0x88: {  	s11 =	sshrl.u32 s11, $0x3;
	(pc) =	sbr.rel @p1 .LBB2_9-.Ltmp5, $4  }
0x89: {  	s11 =	sadd.s32 s6, s11  }
0x8a: {  	[tilespmem:s21], [sflag:$0x1] =	stream.strided.gather [hbm4b:s11+s19], $0xA00, s20, s19, $0x38;
	[tilespmem:$0xDA20] =	vst v63  }
0x8b: {  	_ = 	snop  }
0x8c: {  	[tilespmem:s23], [sflag:$0x3] =	stream.indirect.gather [hbm4b:s5+s22], $0x20, s10, s22, $0xb8;
	[tilespmem:$0xDA20] =	vst v63  }
0x8d: {  	_ =	swait.ge [sflag:s31], $0xA00  }
0x8e: {  	[sflag:s31] =	ssyncset.done $0x0  }
0x8f: {  	[sflag:s31] =	ssyncadd.s32 $0xFFFFF600  }
0x90: {  	_ =	swait.ge [sflag:s2], $0xA00  }
0x91: {  	[sflag:s2] =	ssyncset.done $0x0  }
0x92: {  	s10 =	simm.s32 @!p0 $0x6;
	[sflag:s2] =	ssyncadd.s32 $0xFFFFF600  }
0x93: {  	_ =	swait.ge @!p0 [sflag:s10], $0xA00  }
0x94: {  	[sflag:s10] =	ssyncset.done @!p0 $0x0  }
0x95: {  	s11 =	simm.s32 $0x0;
	[sflag:s10] =	ssyncadd.s32 @!p0 $0xFFFFF600  }
0x96: {  	v1 =	vld [tilespmem:s11+$0x6C30]  }
0x97: {  	v2 =	vld [tilespmem:s11+$0x5830]  }
0x98: {  	v3 =	vld [tilespmem:s11+$0x6C20]  }
0x99: {  	v4 =	vld [tilespmem:s11+$0x5820];
	_ =	sdelay $0x1  }
0x9a: {  	s10 =	simm.s32 $0x20  }
0x9b: {  	v0 =	vld [tilespmem:s10+$0x6C30]  }
0x9c: {  	v5 =	vadd.f32 v2, v1;
	v2 =	vld [tilespmem:s10+$0x5830]  }
0x9d: {  	v1 =	vld [tilespmem:s10+$0x6C20];
	v4 =	vadd.f32 v4, v3  }
0x9e: {  	v3 =	vld [tilespmem:s10+$0x5820];
	v5 =	vmax.f32 v5, $0.0e+00  }
0x9f: {  	s13 =	simm.s32 $0x100;
	v4 =	vmax.f32 v4, $0.0e+00;
	[tilespmem:s11+$0x8030] =	vst v5  }
.LBB2_7:
0xa0: {  	[tilespmem:s11+$0x8020] =	vst v4;
	s11 =	smov.u32 s10;
	s10 =	sshra.s32 s13, $0x2;
	p0 =	sne.s32 s13, $0x2780  }
.Ltmp6:
0xa1: {  	s13 =	sadd.s32 $0x80, s13;
	v4 =	vadd.f32 v2, v0;
	v0 =	vld [tilespmem:s10+$0x6C30];
	(pc) =	sbr.rel @p0 .LBB2_7-.Ltmp6, $4  }
0xa2: {  	v2 =	vld [tilespmem:s10+$0x5830]  }
0xa3: {  	v5 =	vadd.f32 v3, v1;
	v1 =	vld [tilespmem:s10+$0x6C20];
	v4 =	vmax.f32 v4, $0.0e+00  }
0xa4: {  	v3 =	vld [tilespmem:s10+$0x5820];
	[tilespmem:s11+$0x8030] =	vst v4  }
0xa5: {  	v4 =	vmax.f32 v5, $0.0e+00  }
0xa6: {  	p0 =	sgt.u32 s8, $0x7A  }
0xa7: {  	s7 =	sadd.s32 @!p0 $0xF0, s7  }
0xa8: {  	s13 =	sadd.s32 @!p0 s1, s7  }
0xa9: {  	s14 =	smulhi.u32 @!p0 $0x51EB851F, s13;
	_ =	sdelay $0x1  }
0xaa: {  	s14 =	sshrl.u32 @!p0 s14, $0x9  }
0xab: {  	s15 =	smul.u32 @!p0 $0xFFFFF9C0, s14;
	_ =	sdelay $0x1  }
0xac: {  	s13 =	sadd.s32 @!p0 s13, s15  }
0xad: {  	s15 =	smulhi.u32 @!p0 $0x51EB851F, s13;
	s16 =	sshra.s32 @!p0 s13, $0x1F  }
0xae: {  	s16 =	smul.u32 @!p0 $0x51EB851F, s16;
	_ =	sdelay $0x1  }
0xaf: {  	s15 =	sadd.s32 @!p0 s16, s15  }
0xb0: {  	s16 =	sshrl.u32 @!p0 s15, $0x1F;
	s15 =	sshra.s32 @!p0 s15, $0x7  }
0xb1: {  	s15 =	sadd.s32 @!p0 s16, s15  }
0xb2: {  	s16 =	smul.u32 @!p0 $0xFFFFFE70, s15  }
0xb3: {  	s4 =	ssub.s32 @!p0 $0x0, s13  }
0xb4: {  	p2 =	slt.s32 @!p0 s13, $0x1;
	p1 =	sne.s32 @!p0 s16, s4  }
0xb5: {  	p1 =	por @!p0 !p2, !p1  }
0xb6: {  	p1 =	por @!p0 !p1, !p1  }
0xb7: {  	v0 =	vadd.f32 v2, v0;
	s4 =	simm.s32 @!p0 $0x1;
	p1 =	por !p1, p0  }
0xb8: {  	v1 =	vadd.f32 v3, v1;
	s16 =	smul.u32 $0x140, s8;
	s4 =	simm.s32 @p1 $0x0  }
0xb9: {  	[tilespmem:s11+$0x8020] =	vst v4;
	v0 =	vmax.f32 v0, $0.0e+00;
	s4 =	ssub.s32 @!p0 s15, s4  }
0xba: {  	[tilespmem:s10+$0x8030] =	vst v0;
	v63 =	vmax.f32 v1, $0.0e+00;
	s8 =	sshra.s32 s16, $0x2;
	s11 =	ssub.s32 @!p0 s14, s4  }
0xbb: {  	[tilespmem:s10+$0x8020] =	vst v63;
	s8 =	sadd.s32 $0x2710, s8;
	s10 =	smul.u32 @!p0 $0x190, s11  }
0xbc: {  	[spmem:s3] =	stream.indirect.scatter.add.f32 [tilespmem:s0], [sflag:$0x6], $0x20, s8, s22, $0xb8;
	[tilespmem:$0xDA20] =	vst v63  }
0xbd: {  	s8 =	sadd.s32 @!p0 s13, s10  }
0xbe: {  	s4 =	sshll.u32 @!p0 s4, $0x5;
	s8 =	sshll.u32 @!p0 s8, $0x7  }
0xbf: {  	s4 =	sadd.s32 @!p0 s4, s8  }
.Ltmp7:
0xc0: {  	s11 =	simm.s32 @!p0 $0x5820;
	s4 =	sshrl.u32 @!p0 s4, $0x3;
	(pc) =	sbr.rel .LBB2_9-.Ltmp7, $4  }
0xc1: {  	s10 =	simm.s32 @!p0 $0x80;
	s8 =	simm.s32 @!p0 $0x20;
	s4 =	sadd.s32 @!p0 s6, s4  }
0xc2: {  	[tilespmem:s11], [sflag:$0x2] =	stream.strided.gather @!p0 [hbm4b:s4+s8], $0xA00, s10, s8, $0x38;
	[tilespmem:$0xDA20] =	vst v63  }
0xc3: {  	s4 =	simm.s32 @!p0 $0x50;
	s8 =	simm.s32 @!p0 $0x6C20  }
0xc4: {  	[tilespmem:s8], [sflag:$0x4] =	stream.indirect.gather @!p0 [hbm4b:s5+s4], $0x20, s7, s4, $0xb8;
	[tilespmem:$0xDA20] =	vst v63  }
.LBB2_11:
0xc5: {  	_ =	sfence.sel $0x180000  }
0xc6: {  	[bflag:$0x0] =	sbarrier.arrive $0xFFFF  }
0xc7: {  	_ =	strace $0x9000004A  }
0xc8: {  	s0 =	stileid.u32;
	[bflag:$0x2] =	sbarrier.arrive $0xFFFF  }
0xc9: {  	p0 =	sne.s32 s0, $0x0;
	s0 =	rddreg [dreg:$0x2]  }
0xca: {  	s0 =	sadd.s32 @!p0 $0x100000, s0  }
0xcb: {  	[sflag:s0] =	ssyncadd.tile.s32 @!p0 $0x1;
	_ =	shalt  }
.Lfunc_end2:
_tile_overlayer_lowered:
.L_overlay_start_2:
0xcc: {  	(tag) =	ssettag $0x2  }
0xcd: {  	s0 =	rddreg [dreg:$0x0];
	s2 =	stileid.u32  }
0xce: {  	s1 =	rddreg [dreg:$0x1];
	p0 =	sne.s32 s2, $0x0  }
0xcf: {  	s3 =	rddreg [dreg:$0x2];
	[bflag:$0x3] =	sbarrier.arrive $0xFFFF;
	s2 =	simm.s32 @!p0 $0x1C07  }
0xd0: {  	[timem:s3], [sflag:s2] =	dma.local @!p0 [hbm:s0], s1  }
0xd1: {  	s0 =	simm.s32 @!p0 $0x7  }
0xd2: {  	_ =	swait.ge @!p0 [sflag:s0], s1  }
0xd3: {  	s1 =	ssub.s32 @!p0 $0x0, s1;
	[sflag:s0] =	ssyncset.done @!p0 $0x0  }
0xd4: {  	[sflag:s0] =	ssyncadd.s32 @!p0 s1  }
0xd5: {  	[bflag:$0x3] =	sbarrier.arrive $0xFFFF  }
0xd6: {  	_ =	shalt  }

// kernel: kernel.15.cloned.1.call-start
scs
__scs_entry_jumppad:
0x0: {  	(pc) =	sbr.rel $0x88, $3  }
0x1: {  	(tag) =	ssettag $0x0;
	lr =	simm.s32 $0x1  }
0x2: {  	[smem:$0x3F85] =	sst lr;
	_ =	strace $0xD0000000  }
0x3: {  	_ = 	snop  }
0x4: {  	_ = 	snop  }
0x5: {  	_ = 	snop  }
0x6: {  	_ = 	snop  }
0x7: {  	_ = 	snop  }
__scs_overlays_trampoline_lowered:
0x8: {  	[smem:$0x3F94] =	sst s0  }
0x9: {  	[smem:$0x3F95] =	sst s1  }
0xa: {  	[smem:$0x3F96] =	sst s2  }
0xb: {  	[smem:$0x3F97] =	sst s3  }
0xc: {  	[smem:$0x3F98] =	sst s4  }
0xd: {  	[smem:$0x3F99] =	sst s5  }
0xe: {  	[smem:$0x3F9A] =	sst s6  }
0xf: {  	[smem:$0x3F9B] =	sst s7  }
0x10: {  	[smem:$0x3F9C] =	sst s8  }
0x11: {  	[smem:$0x3F9D] =	sst s9;
	s0 =	simm.s32 @!p0 $0x0  }
0x12: {  	s1 =	sld [smem:$0x3F83];
	s0 =	simm.s32 @p0 $0x1  }
0x13: {  	[smem:$0x3F9E] =	sst s0;
	s0 =	simm.s32 @!p1 $0x0  }
0x14: {  	s2 =	sld [smem:$0x3F82];
	s0 =	simm.s32 @p1 $0x1  }
0x15: {  	[smem:$0x3F9F] =	sst s0;
	s0 =	simm.s32 @!p2 $0x0  }
0x16: {  	s3 =	sld [smem:$0x3FDB];
	s0 =	simm.s32 @p2 $0x1  }
0x17: {  	s4 =	simm.s32 $0x1BF5;
	[smem:$0x3FA1] =	sst s0  }
0x18: {  	s0 =	sld [smem:$0x3F84];
	_ =	swait.ge [sflag:s4], $0x0  }
0x19: {  	s7 =	sld [smem:$0x3F85]  }
0x1a: {  	s8 =	sadd.s32 $0xFFFFE003, lr  }
0x1b: {  	s9 =	sadd.s32 $0xFFFFFEF7, lr;
	s5 =	simm.s32 $0xFFFFFFFF;
	p2 =	slt.u32 s8, $0xFFFFF086  }
0x1c: {  	p1 =	slt.u32 s9, $0xF7A;
	s5 =	simm.s32 @!p2 $0x0  }
0x1d: {  	s5 =	simm.s32 @p1 $0x1;
	p0 =	seq.s32 s7, s2  }
0x1e: {  	s7 =	smul.u32 @!p0 $0xF7A, s2;
	p2 =	seq.s32 @!p0 s5, $0x0  }
0x1f: {  	s9 =	smul.u32 $0xF7A, s1;
	s8 =	simm.s32 @!p0 $0x1BF5;
	p2 =	por !p2, p0  }
0x20: {  	[sflag:s8] =	ssyncset.s32 @!p0 $0xFFFFF086;
	s6 =	sadd.s32 @!p0 s3, s7;
	s7 =	simm.s32 @!p0 $0x108  }
0x21: {  	s3 =	sadd.s32 s3, s9;
	s6 =	sadd.s32 @!p0 $0x88, s6;
	s7 =	simm.s32 @p2 $0x1082  }
0x22: {  	[simem:s7], [sflag:s8] =	dma.local @!p0 [hbm:s6], $0xF7A  }
0x23: {  	s9 =	sor.u32 $0xD0000000, s2;
	s6 =	simm.s32 $0x108;
	_ =	swait.ge @!p0 [sflag:s8], $0x0  }
0x24: {  	s3 =	sadd.s32 $0x88, s3;
	s6 =	simm.s32 @!p1 $0x1082;
	[sflag:s4] =	ssyncset.s32 $0xFFFFF086  }
0x25: {  	[simem:s6], [sflag:s4] =	dma.local [hbm:s3], $0xF7A  }
0x26: {  	[smem:$0x3F85] =	sst s1;
	(tag) =	ssettag s2;
	_ =	strace s9  }
0x27: {  	s1 =	sld [smem:$0x3F95]  }
0x28: {  	s2 =	sld [smem:$0x3F96]  }
0x29: {  	s4 =	sld [smem:$0x3F98]  }
0x2a: {  	p0 =	seq.s32 s5, $0x0;
	s5 =	sld [smem:$0x3F99]  }
0x2b: {  	s6 =	sld [smem:$0x3F9A]  }
0x2c: {  	s7 =	sld [smem:$0x3F9B]  }
0x2d: {  	s3 =	simm.s32 $0x108;
	s8 =	sld [smem:$0x3F9C]  }
0x2e: {  	s3 =	simm.s32 @!p0 $0x1082;
	s9 =	sld [smem:$0x3F9D]  }
0x2f: {  	lr =	sadd.s32 s0, s3;
	s0 =	sld [smem:$0x3F94]  }
0x30: {  	s3 =	sld [smem:$0x3F97]  }
0x31: {  	[smem:$0x3FA0] =	sst s10  }
0x32: {  	s10 =	sld [smem:$0x3F9E];
	_ =	sdelay $0x3  }
0x33: {  	p0 =	seq.s32 s10, $0x1;
	s10 =	sld [smem:$0x3FA0];
	_ =	sdelay $0x3  }
0x34: {  	[smem:$0x3FA0] =	sst s10  }
0x35: {  	s10 =	sld [smem:$0x3F9F];
	_ =	sdelay $0x3  }
0x36: {  	p1 =	seq.s32 s10, $0x1;
	s10 =	sld [smem:$0x3FA0];
	_ =	sdelay $0x3  }
0x37: {  	[smem:$0x3FA0] =	sst s10  }
0x38: {  	s10 =	sld [smem:$0x3FA1]  }
0x39: {  	_ = 	snop;
	(pc) =	sbr.ind lr, $3  }
0x3a: {  	_ = 	snop  }
0x3b: {  	_ = 	snop  }
0x3c: {  	p2 =	seq.s32 s10, $0x1;
	s10 =	sld [smem:$0x3FA0]  }
0x3d: {  	_ =	shalt  }
0x3e: {  	_ =	shalt  }
0x3f: {  	_ =	shalt  }
0x40: {  	_ =	shalt  }
0x41: {  	_ =	shalt  }
0x42: {  	_ =	shalt  }
0x43: {  	_ =	shalt  }
0x44: {  	_ =	shalt  }
0x45: {  	_ =	shalt  }
0x46: {  	_ =	shalt  }
0x47: {  	_ =	shalt  }
0x48: {  	_ =	shalt  }
0x49: {  	_ =	shalt  }
0x4a: {  	_ =	shalt  }
0x4b: {  	_ =	shalt  }
0x4c: {  	_ =	shalt  }
0x4d: {  	_ =	shalt  }
0x4e: {  	_ =	shalt  }
0x4f: {  	_ =	shalt  }
0x50: {  	_ =	shalt  }
0x51: {  	_ =	shalt  }
0x52: {  	_ =	shalt  }
0x53: {  	_ =	shalt  }
0x54: {  	_ =	shalt  }
0x55: {  	_ =	shalt  }
0x56: {  	_ =	shalt  }
0x57: {  	_ =	shalt  }
0x58: {  	_ =	shalt  }
0x59: {  	_ =	shalt  }
0x5a: {  	_ =	shalt  }
0x5b: {  	_ =	shalt  }
0x5c: {  	_ =	shalt  }
0x5d: {  	_ =	shalt  }
0x5e: {  	_ =	shalt  }
0x5f: {  	_ =	shalt  }
0x60: {  	_ =	shalt  }
0x61: {  	_ =	shalt  }
0x62: {  	_ =	shalt  }
0x63: {  	_ =	shalt  }
0x64: {  	_ =	shalt  }
0x65: {  	_ =	shalt  }
0x66: {  	_ =	shalt  }
0x67: {  	_ =	shalt  }
0x68: {  	_ =	shalt  }
0x69: {  	_ =	shalt  }
0x6a: {  	_ =	shalt  }
0x6b: {  	_ =	shalt  }
0x6c: {  	_ =	shalt  }
0x6d: {  	_ =	shalt  }
0x6e: {  	_ =	shalt  }
0x6f: {  	_ =	shalt  }
0x70: {  	_ =	shalt  }
0x71: {  	_ =	shalt  }
0x72: {  	_ =	shalt  }
0x73: {  	_ =	shalt  }
0x74: {  	_ =	shalt  }
0x75: {  	_ =	shalt  }
0x76: {  	_ =	shalt  }
0x77: {  	_ =	shalt  }
0x78: {  	_ =	shalt  }
0x79: {  	_ =	shalt  }
0x7a: {  	_ =	shalt  }
0x7b: {  	_ =	shalt  }
0x7c: {  	_ =	shalt  }
0x7d: {  	_ =	shalt  }
0x7e: {  	_ =	shalt  }
0x7f: {  	_ =	shalt  }
0x80: {  	_ =	shalt  }
0x81: {  	_ =	shalt  }
0x82: {  	_ =	shalt  }
0x83: {  	_ =	shalt  }
0x84: {  	_ =	shalt  }
0x85: {  	_ =	shalt  }
0x86: {  	_ =	shalt  }
0x87: {  	_ =	shalt  }
.Lfunc_end0:
.L_simem_size_0:
called_computation.2_lowered:
.L_overlay_start_0:
0x88: {  	s2 =	sld [smem:$0x3FD9]  }
0x89: {  	s3 =	sld [smem:$0x3FFE];
	_ =	sdelay $0x1  }
0x8a: {  	s1 =	srdreg.scid  }
0x8b: {  	s0 =	sand.u32 $0x1, s1  }
0x8c: {  	s16 =	sshll.u32 s0, $0xA;
	s2 =	sadd.s32 s3, s2  }
0x8d: {  	s2 =	sadd.s32 s2, s16  }
0x8e: {  	[smem:$0x3FAC] =	sst s2  }
0x8f: {  	_ = 	snop  }
0x90: {  	(tm) =	ssettm $0x1  }
0x91: {  	s17 =	sld [smem:$0x3FFB];
	_ =	sdelay $0x3  }
0x92: {  	_ =	strace s17  }
0x93: {  	s2 =	sld [smem:$0x3FFC];
	_ =	sdelay $0x3  }
0x94: {  	_ =	strace s2  }
0x95: {  	s2 =	sld [smem:$0x3FFD];
	_ =	sdelay $0x3  }
0x96: {  	_ =	strace s2  }
0x97: {  	_ =	strace $0x8FFFFFFF  }
0x98: {  	s18 =	sld [smem:$0x3FDB];
	_ =	sdelay $0x1  }
0x99: {  	s19 =	simm.s32 $_scs_section_size  }
0x9a: {  	s4 =	simm.s32 $_size__tile_overlayer_lowered;
	s5 =	simm.s32 $_tile_overlayer_lowered  }
0x9b: {  	s22 =	simm.s32 $0x1BFF;
	s21 =	sshll.u32 s5, $0x1;
	s2 =	sadd.s32 s19, s18  }
0x9c: {  	s6 =	simm.s32 $0x0;
	s20 =	sshll.u32 s4, $0x1;
	s4 =	sadd.s32 s21, s2  }
0x9d: {  	[timem:s6], [sflag:s22] =	dma.local [hbm:s4], s20  }
0x9e: {  	_ =	swait.ge [sflag:s22], s20  }
0x9f: {  	s3 =	ssub.s32 $0x0, s20;
	[sflag:s22] =	ssyncset.done $0x0  }
0xa0: {  	[sflag:s22] =	ssyncadd.s32 s3;
	_ =	sdelay $0x1  }
0xa1: {  	s23 =	simm.s32 $0x1B8B  }
0xa2: {  	_ =	swait.ge [sflag:s23], $0x1  }
0xa3: {  	[sflag:s23] =	ssyncset.done $0x0  }
0xa4: {  	s25 =	simm.s32 $0x1B8E;
	s24 =	sld [smem:$0x3FFE];
	[sflag:s23] =	ssyncadd.s32 $0xFFFFFFFF  }
0xa5: {  	s26 =	simm.s32 $execute0_lowered;
	[smem:$0x3FD2] =	sst s25  }
0xa6: {  	s4 =	sshll.u32 s26, $0x1;
	_ =	strace $0x8000004C;
	[dreg:$0x1] =	wrdreg $0xFFFFFFFF  }
0xa7: {  	s28 =	simm.s32 $_size_execute0_lowered;
	s2 =	sadd.s32 s2, s4;
	[dreg:$0x0] =	wrdreg $0x0  }
0xa8: {  	s4 =	sshll.u32 s28, $0x1;
	[dreg:$0x2] =	wrdreg s2  }
0xa9: {  	[dreg:$0x3] =	wrdreg s4  }
0xaa: {  	[dreg:$0x4] =	wrdreg $0xC0  }
0xab: {  	_ =	task [dreg:s6], $0x5FFFF  }
0xac: {  	[dreg:$0x1] =	wrdreg $0xFFFFFFFF  }
0xad: {  	[dreg:$0x0] =	wrdreg $0x60  }
0xae: {  	[dreg:$0x2] =	wrdreg s24  }
0xaf: {  	[dreg:$0x3] =	wrdreg $0x8A200  }
0xb0: {  	[dreg:$0x4] =	wrdreg $0x9  }
0xb1: {  	_ =	task.clear_ibuf [dreg:s6], $0x5FFFF;
	_ =	strace $0x9000004C  }
0xb2: {  	s29 =	simm.s32 $0x9;
	_ =	strace $0x8000004E  }
0xb3: {  	_ =	swait.ge [sflag:s29], $0x1  }
0xb4: {  	[sflag:s29] =	ssyncadd.s32 $0xFFFFFFFF  }
0xb5: {  	_ =	strace $0x9000004E  }
0xb6: {  	_ =	sfence  }
0xb7: {  	s30 =	sld [smem:$0x0];
	_ =	sdelay $0x2  }
0xb8: {  	s31 =	sshll.u32 s1, $0xD;
	s1 =	sshrl.u32 s1, $0x2  }
0xb9: {  	s3 =	sand.u32 $0x4000, s31;
	s1 =	sadd.s32 s1, s30  }
0xba: {  	s0 =	sor.u32 s3, s0;
	s1 =	sshll.u32 s1, $0x11  }
0xbb: {  	s0 =	sor.u32 s1, s0  }
0xbc: {  	s0 =	sadd.s32 $0x8F2B, s0  }
0xbd: {  	[sflag:s0] =	ssyncadd.remote.s32 $0x1  }
0xbe: {  	_ =	sfence.sel $0xFFFF  }
0xbf: {  	[dreg:$0x0] =	wrdreg $0xFFFFFFFF;
	(pc) =	sbr.abs _section_cstart, $3  }
0xc0: {  	[dreg:$0x1] =	wrdreg $0xFFFFFFFF  }
0xc1: {  	_ =	task.clear_ibuf [dreg:s6], $0x2FFFF;
	_ =	strace $0x9FFFFFFF  }
0xc2: {  	(tm) =	ssettm $0x7FFFFFFF  }
0xc3: {  	_ =	shalt  }
tec
execute0_lowered:
.L_overlay_start_1:
0x0: {  	(tag) =	ssettag $0x1  }
0x1: {  	s0 =	srdreg.scid  }
0x2: {  	s18 =	stileid.u32;
	s9 =	rddreg [dreg:$0x0];
	s19 =	simm.s32 $0x0  }
0x3: {  	s28 =	simm.s32 $0x7620;
	s0 =	sand.u32 $0x1, s0;
	s1 =	sshll.u32 s18, $0x1  }
0x4: {  	s29 =	simm.s32 $0x5;
	s8 =	smul.u32 $0x5000, s18;
	s1 =	sor.u32 s0, s1  }
0x5: {  	s30 =	simm.s32 $0x6;
	s31 =	simm.s32 $0x2;
	s1 =	smul.u32 $0x2710, s1  }
0x6: {  	[smem:$0x7FF] =	sst s19;
	s19 =	sshll.u32 s18, $0x6;
	s14 =	smul.u32 $0x50000, s0  }
0x7: {  	s18 =	simm.s32 $0x0;
	s2 =	smulhi.u32 $0x28F5C3, s1;
	s4 =	sadd.s32 $0x50, s1  }
0x8: {  	s0 =	ssub.s32 $0x2, s0;
	s16 =	sshrl.u32 s8, $0x3;
	s7 =	smulhi.u32 $0x28F5C3, s4  }
0x9: {  	s14 =	sadd.s32 s8, s14;
	s16 =	sadd.s32 s16, s9;
	s3 =	smul.u32 $0xFFFFF9C0, s2  }
0xa: {  	s26 =	sshrl.u32 s1, $0x3;
	s14 =	sshrl.u32 s14, $0x3;
	s17 =	smul.u32 $0xFFFFF9C0, s7  }
0xb: {  	s10 =	sadd.s32 s1, s3;
	s3 =	rddreg [dreg:$0x1];
	_ =	strace $0x8000004D  }
0xc: {  	s5 =	smulhi.u32 $0x51EB851F, s10;
	s6 =	sshra.s32 s10, $0x1F;
	s11 =	sadd.s32 s4, s17  }
0xd: {  	s24 =	ssub.s32 $0x0, s10;
	p0 =	slt.s32 s10, $0x1;
	s6 =	smul.u32 $0x51EB851F, s6  }
0xe: {  	s17 =	sadd.s32 s14, s9;
	s14 =	simm.s32 $0x1;
	s12 =	smulhi.u32 $0x51EB851F, s11  }
0xf: {  	s4 =	sshra.s32 s11, $0x1F;
	s25 =	ssub.s32 $0x0, s11;
	p6 =	slt.s32 s11, $0x1  }
0x10: {  	s13 =	smul.u32 $0x51EB851F, s4;
	s4 =	sshrl.u32 s0, $0x1;
	s5 =	sadd.s32 s6, s5  }
0x11: {  	s0 =	ssub.s32 s0, s4;
	s6 =	sshrl.u32 s5, $0x1F;
	s5 =	sshra.s32 s5, $0x7  }
0x12: {  	s12 =	sadd.s32 s13, s12;
	s0 =	smax.u32 s0, $0x1;
	s20 =	sadd.s32 s6, s5  }
0x13: {  	s21 =	sshrl.u32 s12, $0x1F;
	s22 =	sshra.s32 s12, $0x7;
	s5 =	sadd.s32 $0x520E00, s9  }
0x14: {  	s12 =	sadd.s32 s26, s9;
	s26 =	sadd.s32 $0x4000, s17;
	[dreg:$0xa] =	wrdreg s0  }
0x15: {  	s17 =	simm.s32 $0x7;
	s0 =	simm.s32 $0x8020;
	s23 =	smul.u32 $0xFFFFFE70, s20  }
0x16: {  	s15 =	sadd.s32 s21, s22;
	s21 =	sadd.s32 $0x517000, s12;
	[dreg:$0x9] =	wrdreg s26  }
0x17: {  	s26 =	simm.s32 $0x3;
	s6 =	smul.u32 $0xFFFFFE70, s15;
	[dreg:$0x5] =	wrdreg s21  }
0x18: {  	s21 =	simm.s32 $0x4E20;
	p1 =	sne.s32 s23, s24;
	s24 =	sadd.s32 $0x50D200, s12  }
0x19: {  	p0 =	por !p0, !p1;
	p2 =	sne.s32 s6, s25;
	s6 =	sadd.s32 $0xB3B600, s9  }
0x1a: {  	s9 =	simm.s32 $0x1;
	p1 =	por !p6, !p2;
	p0 =	por !p0, !p0  }
0x1b: {  	s12 =	simm.s32 $0x1;
	s9 =	simm.s32 @!p0 $0x0;
	p0 =	por !p1, !p1  }
0x1c: {  	[dreg:$0x6] =	wrdreg s24;
	s13 =	ssub.s32 s20, s9;
	s14 =	simm.s32 @!p0 $0x0  }
0x1d: {  	s20 =	sadd.s32 $0x52AC00, s16;
	s2 =	ssub.s32 s2, s13;
	s14 =	ssub.s32 s15, s14  }
0x1e: {  	s9 =	sor.u32 $0x1C07, s19;
	s2 =	smul.u32 $0x190, s2;
	s7 =	ssub.s32 s7, s14  }
0x1f: {  	s19 =	simm.s32 $0x20;
	s15 =	sadd.s32 s8, s3;
	s7 =	smul.u32 $0x190, s7  }
0x20: {  	[dreg:$0x4] =	wrdreg s20;
	s22 =	sshll.u32 s13, $0x5;
	s2 =	sadd.s32 s10, s2  }
0x21: {  	s23 =	sshll.u32 s14, $0x5;
	s2 =	sshll.u32 s2, $0x7;
	s7 =	sadd.s32 s11, s7  }
.Ltmp0:
0x22: {  	s7 =	sshll.u32 s7, $0x7;
	s2 =	sadd.s32 s22, s2;
	(pc) =	sbr.rel .LBB2_1-.Ltmp0, $4  }
0x23: {  	s20 =	simm.s32 $0x80;
	s7 =	sadd.s32 s23, s7;
	s2 =	sshrl.u32 s2, $0x3  }
0x24: {  	[dreg:$0x3] =	wrdreg s15;
	s7 =	sshrl.u32 s7, $0x3;
	s2 =	sadd.s32 s6, s2  }
0x25: {  	s22 =	simm.s32 $0x50;
	[dreg:$0x7] =	wrdreg s2;
	s25 =	sadd.s32 s6, s7  }
0x26: {  	s23 =	simm.s32 $0x6220;
	s2 =	simm.s32 $0x4;
	[dreg:$0x8] =	wrdreg s25  }
.LBB2_10:
0x27: {  	_ =	swait.ge [sflag:s29], $0xA00  }
0x28: {  	[sflag:s29] =	ssyncset.done $0x0  }
0x29: {  	[sflag:s29] =	ssyncadd.s32 $0xFFFFF600  }
0x2a: {  	_ =	swait.ge [sflag:s30], $0xA00  }
0x2b: {  	[sflag:s30] =	ssyncset.done $0x0  }
0x2c: {  	[sflag:s30] =	ssyncadd.s32 $0xFFFFF600  }
0x2d: {  	[bflag:$0x0] =	sbarrier.arrive $0xFFFF  }
0x2e: {  	s4 =	rddreg [dreg:$0x9]  }
0x2f: {  	[hbm:s4], [sflag:s9] =	dma.local [spmem:s24], $0xA00  }
0x30: {  	_ =	swait.ge [sflag:s17], $0xA00  }
0x31: {  	s18 =	sadd.s32 $0x1, s18;
	s25 =	rddreg [dreg:$0xa]  }
0x32: {  	p0 =	sne.s32 s18, s25  }
.Ltmp1:
0x33: {  	_ = 	snop;
	(pc) =	sbr.rel @!p0 .LBB2_11-.Ltmp1, $3  }
0x34: {  	_ =	sdelay $0x1  }
0x35: {  	[sflag:s17] =	ssyncset.done $0x0  }
0x36: {  	[sflag:s17] =	ssyncadd.s32 $0xFFFFF600  }
.LBB2_1:
0x37: {  	s4 =	rddreg [dreg:$0x3]  }
0x38: {  	s10 =	rddreg [dreg:$0x4];
	s24 =	sshrl.u32 s4, $0x3  }
0x39: {  	[spmem:s24], [sflag:s9] =	dma.local [hbm:s10], $0xA00  }
0x3a: {  	_ =	swait.ge [sflag:s17], $0xA00  }
0x3b: {  	[sflag:s17] =	ssyncset.done $0x0  }
0x3c: {  	s11 =	simm.s32 $0x0;
	s7 =	rddreg [dreg:$0x5];
	[sflag:s17] =	ssyncadd.s32 $0xFFFFF600  }
0x3d: {  	[tilespmem:s11], [sflag:$0x7] =	stream.linear.gather [hbm4b:s7+s11], $0x2710, $0x38;
	[tilespmem:$0xDA20] =	vst v63  }
0x3e: {  	_ =	swait.ge [sflag:s17], $0x2710  }
0x3f: {  	[sflag:s17] =	ssyncset.done $0x0  }
0x40: {  	s8 =	simm.s32 $0x2710;
	s13 =	rddreg [dreg:$0x6];
	[sflag:s17] =	ssyncadd.s32 $0xFFFFD8F0  }
0x41: {  	[tilespmem:s8], [sflag:$0x7] =	stream.linear.gather [hbm4b:s13+s11], $0x2710, $0x38;
	[tilespmem:$0xDA20] =	vst v63  }
0x42: {  	_ =	swait.ge [sflag:s17], $0x2710  }
0x43: {  	[sflag:s17] =	ssyncset.done $0x0  }
0x44: {  	[sflag:s17] =	ssyncadd.s32 $0xFFFFD8F0  }
0x45: {  	[bflag:$0x0] =	sbarrier.arrive $0xFFFF  }
0x46: {  	s14 =	rddreg [dreg:$0x7]  }
0x47: {  	[tilespmem:s21], [sflag:$0x1] =	stream.strided.gather [hbm4b:s14+s19], $0xA00, s20, s19, $0x38;
	[tilespmem:$0xDA20] =	vst v63  }
0x48: {  	_ = 	snop  }
0x49: {  	[tilespmem:s23], [sflag:$0x3] =	stream.indirect.gather [hbm4b:s5+s22], $0x20, s11, s22, $0xb8;
	[tilespmem:$0xDA20] =	vst v63  }
.Ltmp2:
0x4a: {  	s16 =	simm.s32 $0x5820;
	s15 =	rddreg [dreg:$0x8];
	(pc) =	sbr.rel .LBB2_2-.Ltmp2, $4  }
0x4b: {  	[tilespmem:s16], [sflag:$0x2] =	stream.strided.gather [hbm4b:s15+s19], $0xA00, s20, s19, $0x38;
	[tilespmem:$0xDA20] =	vst v63  }
0x4c: {  	s25 =	simm.s32 $0x6C20  }
0x4d: {  	[tilespmem:s25], [sflag:$0x4] =	stream.indirect.gather [hbm4b:s5+s22], $0x20, s22, s22, $0xb8;
	[tilespmem:$0xDA20] =	vst v63  }
0x4e: {  	s25 =	simm.s32 $0x0  }
.LBB2_9:
0x4f: {  	s25 =	sadd.s32 $0x1, s25  }
.LBB2_2:
0x50: {  	_ =	swait.ge [sflag:s12], $0xA00  }
0x51: {  	[sflag:s12] =	ssyncset.done $0x0  }
0x52: {  	[sflag:s12] =	ssyncadd.s32 $0xFFFFF600  }
0x53: {  	_ =	swait.ge [sflag:s26], $0xA00  }
0x54: {  	p0 =	seq.s32 s25, $0x0;
	[sflag:s26] =	ssyncset.done $0x0  }
0x55: {  	s7 =	simm.s32 @!p0 $0x5;
	[sflag:s26] =	ssyncadd.s32 $0xFFFFF600  }
0x56: {  	_ =	swait.ge @!p0 [sflag:s7], $0xA00  }
0x57: {  	[sflag:s7] =	ssyncset.done @!p0 $0x0  }
0x58: {  	[sflag:s7] =	ssyncadd.s32 @!p0 $0xFFFFF600;
	s7 =	simm.s32 $0x0  }
0x59: {  	v1 =	vld [tilespmem:s7+$0x6230]  }
0x5a: {  	v2 =	vld [tilespmem:s7+$0x4E30]  }
0x5b: {  	v3 =	vld [tilespmem:s7+$0x6220]  }
0x5c: {  	v4 =	vld [tilespmem:s7+$0x4E20];
	_ =	sdelay $0x1  }
0x5d: {  	s10 =	simm.s32 $0x20  }
0x5e: {  	v0 =	vld [tilespmem:s10+$0x6230]  }
0x5f: {  	v5 =	vadd.f32 v2, v1;
	v2 =	vld [tilespmem:s10+$0x4E30]  }
0x60: {  	v1 =	vld [tilespmem:s10+$0x6220];
	v4 =	vadd.f32 v4, v3  }
0x61: {  	v3 =	vld [tilespmem:s10+$0x4E20];
	v5 =	vmax.f32 v5, $0.0e+00  }
0x62: {  	s8 =	sshll.u32 s25, $0x1;
	s11 =	simm.s32 $0x100;
	v4 =	vmax.f32 v4, $0.0e+00;
	[tilespmem:s7+$0x7630] =	vst v5  }
.LBB2_3:
0x63: {  	[tilespmem:s7+$0x7620] =	vst v4;
	s7 =	smov.u32 s10;
	s10 =	sshra.s32 s11, $0x2;
	p1 =	sne.s32 s11, $0x2780  }
.Ltmp3:
0x64: {  	s11 =	sadd.s32 $0x80, s11;
	v4 =	vadd.f32 v2, v0;
	v0 =	vld [tilespmem:s10+$0x6230];
	(pc) =	sbr.rel @p1 .LBB2_3-.Ltmp3, $4  }
0x65: {  	v2 =	vld [tilespmem:s10+$0x4E30]  }
0x66: {  	v5 =	vadd.f32 v3, v1;
	v1 =	vld [tilespmem:s10+$0x6220];
	v4 =	vmax.f32 v4, $0.0e+00  }
0x67: {  	v3 =	vld [tilespmem:s10+$0x4E20];
	[tilespmem:s7+$0x7630] =	vst v4  }
0x68: {  	v4 =	vmax.f32 v5, $0.0e+00  }
0x69: {  	_ =	sdelay $0x1  }
0x6a: {  	s11 =	smul.u32 $0x280, s25;
	p1 =	seq.s32 s25, $0x3E;
	v0 =	vadd.f32 v2, v0  }
.Ltmp4:
0x6b: {  	v1 =	vadd.f32 v3, v1;
	(pc) =	sbr.rel @p1 .LBB2_10-.Ltmp4, $4  }
0x6c: {  	[tilespmem:s7+$0x7620] =	vst v4;
	v0 =	vmax.f32 v0, $0.0e+00  }
0x6d: {  	s16 =	sshra.s32 s11, $0x2;
	[tilespmem:s10+$0x7630] =	vst v0;
	v63 =	vmax.f32 v1, $0.0e+00  }
0x6e: {  	s7 =	sadd.s32 $0x2710, s16;
	[tilespmem:s10+$0x7620] =	vst v63  }
0x6f: {  	[spmem:s3] =	stream.indirect.scatter.add.f32 [tilespmem:s28], [sflag:$0x5], $0x20, s7, s22, $0xb8;
	[tilespmem:$0xDA20] =	vst v63  }
0x70: {  	s7 =	smul.u32 $0xA0, s25;
	_ =	sdelay $0x1  }
0x71: {  	s10 =	sadd.s32 $0xA0, s7  }
0x72: {  	s11 =	sadd.s32 s1, s10  }
0x73: {  	s13 =	smulhi.u32 $0x51EB851F, s11;
	_ =	sdelay $0x1  }
0x74: {  	s13 =	sshrl.u32 s13, $0x9  }
0x75: {  	s14 =	smul.u32 $0xFFFFF9C0, s13;
	_ =	sdelay $0x1  }
0x76: {  	s11 =	sadd.s32 s11, s14  }
0x77: {  	s14 =	smulhi.u32 $0x51EB851F, s11;
	s15 =	sshra.s32 s11, $0x1F  }
0x78: {  	s15 =	smul.u32 $0x51EB851F, s15;
	_ =	sdelay $0x1  }
0x79: {  	s14 =	sadd.s32 s15, s14  }
0x7a: {  	s15 =	sshrl.u32 s14, $0x1F;
	s14 =	sshra.s32 s14, $0x7  }
0x7b: {  	s14 =	sadd.s32 s15, s14  }
0x7c: {  	s15 =	smul.u32 $0xFFFFFE70, s14  }
0x7d: {  	s16 =	ssub.s32 $0x0, s11  }
0x7e: {  	p1 =	slt.s32 s11, $0x1;
	p2 =	sne.s32 s15, s16  }
0x7f: {  	p1 =	por !p1, !p2  }
0x80: {  	s15 =	simm.s32 $0x1;
	p1 =	por !p1, !p1  }
0x81: {  	s15 =	simm.s32 @!p1 $0x0  }
0x82: {  	s14 =	ssub.s32 s14, s15  }
0x83: {  	s13 =	ssub.s32 s13, s14  }
0x84: {  	s13 =	smul.u32 $0x190, s13;
	_ =	sdelay $0x1  }
0x85: {  	s11 =	sadd.s32 s11, s13  }
0x86: {  	s8 =	sor.u32 $0x1, s8;
	s16 =	sshll.u32 s14, $0x5;
	s11 =	sshll.u32 s11, $0x7  }
0x87: {  	p1 =	sgt.u32 s8, $0x7C;
	s11 =	sadd.s32 s16, s11  }
.Ltmp5:
0x88: {  	s11 =	sshrl.u32 s11, $0x3;
	(pc) =	sbr.rel @p1 .LBB2_9-.Ltmp5, $4  }
0x89: {  	s11 =	sadd.s32 s6, s11  }
0x8a: {  	[tilespmem:s21], [sflag:$0x1] =	stream.strided.gather [hbm4b:s11+s19], $0xA00, s20, s19, $0x38;
	[tilespmem:$0xDA20] =	vst v63  }
0x8b: {  	_ = 	snop  }
0x8c: {  	[tilespmem:s23], [sflag:$0x3] =	stream.indirect.gather [hbm4b:s5+s22], $0x20, s10, s22, $0xb8;
	[tilespmem:$0xDA20] =	vst v63  }
0x8d: {  	_ =	swait.ge [sflag:s31], $0xA00  }
0x8e: {  	[sflag:s31] =	ssyncset.done $0x0  }
0x8f: {  	[sflag:s31] =	ssyncadd.s32 $0xFFFFF600  }
0x90: {  	_ =	swait.ge [sflag:s2], $0xA00  }
0x91: {  	[sflag:s2] =	ssyncset.done $0x0  }
0x92: {  	s10 =	simm.s32 @!p0 $0x6;
	[sflag:s2] =	ssyncadd.s32 $0xFFFFF600  }
0x93: {  	_ =	swait.ge @!p0 [sflag:s10], $0xA00  }
0x94: {  	[sflag:s10] =	ssyncset.done @!p0 $0x0  }
0x95: {  	s11 =	simm.s32 $0x0;
	[sflag:s10] =	ssyncadd.s32 @!p0 $0xFFFFF600  }
0x96: {  	v1 =	vld [tilespmem:s11+$0x6C30]  }
0x97: {  	v2 =	vld [tilespmem:s11+$0x5830]  }
0x98: {  	v3 =	vld [tilespmem:s11+$0x6C20]  }
0x99: {  	v4 =	vld [tilespmem:s11+$0x5820];
	_ =	sdelay $0x1  }
0x9a: {  	s10 =	simm.s32 $0x20  }
0x9b: {  	v0 =	vld [tilespmem:s10+$0x6C30]  }
0x9c: {  	v5 =	vadd.f32 v2, v1;
	v2 =	vld [tilespmem:s10+$0x5830]  }
0x9d: {  	v1 =	vld [tilespmem:s10+$0x6C20];
	v4 =	vadd.f32 v4, v3  }
0x9e: {  	v3 =	vld [tilespmem:s10+$0x5820];
	v5 =	vmax.f32 v5, $0.0e+00  }
0x9f: {  	s13 =	simm.s32 $0x100;
	v4 =	vmax.f32 v4, $0.0e+00;
	[tilespmem:s11+$0x8030] =	vst v5  }
.LBB2_7:
0xa0: {  	[tilespmem:s11+$0x8020] =	vst v4;
	s11 =	smov.u32 s10;
	s10 =	sshra.s32 s13, $0x2;
	p0 =	sne.s32 s13, $0x2780  }
.Ltmp6:
0xa1: {  	s13 =	sadd.s32 $0x80, s13;
	v4 =	vadd.f32 v2, v0;
	v0 =	vld [tilespmem:s10+$0x6C30];
	(pc) =	sbr.rel @p0 .LBB2_7-.Ltmp6, $4  }
0xa2: {  	v2 =	vld [tilespmem:s10+$0x5830]  }
0xa3: {  	v5 =	vadd.f32 v3, v1;
	v1 =	vld [tilespmem:s10+$0x6C20];
	v4 =	vmax.f32 v4, $0.0e+00  }
0xa4: {  	v3 =	vld [tilespmem:s10+$0x5820];
	[tilespmem:s11+$0x8030] =	vst v4  }
0xa5: {  	v4 =	vmax.f32 v5, $0.0e+00  }
0xa6: {  	p0 =	sgt.u32 s8, $0x7A  }
0xa7: {  	s7 =	sadd.s32 @!p0 $0xF0, s7  }
0xa8: {  	s13 =	sadd.s32 @!p0 s1, s7  }
0xa9: {  	s14 =	smulhi.u32 @!p0 $0x51EB851F, s13;
	_ =	sdelay $0x1  }
0xaa: {  	s14 =	sshrl.u32 @!p0 s14, $0x9  }
0xab: {  	s15 =	smul.u32 @!p0 $0xFFFFF9C0, s14;
	_ =	sdelay $0x1  }
0xac: {  	s13 =	sadd.s32 @!p0 s13, s15  }
0xad: {  	s15 =	smulhi.u32 @!p0 $0x51EB851F, s13;
	s16 =	sshra.s32 @!p0 s13, $0x1F  }
0xae: {  	s16 =	smul.u32 @!p0 $0x51EB851F, s16;
	_ =	sdelay $0x1  }
0xaf: {  	s15 =	sadd.s32 @!p0 s16, s15  }
0xb0: {  	s16 =	sshrl.u32 @!p0 s15, $0x1F;
	s15 =	sshra.s32 @!p0 s15, $0x7  }
0xb1: {  	s15 =	sadd.s32 @!p0 s16, s15  }
0xb2: {  	s16 =	smul.u32 @!p0 $0xFFFFFE70, s15  }
0xb3: {  	s4 =	ssub.s32 @!p0 $0x0, s13  }
0xb4: {  	p2 =	slt.s32 @!p0 s13, $0x1;
	p1 =	sne.s32 @!p0 s16, s4  }
0xb5: {  	p1 =	por @!p0 !p2, !p1  }
0xb6: {  	p1 =	por @!p0 !p1, !p1  }
0xb7: {  	v0 =	vadd.f32 v2, v0;
	s4 =	simm.s32 @!p0 $0x1;
	p1 =	por !p1, p0  }
0xb8: {  	v1 =	vadd.f32 v3, v1;
	s16 =	smul.u32 $0x140, s8;
	s4 =	simm.s32 @p1 $0x0  }
0xb9: {  	[tilespmem:s11+$0x8020] =	vst v4;
	v0 =	vmax.f32 v0, $0.0e+00;
	s4 =	ssub.s32 @!p0 s15, s4  }
0xba: {  	[tilespmem:s10+$0x8030] =	vst v0;
	v63 =	vmax.f32 v1, $0.0e+00;
	s8 =	sshra.s32 s16, $0x2;
	s11 =	ssub.s32 @!p0 s14, s4  }
0xbb: {  	[tilespmem:s10+$0x8020] =	vst v63;
	s8 =	sadd.s32 $0x2710, s8;
	s10 =	smul.u32 @!p0 $0x190, s11  }
0xbc: {  	[spmem:s3] =	stream.indirect.scatter.add.f32 [tilespmem:s0], [sflag:$0x6], $0x20, s8, s22, $0xb8;
	[tilespmem:$0xDA20] =	vst v63  }
0xbd: {  	s8 =	sadd.s32 @!p0 s13, s10  }
0xbe: {  	s4 =	sshll.u32 @!p0 s4, $0x5;
	s8 =	sshll.u32 @!p0 s8, $0x7  }
0xbf: {  	s4 =	sadd.s32 @!p0 s4, s8  }
.Ltmp7:
0xc0: {  	s11 =	simm.s32 @!p0 $0x5820;
	s4 =	sshrl.u32 @!p0 s4, $0x3;
	(pc) =	sbr.rel .LBB2_9-.Ltmp7, $4  }
0xc1: {  	s10 =	simm.s32 @!p0 $0x80;
	s8 =	simm.s32 @!p0 $0x20;
	s4 =	sadd.s32 @!p0 s6, s4  }
0xc2: {  	[tilespmem:s11], [sflag:$0x2] =	stream.strided.gather @!p0 [hbm4b:s4+s8], $0xA00, s10, s8, $0x38;
	[tilespmem:$0xDA20] =	vst v63  }
0xc3: {  	s4 =	simm.s32 @!p0 $0x50;
	s8 =	simm.s32 @!p0 $0x6C20  }
0xc4: {  	[tilespmem:s8], [sflag:$0x4] =	stream.indirect.gather @!p0 [hbm4b:s5+s4], $0x20, s7, s4, $0xb8;
	[tilespmem:$0xDA20] =	vst v63  }
.LBB2_11:
0xc5: {  	_ =	sfence.sel $0x180000  }
0xc6: {  	[bflag:$0x0] =	sbarrier.arrive $0xFFFF  }
0xc7: {  	_ =	strace $0x9000004D  }
0xc8: {  	s0 =	stileid.u32;
	[bflag:$0x2] =	sbarrier.arrive $0xFFFF  }
0xc9: {  	p0 =	sne.s32 s0, $0x0;
	s0 =	rddreg [dreg:$0x2]  }
0xca: {  	s0 =	sadd.s32 @!p0 $0x100000, s0  }
0xcb: {  	[sflag:s0] =	ssyncadd.tile.s32 @!p0 $0x1;
	_ =	shalt  }
.Lfunc_end2:
_tile_overlayer_lowered:
.L_overlay_start_2:
0xcc: {  	(tag) =	ssettag $0x2  }
0xcd: {  	s0 =	rddreg [dreg:$0x0];
	s2 =	stileid.u32  }
0xce: {  	s1 =	rddreg [dreg:$0x1];
	p0 =	sne.s32 s2, $0x0  }
0xcf: {  	s3 =	rddreg [dreg:$0x2];
	[bflag:$0x3] =	sbarrier.arrive $0xFFFF;
	s2 =	simm.s32 @!p0 $0x1C07  }
0xd0: {  	[timem:s3], [sflag:s2] =	dma.local @!p0 [hbm:s0], s1  }
0xd1: {  	s0 =	simm.s32 @!p0 $0x7  }
0xd2: {  	_ =	swait.ge @!p0 [sflag:s0], s1  }
0xd3: {  	s1 =	ssub.s32 @!p0 $0x0, s1;
	[sflag:s0] =	ssyncset.done @!p0 $0x0  }
0xd4: {  	[sflag:s0] =	ssyncadd.s32 @!p0 s1  }
0xd5: {  	[bflag:$0x3] =	sbarrier.arrive $0xFFFF  }
0xd6: {  	_ =	shalt  }

// kernel: kernel.9.cloned.1.call-start
scs
__scs_entry_jumppad:
0x0: {  	(pc) =	sbr.rel $0x88, $3  }
0x1: {  	(tag) =	ssettag $0x0;
	lr =	simm.s32 $0x1  }
0x2: {  	[smem:$0x3F85] =	sst lr;
	_ =	strace $0xD0000000  }
0x3: {  	_ = 	snop  }
0x4: {  	_ = 	snop  }
0x5: {  	_ = 	snop  }
0x6: {  	_ = 	snop  }
0x7: {  	_ = 	snop  }
__scs_overlays_trampoline_lowered:
0x8: {  	[smem:$0x3F94] =	sst s0  }
0x9: {  	[smem:$0x3F95] =	sst s1  }
0xa: {  	[smem:$0x3F96] =	sst s2  }
0xb: {  	[smem:$0x3F97] =	sst s3  }
0xc: {  	[smem:$0x3F98] =	sst s4  }
0xd: {  	[smem:$0x3F99] =	sst s5  }
0xe: {  	[smem:$0x3F9A] =	sst s6  }
0xf: {  	[smem:$0x3F9B] =	sst s7  }
0x10: {  	[smem:$0x3F9C] =	sst s8  }
0x11: {  	[smem:$0x3F9D] =	sst s9;
	s0 =	simm.s32 @!p0 $0x0  }
0x12: {  	s1 =	sld [smem:$0x3F83];
	s0 =	simm.s32 @p0 $0x1  }
0x13: {  	[smem:$0x3F9E] =	sst s0;
	s0 =	simm.s32 @!p1 $0x0  }
0x14: {  	s2 =	sld [smem:$0x3F82];
	s0 =	simm.s32 @p1 $0x1  }
0x15: {  	[smem:$0x3F9F] =	sst s0;
	s0 =	simm.s32 @!p2 $0x0  }
0x16: {  	s3 =	sld [smem:$0x3FDB];
	s0 =	simm.s32 @p2 $0x1  }
0x17: {  	s4 =	simm.s32 $0x1BF5;
	[smem:$0x3FA1] =	sst s0  }
0x18: {  	s0 =	sld [smem:$0x3F84];
	_ =	swait.ge [sflag:s4], $0x0  }
0x19: {  	s7 =	sld [smem:$0x3F85]  }
0x1a: {  	s8 =	sadd.s32 $0xFFFFE003, lr  }
0x1b: {  	s9 =	sadd.s32 $0xFFFFFEF7, lr;
	s5 =	simm.s32 $0xFFFFFFFF;
	p2 =	slt.u32 s8, $0xFFFFF086  }
0x1c: {  	p1 =	slt.u32 s9, $0xF7A;
	s5 =	simm.s32 @!p2 $0x0  }
0x1d: {  	s5 =	simm.s32 @p1 $0x1;
	p0 =	seq.s32 s7, s2  }
0x1e: {  	s7 =	smul.u32 @!p0 $0xF7A, s2;
	p2 =	seq.s32 @!p0 s5, $0x0  }
0x1f: {  	s9 =	smul.u32 $0xF7A, s1;
	s8 =	simm.s32 @!p0 $0x1BF5;
	p2 =	por !p2, p0  }
0x20: {  	[sflag:s8] =	ssyncset.s32 @!p0 $0xFFFFF086;
	s6 =	sadd.s32 @!p0 s3, s7;
	s7 =	simm.s32 @!p0 $0x108  }
0x21: {  	s3 =	sadd.s32 s3, s9;
	s6 =	sadd.s32 @!p0 $0x88, s6;
	s7 =	simm.s32 @p2 $0x1082  }
0x22: {  	[simem:s7], [sflag:s8] =	dma.local @!p0 [hbm:s6], $0xF7A  }
0x23: {  	s9 =	sor.u32 $0xD0000000, s2;
	s6 =	simm.s32 $0x108;
	_ =	swait.ge @!p0 [sflag:s8], $0x0  }
0x24: {  	s3 =	sadd.s32 $0x88, s3;
	s6 =	simm.s32 @!p1 $0x1082;
	[sflag:s4] =	ssyncset.s32 $0xFFFFF086  }
0x25: {  	[simem:s6], [sflag:s4] =	dma.local [hbm:s3], $0xF7A  }
0x26: {  	[smem:$0x3F85] =	sst s1;
	(tag) =	ssettag s2;
	_ =	strace s9  }
0x27: {  	s1 =	sld [smem:$0x3F95]  }
0x28: {  	s2 =	sld [smem:$0x3F96]  }
0x29: {  	s4 =	sld [smem:$0x3F98]  }
0x2a: {  	p0 =	seq.s32 s5, $0x0;
	s5 =	sld [smem:$0x3F99]  }
0x2b: {  	s6 =	sld [smem:$0x3F9A]  }
0x2c: {  	s7 =	sld [smem:$0x3F9B]  }
0x2d: {  	s3 =	simm.s32 $0x108;
	s8 =	sld [smem:$0x3F9C]  }
0x2e: {  	s3 =	simm.s32 @!p0 $0x1082;
	s9 =	sld [smem:$0x3F9D]  }
0x2f: {  	lr =	sadd.s32 s0, s3;
	s0 =	sld [smem:$0x3F94]  }
0x30: {  	s3 =	sld [smem:$0x3F97]  }
0x31: {  	[smem:$0x3FA0] =	sst s10  }
0x32: {  	s10 =	sld [smem:$0x3F9E];
	_ =	sdelay $0x3  }
0x33: {  	p0 =	seq.s32 s10, $0x1;
	s10 =	sld [smem:$0x3FA0];
	_ =	sdelay $0x3  }
0x34: {  	[smem:$0x3FA0] =	sst s10  }
0x35: {  	s10 =	sld [smem:$0x3F9F];
	_ =	sdelay $0x3  }
0x36: {  	p1 =	seq.s32 s10, $0x1;
	s10 =	sld [smem:$0x3FA0];
	_ =	sdelay $0x3  }
0x37: {  	[smem:$0x3FA0] =	sst s10  }
0x38: {  	s10 =	sld [smem:$0x3FA1]  }
0x39: {  	_ = 	snop;
	(pc) =	sbr.ind lr, $3  }
0x3a: {  	_ = 	snop  }
0x3b: {  	_ = 	snop  }
0x3c: {  	p2 =	seq.s32 s10, $0x1;
	s10 =	sld [smem:$0x3FA0]  }
0x3d: {  	_ =	shalt  }
0x3e: {  	_ =	shalt  }
0x3f: {  	_ =	shalt  }
0x40: {  	_ =	shalt  }
0x41: {  	_ =	shalt  }
0x42: {  	_ =	shalt  }
0x43: {  	_ =	shalt  }
0x44: {  	_ =	shalt  }
0x45: {  	_ =	shalt  }
0x46: {  	_ =	shalt  }
0x47: {  	_ =	shalt  }
0x48: {  	_ =	shalt  }
0x49: {  	_ =	shalt  }
0x4a: {  	_ =	shalt  }
0x4b: {  	_ =	shalt  }
0x4c: {  	_ =	shalt  }
0x4d: {  	_ =	shalt  }
0x4e: {  	_ =	shalt  }
0x4f: {  	_ =	shalt  }
0x50: {  	_ =	shalt  }
0x51: {  	_ =	shalt  }
0x52: {  	_ =	shalt  }
0x53: {  	_ =	shalt  }
0x54: {  	_ =	shalt  }
0x55: {  	_ =	shalt  }
0x56: {  	_ =	shalt  }
0x57: {  	_ =	shalt  }
0x58: {  	_ =	shalt  }
0x59: {  	_ =	shalt  }
0x5a: {  	_ =	shalt  }
0x5b: {  	_ =	shalt  }
0x5c: {  	_ =	shalt  }
0x5d: {  	_ =	shalt  }
0x5e: {  	_ =	shalt  }
0x5f: {  	_ =	shalt  }
0x60: {  	_ =	shalt  }
0x61: {  	_ =	shalt  }
0x62: {  	_ =	shalt  }
0x63: {  	_ =	shalt  }
0x64: {  	_ =	shalt  }
0x65: {  	_ =	shalt  }
0x66: {  	_ =	shalt  }
0x67: {  	_ =	shalt  }
0x68: {  	_ =	shalt  }
0x69: {  	_ =	shalt  }
0x6a: {  	_ =	shalt  }
0x6b: {  	_ =	shalt  }
0x6c: {  	_ =	shalt  }
0x6d: {  	_ =	shalt  }
0x6e: {  	_ =	shalt  }
0x6f: {  	_ =	shalt  }
0x70: {  	_ =	shalt  }
0x71: {  	_ =	shalt  }
0x72: {  	_ =	shalt  }
0x73: {  	_ =	shalt  }
0x74: {  	_ =	shalt  }
0x75: {  	_ =	shalt  }
0x76: {  	_ =	shalt  }
0x77: {  	_ =	shalt  }
0x78: {  	_ =	shalt  }
0x79: {  	_ =	shalt  }
0x7a: {  	_ =	shalt  }
0x7b: {  	_ =	shalt  }
0x7c: {  	_ =	shalt  }
0x7d: {  	_ =	shalt  }
0x7e: {  	_ =	shalt  }
0x7f: {  	_ =	shalt  }
0x80: {  	_ =	shalt  }
0x81: {  	_ =	shalt  }
0x82: {  	_ =	shalt  }
0x83: {  	_ =	shalt  }
0x84: {  	_ =	shalt  }
0x85: {  	_ =	shalt  }
0x86: {  	_ =	shalt  }
0x87: {  	_ =	shalt  }
.Lfunc_end0:
.L_simem_size_0:
called_computation_lowered:
.L_overlay_start_0:
0x88: {  	s2 =	sld [smem:$0x3FD9]  }
0x89: {  	s3 =	sld [smem:$0x3FFE];
	_ =	sdelay $0x1  }
0x8a: {  	s1 =	srdreg.scid  }
0x8b: {  	s0 =	sand.u32 $0x1, s1  }
0x8c: {  	s16 =	sshll.u32 s0, $0xA;
	s2 =	sadd.s32 s3, s2  }
0x8d: {  	s2 =	sadd.s32 s2, s16  }
0x8e: {  	[smem:$0x3FAC] =	sst s2  }
0x8f: {  	_ = 	snop  }
0x90: {  	(tm) =	ssettm $0x1  }
0x91: {  	s17 =	sld [smem:$0x3FFB];
	_ =	sdelay $0x3  }
0x92: {  	_ =	strace s17  }
0x93: {  	s2 =	sld [smem:$0x3FFC];
	_ =	sdelay $0x3  }
0x94: {  	_ =	strace s2  }
0x95: {  	s2 =	sld [smem:$0x3FFD];
	_ =	sdelay $0x3  }
0x96: {  	_ =	strace s2  }
0x97: {  	_ =	strace $0x8FFFFFFF  }
0x98: {  	s18 =	sld [smem:$0x3FDB];
	_ =	sdelay $0x1  }
0x99: {  	s19 =	simm.s32 $_scs_section_size  }
0x9a: {  	s4 =	simm.s32 $_size__tile_overlayer_lowered;
	s5 =	simm.s32 $_tile_overlayer_lowered  }
0x9b: {  	s22 =	simm.s32 $0x1BFF;
	s21 =	sshll.u32 s5, $0x1;
	s2 =	sadd.s32 s19, s18  }
0x9c: {  	s6 =	simm.s32 $0x0;
	s20 =	sshll.u32 s4, $0x1;
	s4 =	sadd.s32 s21, s2  }
0x9d: {  	[timem:s6], [sflag:s22] =	dma.local [hbm:s4], s20  }
0x9e: {  	_ =	swait.ge [sflag:s22], s20  }
0x9f: {  	s3 =	ssub.s32 $0x0, s20;
	[sflag:s22] =	ssyncset.done $0x0  }
0xa0: {  	[sflag:s22] =	ssyncadd.s32 s3;
	_ =	sdelay $0x1  }
0xa1: {  	s23 =	simm.s32 $0x1B8B  }
0xa2: {  	_ =	swait.ge [sflag:s23], $0x1  }
0xa3: {  	[sflag:s23] =	ssyncset.done $0x0  }
0xa4: {  	s25 =	simm.s32 $0x1B8E;
	s24 =	sld [smem:$0x3FFE];
	[sflag:s23] =	ssyncadd.s32 $0xFFFFFFFF  }
0xa5: {  	s26 =	simm.s32 $execute0_lowered;
	[smem:$0x3FD2] =	sst s25  }
0xa6: {  	s4 =	sshll.u32 s26, $0x1;
	_ =	strace $0x80000046;
	[dreg:$0x1] =	wrdreg $0xFFFFFFFF  }
0xa7: {  	s28 =	simm.s32 $_size_execute0_lowered;
	s2 =	sadd.s32 s2, s4;
	[dreg:$0x0] =	wrdreg $0x0  }
0xa8: {  	s4 =	sshll.u32 s28, $0x1;
	[dreg:$0x2] =	wrdreg s2  }
0xa9: {  	[dreg:$0x3] =	wrdreg s4  }
0xaa: {  	[dreg:$0x4] =	wrdreg $0xC0  }
0xab: {  	_ =	task [dreg:s6], $0x5FFFF  }
0xac: {  	[dreg:$0x1] =	wrdreg $0xFFFFFFFF  }
0xad: {  	[dreg:$0x0] =	wrdreg $0x60  }
0xae: {  	[dreg:$0x2] =	wrdreg s24  }
0xaf: {  	[dreg:$0x3] =	wrdreg $0x114400  }
0xb0: {  	[dreg:$0x4] =	wrdreg $0x9  }
0xb1: {  	_ =	task.clear_ibuf [dreg:s6], $0x5FFFF;
	_ =	strace $0x90000046  }
0xb2: {  	s29 =	simm.s32 $0x9;
	_ =	strace $0x80000048  }
0xb3: {  	_ =	swait.ge [sflag:s29], $0x1  }
0xb4: {  	[sflag:s29] =	ssyncadd.s32 $0xFFFFFFFF  }
0xb5: {  	_ =	strace $0x90000048  }
0xb6: {  	_ =	sfence  }
0xb7: {  	s30 =	sld [smem:$0x0];
	_ =	sdelay $0x2  }
0xb8: {  	s31 =	sshll.u32 s1, $0xD;
	s1 =	sshrl.u32 s1, $0x2  }
0xb9: {  	s3 =	sand.u32 $0x4000, s31;
	s1 =	sadd.s32 s1, s30  }
0xba: {  	s0 =	sor.u32 s3, s0;
	s1 =	sshll.u32 s1, $0x11  }
0xbb: {  	s0 =	sor.u32 s1, s0  }
0xbc: {  	s0 =	sadd.s32 $0x8F2B, s0  }
0xbd: {  	[sflag:s0] =	ssyncadd.remote.s32 $0x1  }
0xbe: {  	_ =	sfence.sel $0xFFFF  }
0xbf: {  	[dreg:$0x0] =	wrdreg $0xFFFFFFFF;
	(pc) =	sbr.abs _section_cstart, $3  }
0xc0: {  	[dreg:$0x1] =	wrdreg $0xFFFFFFFF  }
0xc1: {  	_ =	task.clear_ibuf [dreg:s6], $0x2FFFF;
	_ =	strace $0x9FFFFFFF  }
0xc2: {  	(tm) =	ssettm $0x7FFFFFFF  }
0xc3: {  	_ =	shalt  }
tec
execute0_lowered:
.L_overlay_start_1:
0x0: {  	(tag) =	ssettag $0x1  }
0x1: {  	s0 =	srdreg.scid;
	s20 =	stileid.u32  }
0x2: {  	s5 =	rddreg [dreg:$0x0];
	s2 =	smul.u32 $0x4E20, s20  }
0x3: {  	s3 =	rddreg [dreg:$0x1];
	s0 =	sand.u32 $0x1, s0;
	s9 =	smul.u32 $0xA000, s20  }
0x4: {  	s4 =	simm.s32 $0x0;
	s28 =	simm.s32 $0xEC40;
	s1 =	smul.u32 $0x13880, s0  }
0x5: {  	s29 =	simm.s32 $0x2;
	s30 =	simm.s32 $0x4;
	s7 =	smul.u32 $0x271000, s0  }
0x6: {  	s31 =	simm.s32 $0x10040;
	[smem:$0x7FF] =	sst s4;
	s10 =	smul.u32 $0xA0000, s0  }
0x7: {  	_ =	strace $0x80000047;
	s0 =	ssub.s32 $0x2, s0;
	s6 =	smulhi.u32 $0x28F5C3, s2  }
0x8: {  	s13 =	sshrl.u32 s2, $0x3;
	s14 =	sadd.s32 $0x50, s2;
	s16 =	sshrl.u32 s9, $0x3  }
0x9: {  	s24 =	sshrl.u32 s0, $0x1;
	s1 =	sadd.s32 s1, s5;
	s8 =	smul.u32 $0xFFFFF9C0, s6  }
0xa: {  	s15 =	sadd.s32 s7, s5;
	s13 =	sadd.s32 s13, s5;
	s21 =	smulhi.u32 $0x28F5C3, s14  }
0xb: {  	s10 =	sadd.s32 s9, s10;
	s16 =	sadd.s32 s16, s5;
	s8 =	sadd.s32 s2, s8  }
0xc: {  	s0 =	ssub.s32 s0, s24;
	s11 =	smulhi.u32 $0x51EB851F, s8;
	s12 =	sshra.s32 s8, $0x1F  }
0xd: {  	s9 =	sadd.s32 s9, s3;
	s10 =	sshrl.u32 s10, $0x3;
	s12 =	smul.u32 $0x51EB851F, s12  }
0xe: {  	[dreg:$0x3] =	wrdreg s9;
	s0 =	smax.u32 s0, $0x1;
	s17 =	smul.u32 $0xFFFFF9C0, s21  }
0xf: {  	s5 =	sadd.s32 s10, s5;
	s10 =	sadd.s32 $0x520E00, s15;
	s11 =	sadd.s32 s12, s11  }
0x10: {  	s14 =	sadd.s32 s14, s17;
	s12 =	sshrl.u32 s11, $0x1F;
	s11 =	sshra.s32 s11, $0x8  }
0x11: {  	[dreg:$0x8] =	wrdreg s0;
	s18 =	smulhi.u32 $0x51EB851F, s14;
	s11 =	sadd.s32 s12, s11  }
0x12: {  	s15 =	simm.s32 $0x7;
	s19 =	sshra.s32 s14, $0x1F;
	s12 =	smul.u32 $0xFFFFFCE0, s11  }
0x13: {  	s0 =	simm.s32 $0x6;
	s22 =	ssub.s32 $0x0, s8;
	s23 =	smul.u32 $0x51EB851F, s19  }
0x14: {  	s5 =	sadd.s32 $0x18000, s5;
	p0 =	slt.s32 s8, $0x1;
	p1 =	sne.s32 s12, s22  }
0x15: {  	s17 =	simm.s32 $0x1;
	s12 =	sadd.s32 s23, s18;
	p0 =	por !p0, !p1  }
0x16: {  	s18 =	sshrl.u32 s12, $0x1F;
	s12 =	sshra.s32 s12, $0x8;
	p0 =	por !p0, !p0  }
0x17: {  	[dreg:$0x7] =	wrdreg s5;
	s25 =	sadd.s32 s18, s12;
	s17 =	simm.s32 @!p0 $0x0  }
0x18: {  	s26 =	sadd.s32 s19, s25;
	s19 =	sadd.s32 $0x4000, s16;
	s16 =	simm.s32 $0x0  }
0x19: {  	s11 =	ssub.s32 s11, s17;
	s17 =	sshll.u32 s20, $0x6;
	s18 =	ssub.s32 s21, s26  }
0x1a: {  	[dreg:$0x4] =	wrdreg s19;
	s20 =	sadd.s32 $0x517000, s13;
	s21 =	sadd.s32 $0x50D200, s13  }
0x1b: {  	s9 =	sshll.u32 s26, $0x6;
	s19 =	simm.s32 $0x80;
	s6 =	ssub.s32 s6, s11  }
0x1c: {  	s7 =	sor.u32 $0x1C07, s17;
	s12 =	smul.u32 $0x320, s18;
	[dreg:$0x5] =	wrdreg s20  }
0x1d: {  	[dreg:$0x6] =	wrdreg s21;
	s23 =	sshll.u32 s11, $0x6;
	s6 =	smul.u32 $0x320, s6  }
0x1e: {  	s11 =	simm.s32 $0x1;
	s18 =	simm.s32 $0x40;
	s22 =	sadd.s32 s14, s12  }
0x1f: {  	s21 =	simm.s32 $0x50;
	s6 =	sadd.s32 s8, s6;
	s8 =	sshll.u32 s22, $0x7  }
.Ltmp0:
0x20: {  	s6 =	sshll.u32 s6, $0x7;
	s8 =	sadd.s32 s9, s8;
	(pc) =	sbr.rel .LBB2_1-.Ltmp0, $4  }
0x21: {  	s12 =	sadd.s32 $0x4E6000, s1;
	s6 =	sadd.s32 s23, s6;
	s24 =	sshrl.u32 s8, $0x3  }
0x22: {  	s1 =	simm.s32 $0x5;
	s6 =	sshrl.u32 s6, $0x3;
	s26 =	sadd.s32 s24, s10  }
0x23: {  	s24 =	simm.s32 $0xB040;
	s25 =	sadd.s32 s6, s10;
	[dreg:$0xa] =	wrdreg s26  }
0x24: {  	s26 =	simm.s32 $0x3;
	[dreg:$0x9] =	wrdreg s25;
	s25 =	simm.s32 $0xD840  }
.LBB2_8:
0x25: {  	_ =	swait.ge [sflag:s1], $0x1400  }
0x26: {  	[sflag:s1] =	ssyncset.done $0x0  }
0x27: {  	[sflag:s1] =	ssyncadd.s32 $0xFFFFEC00  }
0x28: {  	_ =	swait.ge [sflag:s0], $0x1400  }
0x29: {  	[sflag:s0] =	ssyncset.done $0x0  }
0x2a: {  	[sflag:s0] =	ssyncadd.s32 $0xFFFFEC00  }
0x2b: {  	[bflag:$0x0] =	sbarrier.arrive $0xFFFF  }
0x2c: {  	s5 =	rddreg [dreg:$0x7]  }
0x2d: {  	[hbm:s5], [sflag:s7] =	dma.local [spmem:s20], $0x1400  }
0x2e: {  	_ =	swait.ge [sflag:s15], $0x1400  }
0x2f: {  	s16 =	sadd.s32 $0x1, s16;
	s23 =	rddreg [dreg:$0x8]  }
0x30: {  	p0 =	sne.s32 s16, s23  }
.Ltmp1:
0x31: {  	_ = 	snop;
	(pc) =	sbr.rel @!p0 .LBB2_9-.Ltmp1, $3  }
0x32: {  	_ =	sdelay $0x1  }
0x33: {  	[sflag:s15] =	ssyncset.done $0x0  }
0x34: {  	[sflag:s15] =	ssyncadd.s32 $0xFFFFEC00  }
.LBB2_1:
0x35: {  	s5 =	rddreg [dreg:$0x3]  }
0x36: {  	s8 =	rddreg [dreg:$0x4];
	s20 =	sshrl.u32 s5, $0x3  }
0x37: {  	[spmem:s20], [sflag:s7] =	dma.local [hbm:s8], $0x1400  }
0x38: {  	_ =	swait.ge [sflag:s15], $0x1400  }
0x39: {  	[sflag:s15] =	ssyncset.done $0x0  }
0x3a: {  	s9 =	rddreg [dreg:$0x5];
	[sflag:s15] =	ssyncadd.s32 $0xFFFFEC00  }
0x3b: {  	[tilespmem:s4], [sflag:$0x7] =	stream.linear.gather [hbm4b:s9+s4], $0x4E20, $0x38;
	[tilespmem:$0x1B440] =	vst v63  }
0x3c: {  	_ =	swait.ge [sflag:s15], $0x4E20  }
0x3d: {  	[sflag:s15] =	ssyncset.done $0x0  }
0x3e: {  	s6 =	simm.s32 $0x4E20;
	s13 =	rddreg [dreg:$0x6];
	[sflag:s15] =	ssyncadd.s32 $0xFFFFB1E0  }
0x3f: {  	[tilespmem:s6], [sflag:$0x7] =	stream.linear.gather [hbm4b:s13+s4], $0x4E20, $0x38;
	[tilespmem:$0x1B440] =	vst v63  }
0x40: {  	_ =	swait.ge [sflag:s15], $0x4E20  }
0x41: {  	[sflag:s15] =	ssyncset.done $0x0  }
0x42: {  	[sflag:s15] =	ssyncadd.s32 $0xFFFFB1E0  }
0x43: {  	[bflag:$0x0] =	sbarrier.arrive $0xFFFF  }
0x44: {  	s17 =	simm.s32 $0x9C40;
	s14 =	rddreg [dreg:$0x9]  }
0x45: {  	[tilespmem:s17], [sflag:$0x1] =	stream.strided.gather [hbm4b:s14+s18], $0x1400, s19, s18, $0x38;
	[tilespmem:$0x1B440] =	vst v63  }
0x46: {  	s22 =	simm.s32 $0xC440  }
0x47: {  	[tilespmem:s22], [sflag:$0x3] =	stream.indirect.gather [hbm4b:s12+s21], $0x40, s4, s21, $0xb8;
	[tilespmem:$0x1B440] =	vst v63  }
0x48: {  	s23 =	rddreg [dreg:$0xa]  }
0x49: {  	[tilespmem:s24], [sflag:$0x2] =	stream.strided.gather [hbm4b:s23+s18], $0x1400, s19, s18, $0x38;
	[tilespmem:$0x1B440] =	vst v63  }
0x4a: {  	s22 =	simm.s32 $0x0  }
0x4b: {  	[tilespmem:s25], [sflag:$0x4] =	stream.indirect.gather [hbm4b:s12+s21], $0x40, s21, s21, $0xb8;
	[tilespmem:$0x1B440] =	vst v63  }
.LBB2_2:
0x4c: {  	_ =	swait.ge [sflag:s11], $0x1400  }
0x4d: {  	[sflag:s11] =	ssyncset.done $0x0  }
0x4e: {  	[sflag:s11] =	ssyncadd.s32 $0xFFFFEC00  }
0x4f: {  	_ =	swait.ge [sflag:s26], $0x1400  }
0x50: {  	p1 =	seq.s32 s22, $0x0;
	[sflag:s26] =	ssyncset.done $0x0  }
0x51: {  	s5 =	simm.s32 @!p1 $0x5;
	[sflag:s26] =	ssyncadd.s32 $0xFFFFEC00  }
0x52: {  	_ =	swait.ge @!p1 [sflag:s5], $0x1400  }
0x53: {  	[sflag:s5] =	ssyncset.done @!p1 $0x0  }
0x54: {  	[sflag:s5] =	ssyncadd.s32 @!p1 $0xFFFFEC00;
	s5 =	simm.s32 $0x0  }
0x55: {  	v1 =	vld [tilespmem:s5+$0xC470]  }
0x56: {  	v2 =	vld [tilespmem:s5+$0x9C70]  }
0x57: {  	v5 =	vld [tilespmem:s5+$0xC440]  }
0x58: {  	v6 =	vld [tilespmem:s5+$0x9C40]  }
0x59: {  	v3 =	vld [tilespmem:s5+$0xC450]  }
0x5a: {  	v4 =	vld [tilespmem:s5+$0x9C50]  }
0x5b: {  	v0 =	vld [tilespmem:s5+$0xC460];
	v7 =	vadd.f32 v2, v1  }
0x5c: {  	s6 =	simm.s32 $0x40;
	v2 =	vld [tilespmem:s5+$0x9C60]  }
0x5d: {  	s8 =	simm.s32 $0x200;
	v1 =	vld [tilespmem:s6+$0xC470];
	v5 =	vadd.f32 v6, v5;
	v6 =	vmax.f32 v7, $0.0e+00  }
.LBB2_3:
0x5e: {  	p0 =	sne.s32 s8, $0x4F00;
	v7 =	vld [tilespmem:s6+$0x9C70];
	[tilespmem:s5+$0xEC70] =	vst v6  }
0x5f: {  	v6 =	vld [tilespmem:s6+$0xC440];
	v5 =	vmax.f32 v5, $0.0e+00;
	v4 =	vadd.f32 v4, v3  }
0x60: {  	v8 =	vld [tilespmem:s6+$0x9C40];
	[tilespmem:s5+$0xEC40] =	vst v5  }
.Ltmp2:
0x61: {  	v3 =	vld [tilespmem:s6+$0xC450];
	v5 =	vmax.f32 v4, $0.0e+00;
	v2 =	vadd.f32 v2, v0;
	(pc) =	sbr.rel @p0 .LBB2_3-.Ltmp2, $4  }
0x62: {  	v4 =	vld [tilespmem:s6+$0x9C50];
	[tilespmem:s5+$0xEC50] =	vst v5  }
0x63: {  	v0 =	vld [tilespmem:s6+$0xC460];
	v7 =	vadd.f32 v7, v1;
	v1 =	vmax.f32 v2, $0.0e+00  }
0x64: {  	v2 =	vld [tilespmem:s6+$0x9C60];
	[tilespmem:s5+$0xEC60] =	vst v1;
	s5 =	smov.u32 s6;
	s6 =	sshra.s32 s8, $0x2  }
0x65: {  	s8 =	sadd.s32 $0x100, s8;
	v1 =	vld [tilespmem:s6+$0xC470];
	v5 =	vadd.f32 v8, v6;
	v6 =	vmax.f32 v7, $0.0e+00  }
0x66: {  	p0 =	seq.s32 s22, $0x7C  }
0x67: {  	s8 =	smul.u32 @!p0 $0xA0, s22;
	_ =	sdelay $0x1  }
0x68: {  	s8 =	sadd.s32 @!p0 $0xA0, s8  }
0x69: {  	s9 =	sadd.s32 @!p0 s2, s8  }
0x6a: {  	s13 =	smulhi.u32 @!p0 $0x51EB851F, s9;
	_ =	sdelay $0x1  }
0x6b: {  	s13 =	sshrl.u32 @!p0 s13, $0x9  }
0x6c: {  	s14 =	smul.u32 @!p0 $0xFFFFF9C0, s13;
	_ =	sdelay $0x1  }
0x6d: {  	s9 =	sadd.s32 @!p0 s9, s14  }
0x6e: {  	s14 =	smulhi.u32 @!p0 $0x51EB851F, s9;
	s17 =	sshra.s32 @!p0 s9, $0x1F  }
0x6f: {  	v7 =	vld [tilespmem:s6+$0x9C70];
	[tilespmem:s5+$0xEC70] =	vst v6;
	s17 =	smul.u32 @!p0 $0x51EB851F, s17  }
0x70: {  	v6 =	vld [tilespmem:s6+$0xC440];
	v5 =	vmax.f32 v5, $0.0e+00;
	v3 =	vadd.f32 v4, v3  }
0x71: {  	v8 =	vld [tilespmem:s6+$0x9C40];
	[tilespmem:s5+$0xEC40] =	vst v5;
	s14 =	sadd.s32 @!p0 s17, s14  }
0x72: {  	v4 =	vld [tilespmem:s6+$0xC450];
	v3 =	vmax.f32 v3, $0.0e+00;
	s17 =	sshrl.u32 @!p0 s14, $0x1F;
	s14 =	sshra.s32 @!p0 s14, $0x8  }
0x73: {  	v5 =	vld [tilespmem:s6+$0x9C50];
	[tilespmem:s5+$0xEC50] =	vst v3;
	s14 =	sadd.s32 @!p0 s17, s14  }
0x74: {  	v3 =	vld [tilespmem:s6+$0xC460];
	s17 =	smul.u32 @!p0 $0xFFFFFCE0, s14  }
0x75: {  	v9 =	vld [tilespmem:s6+$0x9C60];
	s23 =	ssub.s32 @!p0 $0x0, s9  }
0x76: {  	v0 =	vadd.f32 v2, v0;
	p3 =	slt.s32 @!p0 s9, $0x1;
	p2 =	sne.s32 @!p0 s17, s23  }
0x77: {  	v1 =	vadd.f32 v7, v1;
	p2 =	por @!p0 !p3, !p2  }
0x78: {  	v0 =	vmax.f32 v0, $0.0e+00;
	v2 =	vadd.f32 v8, v6;
	p2 =	por @!p0 !p2, !p2  }
0x79: {  	[tilespmem:s5+$0xEC60] =	vst v0;
	s5 =	simm.s32 @!p0 $0x1;
	v0 =	vmax.f32 v1, $0.0e+00;
	v1 =	vadd.f32 v5, v4;
	p2 =	por !p2, p0  }
0x7a: {  	[tilespmem:s6+$0xEC70] =	vst v0;
	v0 =	vmax.f32 v2, $0.0e+00;
	v2 =	vadd.f32 v9, v3;
	s23 =	smul.u32 $0x280, s22;
	s5 =	simm.s32 @p2 $0x0  }
0x7b: {  	[tilespmem:s6+$0xEC40] =	vst v0;
	v0 =	vmax.f32 v1, $0.0e+00;
	s14 =	ssub.s32 @!p0 s14, s5  }
0x7c: {  	[tilespmem:s6+$0xEC50] =	vst v0;
	v0 =	vmax.f32 v2, $0.0e+00;
	s5 =	sshra.s32 s23, $0x2;
	s13 =	ssub.s32 @!p0 s13, s14  }
0x7d: {  	[tilespmem:s6+$0xEC60] =	vst v0;
	s23 =	sadd.s32 $0x4E20, s5;
	s13 =	smul.u32 @!p0 $0x320, s13  }
0x7e: {  	[spmem:s3] =	stream.indirect.scatter.add.f32 [tilespmem:s28], [sflag:$0x5], $0x40, s23, s21, $0xb8;
	[tilespmem:$0x1B440] =	vst v63  }
0x7f: {  	s6 =	sadd.s32 @!p0 s9, s13  }
0x80: {  	s9 =	sshll.u32 @!p0 s14, $0x6;
	s6 =	sshll.u32 @!p0 s6, $0x7  }
0x81: {  	s6 =	sadd.s32 @!p0 s9, s6  }
0x82: {  	s13 =	simm.s32 @!p0 $0x80;
	s6 =	sshrl.u32 @!p0 s6, $0x3  }
0x83: {  	s14 =	simm.s32 @!p0 $0x9C40;
	s9 =	simm.s32 @!p0 $0x40;
	s6 =	sadd.s32 @!p0 s10, s6  }
0x84: {  	[tilespmem:s14], [sflag:$0x1] =	stream.strided.gather @!p0 [hbm4b:s6+s9], $0x1400, s13, s9, $0x38;
	[tilespmem:$0x1B440] =	vst v63  }
0x85: {  	s6 =	simm.s32 @!p0 $0x50;
	s9 =	simm.s32 @!p0 $0xC440  }
0x86: {  	[tilespmem:s9], [sflag:$0x3] =	stream.indirect.gather @!p0 [hbm4b:s12+s6], $0x40, s8, s6, $0xb8;
	[tilespmem:$0x1B440] =	vst v63  }
0x87: {  	_ =	swait.ge [sflag:s29], $0x1400  }
0x88: {  	[sflag:s29] =	ssyncset.done $0x0  }
0x89: {  	[sflag:s29] =	ssyncadd.s32 $0xFFFFEC00  }
0x8a: {  	_ =	swait.ge [sflag:s30], $0x1400  }
0x8b: {  	[sflag:s30] =	ssyncset.done $0x0  }
0x8c: {  	s6 =	simm.s32 @!p1 $0x6;
	[sflag:s30] =	ssyncadd.s32 $0xFFFFEC00  }
0x8d: {  	_ =	swait.ge @!p1 [sflag:s6], $0x1400  }
0x8e: {  	[sflag:s6] =	ssyncset.done @!p1 $0x0  }
0x8f: {  	s8 =	simm.s32 $0x0;
	[sflag:s6] =	ssyncadd.s32 @!p1 $0xFFFFEC00  }
0x90: {  	v2 =	vld [tilespmem:s8+$0xD870]  }
0x91: {  	v3 =	vld [tilespmem:s8+$0xB070]  }
0x92: {  	v5 =	vld [tilespmem:s8+$0xD840]  }
0x93: {  	v6 =	vld [tilespmem:s8+$0xB040]  }
0x94: {  	v1 =	vld [tilespmem:s8+$0xD850]  }
0x95: {  	v4 =	vld [tilespmem:s8+$0xB050]  }
0x96: {  	v0 =	vld [tilespmem:s8+$0xD860];
	v7 =	vadd.f32 v3, v2  }
0x97: {  	s6 =	simm.s32 $0x40;
	v3 =	vld [tilespmem:s8+$0xB060]  }
0x98: {  	s9 =	simm.s32 $0x200;
	v2 =	vld [tilespmem:s6+$0xD870];
	v5 =	vadd.f32 v6, v5;
	v6 =	vmax.f32 v7, $0.0e+00  }
.LBB2_5:
0x99: {  	p1 =	sne.s32 s9, $0x4F00;
	v7 =	vld [tilespmem:s6+$0xB070];
	[tilespmem:s8+$0x10070] =	vst v6  }
0x9a: {  	v6 =	vld [tilespmem:s6+$0xD840];
	v5 =	vmax.f32 v5, $0.0e+00;
	v4 =	vadd.f32 v4, v1  }
0x9b: {  	v8 =	vld [tilespmem:s6+$0xB040];
	[tilespmem:s8+$0x10040] =	vst v5  }
.Ltmp3:
0x9c: {  	v1 =	vld [tilespmem:s6+$0xD850];
	v5 =	vmax.f32 v4, $0.0e+00;
	v3 =	vadd.f32 v3, v0;
	(pc) =	sbr.rel @p1 .LBB2_5-.Ltmp3, $4  }
0x9d: {  	v4 =	vld [tilespmem:s6+$0xB050];
	[tilespmem:s8+$0x10050] =	vst v5  }
0x9e: {  	v0 =	vld [tilespmem:s6+$0xD860];
	v7 =	vadd.f32 v7, v2;
	v2 =	vmax.f32 v3, $0.0e+00  }
0x9f: {  	v3 =	vld [tilespmem:s6+$0xB060];
	[tilespmem:s8+$0x10060] =	vst v2;
	s8 =	smov.u32 s6;
	s6 =	sshra.s32 s9, $0x2  }
0xa0: {  	s9 =	sadd.s32 $0x100, s9;
	v2 =	vld [tilespmem:s6+$0xD870];
	v5 =	vadd.f32 v8, v6;
	v6 =	vmax.f32 v7, $0.0e+00  }
0xa1: {  	v7 =	vld [tilespmem:s6+$0xB070];
	[tilespmem:s8+$0x10070] =	vst v6  }
0xa2: {  	v6 =	vld [tilespmem:s6+$0xD840];
	v5 =	vmax.f32 v5, $0.0e+00;
	v1 =	vadd.f32 v4, v1  }
0xa3: {  	v8 =	vld [tilespmem:s6+$0xB040];
	[tilespmem:s8+$0x10040] =	vst v5  }
0xa4: {  	v57 =	vld [tilespmem:s6+$0xD850];
	v1 =	vmax.f32 v1, $0.0e+00  }
0xa5: {  	v5 =	vld [tilespmem:s6+$0xB050];
	[tilespmem:s8+$0x10050] =	vst v1  }
0xa6: {  	v1 =	vld [tilespmem:s6+$0xD860]  }
0xa7: {  	v9 =	vld [tilespmem:s6+$0xB060]  }
0xa8: {  	v0 =	vadd.f32 v3, v0  }
0xa9: {  	v2 =	vadd.f32 v7, v2  }
0xaa: {  	v0 =	vmax.f32 v0, $0.0e+00;
	v58 =	vadd.f32 v8, v6  }
0xab: {  	[tilespmem:s8+$0x10060] =	vst v0;
	v59 =	vmax.f32 v2, $0.0e+00;
	v60 =	vadd.f32 v5, v57  }
.Ltmp4:
0xac: {  	[tilespmem:s6+$0x10070] =	vst v59;
	v61 =	vmax.f32 v58, $0.0e+00;
	v1 =	vadd.f32 v9, v1;
	(pc) =	sbr.rel @p0 .LBB2_8-.Ltmp4, $4  }
0xad: {  	[tilespmem:s6+$0x10040] =	vst v61;
	v62 =	vmax.f32 v60, $0.0e+00  }
0xae: {  	[tilespmem:s6+$0x10050] =	vst v62;
	v63 =	vmax.f32 v1, $0.0e+00  }
0xaf: {  	s5 =	sadd.s32 $0x4E70, s5;
	[tilespmem:s6+$0x10060] =	vst v63  }
0xb0: {  	[spmem:s3] =	stream.indirect.scatter.add.f32 [tilespmem:s31], [sflag:$0x6], $0x40, s5, s21, $0xb8;
	[tilespmem:$0x1B440] =	vst v63  }
0xb1: {  	s5 =	smul.u32 $0xA0, s22;
	_ =	sdelay $0x1  }
0xb2: {  	s5 =	sadd.s32 $0xF0, s5  }
0xb3: {  	s6 =	sadd.s32 s2, s5  }
0xb4: {  	s8 =	smulhi.u32 $0x51EB851F, s6;
	_ =	sdelay $0x1  }
0xb5: {  	s8 =	sshrl.u32 s8, $0x9  }
0xb6: {  	s9 =	smul.u32 $0xFFFFF9C0, s8;
	_ =	sdelay $0x1  }
0xb7: {  	s6 =	sadd.s32 s6, s9  }
0xb8: {  	s9 =	smulhi.u32 $0x51EB851F, s6;
	s13 =	sshra.s32 s6, $0x1F  }
0xb9: {  	s14 =	smul.u32 $0x51EB851F, s13;
	_ =	sdelay $0x1  }
0xba: {  	s9 =	sadd.s32 s14, s9  }
0xbb: {  	s14 =	sshrl.u32 s9, $0x1F;
	s9 =	sshra.s32 s9, $0x8  }
0xbc: {  	s9 =	sadd.s32 s14, s9  }
0xbd: {  	s9 =	sadd.s32 s13, s9  }
0xbe: {  	s8 =	ssub.s32 s8, s9  }
0xbf: {  	s8 =	smul.u32 $0x320, s8;
	_ =	sdelay $0x1  }
0xc0: {  	s6 =	sadd.s32 s6, s8  }
0xc1: {  	s23 =	sshll.u32 s9, $0x6;
	s6 =	sshll.u32 s6, $0x7  }
0xc2: {  	s6 =	sadd.s32 s23, s6  }
.Ltmp5:
0xc3: {  	s6 =	sshrl.u32 s6, $0x3;
	(pc) =	sbr.rel .LBB2_2-.Ltmp5, $4  }
0xc4: {  	s6 =	sadd.s32 s10, s6  }
0xc5: {  	[tilespmem:s24], [sflag:$0x2] =	stream.strided.gather [hbm4b:s6+s18], $0x1400, s19, s18, $0x38;
	[tilespmem:$0x1B440] =	vst v63  }
0xc6: {  	s22 =	sadd.s32 $0x1, s22  }
0xc7: {  	[tilespmem:s25], [sflag:$0x4] =	stream.indirect.gather [hbm4b:s12+s21], $0x40, s5, s21, $0xb8;
	[tilespmem:$0x1B440] =	vst v63  }
.LBB2_9:
0xc8: {  	_ =	sfence.sel $0x180000  }
0xc9: {  	[bflag:$0x0] =	sbarrier.arrive $0xFFFF  }
0xca: {  	_ =	strace $0x90000047  }
0xcb: {  	s0 =	stileid.u32;
	[bflag:$0x2] =	sbarrier.arrive $0xFFFF  }
0xcc: {  	p0 =	sne.s32 s0, $0x0;
	s0 =	rddreg [dreg:$0x2]  }
0xcd: {  	s0 =	sadd.s32 @!p0 $0x100000, s0  }
0xce: {  	[sflag:s0] =	ssyncadd.tile.s32 @!p0 $0x1;
	_ =	shalt  }
.Lfunc_end2:
_tile_overlayer_lowered:
.L_overlay_start_2:
0xcf: {  	(tag) =	ssettag $0x2  }
0xd0: {  	s0 =	rddreg [dreg:$0x0];
	s2 =	stileid.u32  }
0xd1: {  	s1 =	rddreg [dreg:$0x1];
	p0 =	sne.s32 s2, $0x0  }
0xd2: {  	s3 =	rddreg [dreg:$0x2];
	[bflag:$0x3] =	sbarrier.arrive $0xFFFF;
	s2 =	simm.s32 @!p0 $0x1C07  }
0xd3: {  	[timem:s3], [sflag:s2] =	dma.local @!p0 [hbm:s0], s1  }
0xd4: {  	s0 =	simm.s32 @!p0 $0x7  }
0xd5: {  	_ =	swait.ge @!p0 [sflag:s0], s1  }
0xd6: {  	s1 =	ssub.s32 @!p0 $0x0, s1;
	[sflag:s0] =	ssyncset.done @!p0 $0x0  }
0xd7: {  	[sflag:s0] =	ssyncadd.s32 @!p0 s1  }
0xd8: {  	[bflag:$0x3] =	sbarrier.arrive $0xFFFF  }
0xd9: {  	_ =	shalt  }

</sc_bundles>
